<compile_context>
chip_gen: v7x
topology: tpu7x:2x2x1
jax: 0.10.2.dev20260603
libtpu: 0.0.44.dev20260713+nightly
codegen_flags: <defaults>
</compile_context>

<pallas_src>
import functools

import jax
import jax.numpy as jnp
from jax import lax
from jax.experimental import pallas as pl
from jax.experimental.pallas import tpu as pltpu
from jax.experimental.pallas import tpu_sc as plsc

N = 10000
E = 320000
D_IN = 128
D_H = 256
EPS = 1e-5

NC = 2
NT = 16
CH = 128
CPT = 160
E_PER_TILE = CPT * CH
E_PAD = NT * E_PER_TILE
MCH = 32
STG = CPT // MCH
IPAIRS = (MCH - 2) // 2
NP = 10112
RPT = NP // NT
CPT2 = CPT // 2
MCH2 = 16
STG2 = CPT2 // MCH2
IPAIRS2 = (MCH2 - 2) // 2
BM = 2000
GM = N // BM

_mesh = plsc.VectorSubcoreMesh(
    core_axis_name="c", subcore_axis_name="s", num_cores=NC, num_subcores=NT)

F32 = jnp.float32



NR = NP // 128


@functools.partial(
    pl.kernel,
    out_type=jax.ShapeDtypeStruct((NR, 128), F32),
    mesh=_mesh,
    scratch_types=[
        pltpu.VMEM((CPT, CH), jnp.int32),
        pltpu.VMEM((NR, 128), F32),
        pltpu.VMEM((NR,), jnp.int32),
        pltpu.VMEM_SHARED((NR, 128), F32),
    ],
    compiler_params=pltpu.CompilerParams(needs_layout_passes=False),
)
def _sc_degree(dst2d, zeros79, iota79, out, dst_v, hist_v, iota_v, acc):
    c = lax.axis_index("c")
    s = lax.axis_index("s")

    @pl.when(c == 0)
    def _():
        pltpu.sync_copy(zeros79, hist_v)
        pltpu.sync_copy(iota79, iota_v)
        pltpu.sync_copy(dst2d.at[pl.ds(s * CPT, CPT)], dst_v)

        @pl.when(s == 0)
        def _():
            pltpu.sync_copy(zeros79, acc)

        ones = jnp.full((16,), 1.0, F32)

        @pl.loop(0, CPT)
        def _(g):
            for j in range(8):
                idx = dst_v[g, pl.ds(j * 16, 16)]
                r = lax.shift_right_logical(idx, 7)
                col = lax.bitwise_and(idx, 127)
                plsc.addupdate_scatter(hist_v, [r, col], ones)

        plsc.subcore_barrier()
        pltpu.sync_copy(hist_v, acc.at[iota_v], add=True)
        plsc.subcore_barrier()

        @pl.when(s == 0)
        def _():
            pltpu.sync_copy(acc, out)


@functools.partial(
    pl.kernel,
    out_type=jax.ShapeDtypeStruct((NC * NP, 128), F32),
    mesh=_mesh,
    scratch_types=[
        pltpu.VMEM((MCH, CH), jnp.int32),
        pltpu.VMEM((MCH, CH), jnp.int32),
        pltpu.VMEM((2, CH, 128), F32),
        pltpu.VMEM_SHARED((NP, 128), F32),
        pltpu.SemaphoreType.DMA,
        pltpu.SemaphoreType.DMA,
    ],
)
def _sc_aggregate(hcat, srcboth, dst2d, zeros128, out,
                  src_v, dst_v, rows_v, acc, sem0, sem1):
    c = lax.axis_index("c")
    s = lax.axis_index("s")
    rs = pl.ds(s * RPT, RPT)
    pltpu.sync_copy(zeros128.at[rs], acc.at[rs])
    plsc.subcore_barrier()

    @pl.loop(0, STG)
    def _(t):
        base = s * CPT + t * MCH
        pltpu.sync_copy(srcboth.at[pl.ds(c * (E_PAD // CH) + base, MCH)], src_v)
        pltpu.sync_copy(dst2d.at[pl.ds(base, MCH)], dst_v)
        pltpu.async_copy(hcat.at[src_v.at[0]], rows_v.at[0], sem0)

        @pl.loop(0, IPAIRS)
        def _(it):
            g0 = it * 2
            g1 = g0 + 1
            g2 = g0 + 2
            pltpu.make_async_copy(
                hcat.at[src_v.at[g0]], rows_v.at[0], sem0).wait()
            pltpu.async_copy(hcat.at[src_v.at[g1]], rows_v.at[1], sem1)
            pltpu.sync_copy(rows_v.at[0], acc.at[dst_v.at[g0]], add=True)
            pltpu.make_async_copy(
                hcat.at[src_v.at[g1]], rows_v.at[1], sem1).wait()
            pltpu.async_copy(hcat.at[src_v.at[g2]], rows_v.at[0], sem0)
            pltpu.sync_copy(rows_v.at[1], acc.at[dst_v.at[g1]], add=True)

        pltpu.make_async_copy(
            hcat.at[src_v.at[MCH - 2]], rows_v.at[0], sem0).wait()
        pltpu.async_copy(hcat.at[src_v.at[MCH - 1]], rows_v.at[1], sem1)
        pltpu.sync_copy(rows_v.at[0], acc.at[dst_v.at[MCH - 2]], add=True)
        pltpu.make_async_copy(
            hcat.at[src_v.at[MCH - 1]], rows_v.at[1], sem1).wait()
        pltpu.sync_copy(rows_v.at[1], acc.at[dst_v.at[MCH - 1]], add=True)

    plsc.subcore_barrier()
    pltpu.sync_copy(acc.at[rs], out.at[pl.ds(c * NP + s * RPT, RPT)])


@functools.partial(
    pl.kernel,
    out_type=jax.ShapeDtypeStruct((NC * NP, 128), F32),
    mesh=_mesh,
    scratch_types=[
        pltpu.VMEM((MCH2, CH), jnp.int32),
        pltpu.VMEM((MCH2, CH), jnp.int32),
        pltpu.VMEM((2, CH, 128), F32),
        pltpu.VMEM_SHARED((NP, 128), F32),
        pltpu.SemaphoreType.DMA,
        pltpu.SemaphoreType.DMA,
    ],
)
def _sc_aggregate_half(xs, src2d, dst2d, zeros128, out,
                       src_v, dst_v, rows_v, acc, sem0, sem1):
    c = lax.axis_index("c")
    s = lax.axis_index("s")
    rs = pl.ds(s * RPT, RPT)
    pltpu.sync_copy(zeros128.at[rs], acc.at[rs])
    plsc.subcore_barrier()

    @pl.loop(0, STG2)
    def _(t):
        base = c * (E_PAD // CH // 2) + s * CPT2 + t * MCH2
        pltpu.sync_copy(src2d.at[pl.ds(base, MCH2)], src_v)
        pltpu.sync_copy(dst2d.at[pl.ds(base, MCH2)], dst_v)
        pltpu.async_copy(xs.at[src_v.at[0]], rows_v.at[0], sem0)

        @pl.loop(0, IPAIRS2)
        def _(it):
            g0 = it * 2
            g1 = g0 + 1
            g2 = g0 + 2
            pltpu.make_async_copy(
                xs.at[src_v.at[g0]], rows_v.at[0], sem0).wait()
            pltpu.async_copy(xs.at[src_v.at[g1]], rows_v.at[1], sem1)
            pltpu.sync_copy(rows_v.at[0], acc.at[dst_v.at[g0]], add=True)
            pltpu.make_async_copy(
                xs.at[src_v.at[g1]], rows_v.at[1], sem1).wait()
            pltpu.async_copy(xs.at[src_v.at[g2]], rows_v.at[0], sem0)
            pltpu.sync_copy(rows_v.at[1], acc.at[dst_v.at[g1]], add=True)

        pltpu.make_async_copy(
            xs.at[src_v.at[MCH2 - 2]], rows_v.at[0], sem0).wait()
        pltpu.async_copy(xs.at[src_v.at[MCH2 - 1]], rows_v.at[1], sem1)
        pltpu.sync_copy(rows_v.at[0], acc.at[dst_v.at[MCH2 - 2]], add=True)
        pltpu.make_async_copy(
            xs.at[src_v.at[MCH2 - 1]], rows_v.at[1], sem1).wait()
        pltpu.sync_copy(rows_v.at[1], acc.at[dst_v.at[MCH2 - 1]], add=True)

    plsc.subcore_barrier()
    pltpu.sync_copy(acc.at[rs], out.at[pl.ds(c * NP + s * RPT, RPT)])



def _dinv_of(deg_ref):
    return lax.rsqrt(deg_ref[...][:, 0:1] + 1.0)


def _xscale_body(x_ref, deg_ref, o_ref):
    o_ref[...] = x_ref[...] * _dinv_of(deg_ref)


def _xscale(x, deg16):
    return pl.pallas_call(
        _xscale_body,
        grid=(GM,),
        in_specs=[
            pl.BlockSpec((BM, D_IN), lambda i: (i, 0)),
            pl.BlockSpec((BM, 8), lambda i: (i, 0)),
        ],
        out_specs=pl.BlockSpec((BM, D_IN), lambda i: (i, 0)),
        out_shape=jax.ShapeDtypeStruct((N, D_IN), F32),
    )(x, deg16)


def _z1stats_body(p0_ref, p1_ref, xs_ref, deg_ref, w_ref, b_ref,
                  z_ref, st_ref):
    i = pl.program_id(0)
    t = _dinv_of(deg_ref) * (p0_ref[...] + p1_ref[...] + xs_ref[...])
    z = lax.dot_general(t, w_ref[...], (((1,), (1,)), ((), ())),
                        preferred_element_type=F32,
                        precision=lax.Precision.HIGHEST) + b_ref[...]
    z_ref[...] = z
    upd = jnp.concatenate(
        [jnp.sum(z, axis=0, keepdims=True),
         jnp.sum(z * z, axis=0, keepdims=True)], axis=0)

    @pl.when(i == 0)
    def _():
        st_ref[...] = upd

    @pl.when(i != 0)
    def _():
        st_ref[...] = st_ref[...] + upd


def _z1stats(p0, p1, xs, deg16, w, b):
    return pl.pallas_call(
        _z1stats_body,
        grid=(GM,),
        in_specs=[
            pl.BlockSpec((BM, 128), lambda i: (i, 0)),
            pl.BlockSpec((BM, 128), lambda i: (i, 0)),
            pl.BlockSpec((BM, D_IN), lambda i: (i, 0)),
            pl.BlockSpec((BM, 8), lambda i: (i, 0)),
            pl.BlockSpec((D_H, D_IN), lambda i: (0, 0)),
            pl.BlockSpec((1, D_H), lambda i: (0, 0)),
        ],
        out_specs=[
            pl.BlockSpec((BM, D_H), lambda i: (i, 0)),
            pl.BlockSpec((2, D_H), lambda i: (0, 0)),
        ],
        out_shape=[
            jax.ShapeDtypeStruct((N, D_H), F32),
            jax.ShapeDtypeStruct((2, D_H), F32),
        ],
    )(p0, p1, xs, deg16, w, b)


def _zstats_body(alo_ref, ahi_ref, hlo_ref, hhi_ref, deg_ref, b_ref,
                 z_ref, st_ref):
    i = pl.program_id(0)
    agg = jnp.concatenate([alo_ref[...], ahi_ref[...]], axis=1)
    hs = jnp.concatenate([hlo_ref[...], hhi_ref[...]], axis=1)
    z = _dinv_of(deg_ref) * (agg + hs) + b_ref[...]
    z_ref[...] = z
    upd = jnp.concatenate(
        [jnp.sum(z, axis=0, keepdims=True),
         jnp.sum(z * z, axis=0, keepdims=True)], axis=0)

    @pl.when(i == 0)
    def _():
        st_ref[...] = upd

    @pl.when(i != 0)
    def _():
        st_ref[...] = st_ref[...] + upd


def _zstats(agg_lo, agg_hi, hcat, deg16, b):
    return pl.pallas_call(
        _zstats_body,
        grid=(GM,),
        in_specs=[
            pl.BlockSpec((BM, 128), lambda i: (i, 0)),
            pl.BlockSpec((BM, 128), lambda i: (i, 0)),
            pl.BlockSpec((BM, 128), lambda i: (i, 0)),
            pl.BlockSpec((BM, 128), lambda i: (GM + i, 0)),
            pl.BlockSpec((BM, 8), lambda i: (i, 0)),
            pl.BlockSpec((1, D_H), lambda i: (0, 0)),
        ],
        out_specs=[
            pl.BlockSpec((BM, D_H), lambda i: (i, 0)),
            pl.BlockSpec((2, D_H), lambda i: (0, 0)),
        ],
        out_shape=[
            jax.ShapeDtypeStruct((N, D_H), F32),
            jax.ShapeDtypeStruct((2, D_H), F32),
        ],
    )(agg_lo, agg_hi, hcat, hcat, deg16, b)


def _norm_prelu(z_ref, st_ref, g_ref, be_ref, a_ref):
    st = st_ref[...]
    cnt = float(N * D_H)
    mean = jnp.sum(st[0:1, :]) / cnt
    var = jnp.sum(st[1:2, :]) / cnt - mean * mean
    rstd = lax.rsqrt(var + EPS)
    zn = (z_ref[...] - mean) * rstd * g_ref[...] + be_ref[...]
    a = a_ref[0, 0]
    return jnp.maximum(zn, 0.0) + a * jnp.minimum(zn, 0.0)


def _np_mm_body(z_ref, st_ref, g_ref, be_ref, a_ref, w_ref, deg_ref, o_ref):
    h = _norm_prelu(z_ref, st_ref, g_ref, be_ref, a_ref)
    hh = lax.dot_general(h, w_ref[...], (((1,), (1,)), ((), ())),
                         preferred_element_type=F32,
                         precision=lax.Precision.HIGHEST)
    o_ref[...] = hh * _dinv_of(deg_ref)


def _np_mm(z, st, g, be, a, w, deg16):
    return pl.pallas_call(
        _np_mm_body,
        grid=(GM, 2),
        in_specs=[
            pl.BlockSpec((BM, D_H), lambda i, j: (i, 0)),
            pl.BlockSpec((2, D_H), lambda i, j: (0, 0)),
            pl.BlockSpec((1, D_H), lambda i, j: (0, 0)),
            pl.BlockSpec((1, D_H), lambda i, j: (0, 0)),
            pl.BlockSpec((1, 1), lambda i, j: (0, 0)),
            pl.BlockSpec((128, D_H), lambda i, j: (j, 0)),
            pl.BlockSpec((BM, 8), lambda i, j: (i, 0)),
        ],
        out_specs=pl.BlockSpec((BM, 128), lambda i, j: (j * GM + i, 0)),
        out_shape=jax.ShapeDtypeStruct((2 * N, 128), F32),
    )(z, st, g, be, a, w, deg16)


def _final_body(z_ref, st_ref, g_ref, be_ref, a_ref, o_ref):
    o_ref[...] = _norm_prelu(z_ref, st_ref, g_ref, be_ref, a_ref)


def _final(z, st, g, be, a):
    return pl.pallas_call(
        _final_body,
        grid=(GM,),
        in_specs=[
            pl.BlockSpec((BM, D_H), lambda i: (i, 0)),
            pl.BlockSpec((2, D_H), lambda i: (0, 0)),
            pl.BlockSpec((1, D_H), lambda i: (0, 0)),
            pl.BlockSpec((1, D_H), lambda i: (0, 0)),
            pl.BlockSpec((1, 1), lambda i: (0, 0)),
        ],
        out_specs=pl.BlockSpec((BM, D_H), lambda i: (i, 0)),
        out_shape=jax.ShapeDtypeStruct((N, D_H), F32),
    )(z, st, g, be, a)



def kernel(x, edge_index, W1, b1, g1, be1, a1, W2, b2, g2, be2, a2):
    src = edge_index[0]
    dst = edge_index[1]
    npad = E_PAD - E
    src_p = jnp.concatenate([src, jnp.zeros((npad,), jnp.int32)])
    dst_p = jnp.concatenate([dst, jnp.full((npad,), N, jnp.int32)])
    dst2d = dst_p.reshape(E_PAD // CH, CH)
    src2d = src_p.reshape(E_PAD // CH, CH)
    srcboth = jnp.concatenate([src_p, src_p + N]).reshape(NC * (E_PAD // CH), CH)

    zeros128 = jnp.zeros((NP, 128), F32)
    zeros79 = jnp.zeros((NR, 128), F32)
    iota79 = jnp.arange(NR, dtype=jnp.int32)

    deg_flat = _sc_degree(dst2d, zeros79, iota79).reshape(NP)[:N]
    deg16 = jnp.broadcast_to(deg_flat[:, None], (N, 8))

    b1r, g1r, be1r = b1.reshape(1, D_H), g1.reshape(1, D_H), be1.reshape(1, D_H)
    b2r, g2r, be2r = b2.reshape(1, D_H), g2.reshape(1, D_H), be2.reshape(1, D_H)
    a1r, a2r = a1.reshape(1, 1), a2.reshape(1, 1)

    xs = _xscale(x, deg16)
    aggx = _sc_aggregate_half(xs, src2d, dst2d, zeros128)
    z1, st1 = _z1stats(aggx[0:N], aggx[NP:NP + N], xs, deg16, W1, b1r)
    h2s = _np_mm(z1, st1, g1r, be1r, a1r, W2, deg16)
    agg2 = _sc_aggregate(h2s, srcboth, dst2d, zeros128)
    z2, st2 = _zstats(agg2[0:N], agg2[NP:NP + N], h2s, deg16, b2r)
    return _final(z2, st2, g2r, be2r, a2r)

# --- scband reference (transcript-rebuilt; emitter-appended) ---
"""Pipeline reference for scband-gcn-824633721718 (READ-ONLY COPY).

The authoritative reference and input builder live on the scoring server;
editing this copy changes nothing except your own understanding.
"""

import jax, jax.numpy as jnp
import numpy as np

N = 10000
E = 320000
D_IN = 128
D_H = 256
EPS = 1e-5


def setup_inputs(seed: int = 0) -> dict:
    key = jax.random.key(seed)
    ks = jax.random.split(key, 12)
    x = jax.random.normal(ks[0], (N, D_IN), dtype=jnp.float32)
    edge_index = jax.random.randint(ks[1], (2, E), 0, N, dtype=jnp.int32)
    s1 = float(np.sqrt(2.0 / (D_IN + D_H)))
    s2 = float(np.sqrt(2.0 / (D_H + D_H)))
    W1 = jax.random.normal(ks[2], (D_H, D_IN), dtype=jnp.float32) * s1
    b1 = jnp.zeros((D_H,), dtype=jnp.float32)
    g1 = jnp.ones((D_H,), dtype=jnp.float32)
    be1 = jnp.zeros((D_H,), dtype=jnp.float32)
    a1 = jnp.array(0.25, dtype=jnp.float32)
    W2 = jax.random.normal(ks[3], (D_H, D_H), dtype=jnp.float32) * s2
    b2 = jnp.zeros((D_H,), dtype=jnp.float32)
    g2 = jnp.ones((D_H,), dtype=jnp.float32)
    be2 = jnp.zeros((D_H,), dtype=jnp.float32)
    a2 = jnp.array(0.25, dtype=jnp.float32)
    return {"x": x, "edge_index": edge_index, "W1": W1, "b1": b1, "g1": g1, "be1": be1, "a1": a1, "W2": W2, "b2": b2, "g2": g2, "be2": be2, "a2": a2}


def gcn_conv(x, src, dst, norm, W, b):
    # PyG GCNConv: h = x @ W.T; aggregate normalized messages; add bias
    h = x @ W.T
    msg = h[src] * norm[:, None]
    out = jnp.zeros((x.shape[0], W.shape[0]), dtype=x.dtype).at[dst].add(msg)
    return out + b


def graph_layernorm(x, gamma, beta):
    # PyG LayerNorm with mode='graph': normalize over all nodes and features
    mean = jnp.mean(x)
    out = x - mean
    var = jnp.mean(out * out)
    out = out / jnp.sqrt(var + EPS)
    return out * gamma + beta


def prelu(x, a):
    return jnp.maximum(x, 0.0) + a * jnp.minimum(x, 0.0)


def reference(x, edge_index, W1, b1, g1, be1, a1, W2, b2, g2, be2, a2):
    n = x.shape[0]
    loops = jnp.arange(n, dtype=edge_index.dtype)
    src = jnp.concatenate([edge_index[0], loops])
    dst = jnp.concatenate([edge_index[1], loops])
    deg = jnp.zeros((n,), dtype=x.dtype).at[dst].add(1.0)
    dinv = deg ** -0.5
    norm = dinv[src] * dinv[dst]
    h = gcn_conv(x, src, dst, norm, W1, b1)
    h = graph_layernorm(h, g1, be1)
    h = prelu(h, a1)
    h = gcn_conv(h, src, dst, norm, W2, b2)
    h = graph_layernorm(h, g2, be2)
    h = prelu(h, a2)
    return h

if __name__ == "__main__":
    import jax
    _d = setup_inputs()
    print(jax.jit(kernel)(*tuple(_d.values())))

</pallas_src>

<mosaic_0001>
#map = affine_map<(d0, d1) -> (0, 0)>
module attributes {stable_mosaic.version = 14 : i64} {
  func.func @_sc_aggregate(%arg0: i32, %arg1: i32, %arg2: memref<20000x128xf32, #tpu.memory_space<hbm>>, %arg3: memref<5120x128xi32, #tpu.memory_space<hbm>>, %arg4: memref<2560x128xi32, #tpu.memory_space<hbm>>, %arg5: memref<10112x128xf32, #tpu.memory_space<hbm>>, %arg6: memref<20224x128xf32, #tpu.memory_space<hbm>>, %arg7: memref<32x128xi32, #tpu.memory_space<vmem>>, %arg8: memref<32x128xi32, #tpu.memory_space<vmem>>, %arg9: memref<2x128x128xf32, #tpu.memory_space<vmem>>, %arg10: memref<10112x128xf32, #tpu.memory_space<vmem_shared>>, %arg11: memref<!tpu.dma_semaphore, #tpu.memory_space<semaphore_mem>>, %arg12: memref<!tpu.dma_semaphore, #tpu.memory_space<semaphore_mem>>) attributes {dimension_semantics = [#tpu.dimension_semantics<core_parallel>, #tpu.dimension_semantics<subcore_parallel>], iteration_bounds = array<i64: 2, 16>, scalar_prefetch = 0 : i64, scratch_operands = 6 : i64, tpu.core_type = #tpu.core_type<sc_vector_subcore>, window_params = [{transform_indices = #map}, {transform_indices = #map}, {transform_indices = #map}, {transform_indices = #map}, {transform_indices = #map}]} {
    %mul3A = arith.constant 632 : i32
    %mul3A_0 = arith.muli %arg1, %mul3A : i32
    "tpu.region"() ({
      %run_scoped3A = tpu.sem_alloc : memref<!tpu.dma_semaphore, #tpu.memory_space<semaphore_mem>>
      %dma_start3A = arith.constant 0 : i32
      %dma_start3A_10 = tpu.memref_slice %arg10[%mul3A_0, %dma_start3A] : memref<10112x128xf32, #tpu.memory_space<vmem_shared>> -> memref<632x128xf32, #tpu.memory_space<vmem_shared>>
      %dma_start3A_11 = arith.constant 0 : i32
      %dma_start3A_12 = tpu.memref_slice %arg5[%mul3A_0, %dma_start3A_11] : memref<10112x128xf32, #tpu.memory_space<hbm>> -> memref<632x128xf32, #tpu.memory_space<hbm>>
      tpu.enqueue_dma source(%dma_start3A_12 : memref<632x128xf32, #tpu.memory_space<hbm>>) target(%dma_start3A_10 : memref<632x128xf32, #tpu.memory_space<vmem_shared>>) target_semaphore(%run_scoped3A : memref<!tpu.dma_semaphore, #tpu.memory_space<semaphore_mem>>)
      %dma_wait3A = arith.constant 0 : i32
      %dma_wait3A_13 = tpu.memref_slice %arg10[%mul3A_0, %dma_wait3A] : memref<10112x128xf32, #tpu.memory_space<vmem_shared>> -> memref<632x128xf32, #tpu.memory_space<vmem_shared>>
      %dma_wait3A_14 = arith.constant 0 : i32
      %dma_wait3A_15 = tpu.memref_slice %arg5[%mul3A_0, %dma_wait3A_14] : memref<10112x128xf32, #tpu.memory_space<hbm>> -> memref<632x128xf32, #tpu.memory_space<hbm>>
      tpu.wait_dma2 semaphore(%run_scoped3A : memref<!tpu.dma_semaphore, #tpu.memory_space<semaphore_mem>>) src(%dma_wait3A_15 : memref<632x128xf32, #tpu.memory_space<hbm>>) dst(%dma_wait3A_13 : memref<632x128xf32, #tpu.memory_space<vmem_shared>>)
      tpu.yield
    }) : () -> ()
    %barrier3A = arith.constant 0 : index
    tpu.barrier barrier_id(%barrier3A)
    %scan3A = arith.constant 0 : i32
    %scan3A_1 = arith.constant 5 : i32
    %scan3A_2 = arith.addi %scan3A, %scan3A_1 : i32
    %scan3A_3 = arith.constant 1 : i32
    scf.for %scan3A_10 = %scan3A to %scan3A_2 step %scan3A_3  : i32 {
      %mul3A_11 = arith.constant 1 : i32
      %mul3A_12 = arith.muli %scan3A_10, %mul3A_11 : i32
      %add3A_13 = arith.constant 0 : i32
      %add3A_14 = arith.addi %add3A_13, %mul3A_12 : i32
      %mul3A_15 = arith.constant 160 : i32
      %mul3A_16 = arith.muli %arg1, %mul3A_15 : i32
      %mul3A_17 = arith.constant 32 : i32
      %mul3A_18 = arith.muli %add3A_14, %mul3A_17 : i32
      %add3A_19 = arith.addi %mul3A_16, %mul3A_18 : i32
      %mul3A_20 = arith.constant 2560 : i32
      %mul3A_21 = arith.muli %arg0, %mul3A_20 : i32
      %add3A_22 = arith.addi %mul3A_21, %add3A_19 : i32
      "tpu.region"() ({
        %run_scoped3A_77 = tpu.sem_alloc : memref<!tpu.dma_semaphore, #tpu.memory_space<semaphore_mem>>
        %dma_start3A_78 = arith.constant 0 : i32
        %dma_start3A_79 = tpu.memref_slice %arg3[%add3A_22, %dma_start3A_78] : memref<5120x128xi32, #tpu.memory_space<hbm>> -> memref<32x128xi32, #tpu.memory_space<hbm>>
        %dma_start3A_80 = arith.constant 0 : i32
        %dma_start3A_81 = tpu.memref_slice %arg3[%add3A_22, %dma_start3A_80] : memref<5120x128xi32, #tpu.memory_space<hbm>> -> memref<32x128xi32, #tpu.memory_space<hbm>>
        tpu.enqueue_dma source(%dma_start3A_81 : memref<32x128xi32, #tpu.memory_space<hbm>>) target(%arg7 : memref<32x128xi32, #tpu.memory_space<vmem>>) target_semaphore(%run_scoped3A_77 : memref<!tpu.dma_semaphore, #tpu.memory_space<semaphore_mem>>)
        %dma_wait3A_82 = arith.constant 0 : i32
        %dma_wait3A_83 = tpu.memref_slice %arg3[%add3A_22, %dma_wait3A_82] : memref<5120x128xi32, #tpu.memory_space<hbm>> -> memref<32x128xi32, #tpu.memory_space<hbm>>
        %dma_wait3A_84 = arith.constant 0 : i32
        %dma_wait3A_85 = tpu.memref_slice %arg3[%add3A_22, %dma_wait3A_84] : memref<5120x128xi32, #tpu.memory_space<hbm>> -> memref<32x128xi32, #tpu.memory_space<hbm>>
        tpu.wait_dma2 semaphore(%run_scoped3A_77 : memref<!tpu.dma_semaphore, #tpu.memory_space<semaphore_mem>>) src(%dma_wait3A_85 : memref<32x128xi32, #tpu.memory_space<hbm>>) dst(%arg7 : memref<32x128xi32, #tpu.memory_space<vmem>>)
        tpu.yield
      }) : () -> ()
      "tpu.region"() ({
        %run_scoped3A_77 = tpu.sem_alloc : memref<!tpu.dma_semaphore, #tpu.memory_space<semaphore_mem>>
        %dma_start3A_78 = arith.constant 0 : i32
        %dma_start3A_79 = tpu.memref_slice %arg4[%add3A_19, %dma_start3A_78] : memref<2560x128xi32, #tpu.memory_space<hbm>> -> memref<32x128xi32, #tpu.memory_space<hbm>>
        %dma_start3A_80 = arith.constant 0 : i32
        %dma_start3A_81 = tpu.memref_slice %arg4[%add3A_19, %dma_start3A_80] : memref<2560x128xi32, #tpu.memory_space<hbm>> -> memref<32x128xi32, #tpu.memory_space<hbm>>
        tpu.enqueue_dma source(%dma_start3A_81 : memref<32x128xi32, #tpu.memory_space<hbm>>) target(%arg8 : memref<32x128xi32, #tpu.memory_space<vmem>>) target_semaphore(%run_scoped3A_77 : memref<!tpu.dma_semaphore, #tpu.memory_space<semaphore_mem>>)
        %dma_wait3A_82 = arith.constant 0 : i32
        %dma_wait3A_83 = tpu.memref_slice %arg4[%add3A_19, %dma_wait3A_82] : memref<2560x128xi32, #tpu.memory_space<hbm>> -> memref<32x128xi32, #tpu.memory_space<hbm>>
        %dma_wait3A_84 = arith.constant 0 : i32
        %dma_wait3A_85 = tpu.memref_slice %arg4[%add3A_19, %dma_wait3A_84] : memref<2560x128xi32, #tpu.memory_space<hbm>> -> memref<32x128xi32, #tpu.memory_space<hbm>>
        tpu.wait_dma2 semaphore(%run_scoped3A_77 : memref<!tpu.dma_semaphore, #tpu.memory_space<semaphore_mem>>) src(%dma_wait3A_85 : memref<32x128xi32, #tpu.memory_space<hbm>>) dst(%arg8 : memref<32x128xi32, #tpu.memory_space<vmem>>)
        tpu.yield
      }) : () -> ()
      %dma_start3A = arith.constant 0 : i32
      %dma_start3A_23 = arith.constant 0 : i32
      %dma_start3A_24 = arith.constant 0 : i32
      %dma_start3A_25 = arith.constant 0 : i32
      %dma_start3A_26 = tpu.memref_slice %arg9[%dma_start3A_23, %dma_start3A_24, %dma_start3A_25] : memref<2x128x128xf32, #tpu.memory_space<vmem>> -> memref<1x128x128xf32, #tpu.memory_space<vmem>>
      %dma_start3A_27 = tpu.memref_squeeze %dma_start3A_26 : memref<1x128x128xf32, #tpu.memory_space<vmem>> -> memref<128x128xf32, #tpu.memory_space<vmem>>
      %dma_start3A_28 = arith.constant 0 : i32
      %dma_start3A_29 = tpu.memref_slice %arg7[%dma_start3A, %dma_start3A_28] : memref<32x128xi32, #tpu.memory_space<vmem>> -> memref<1x128xi32, #tpu.memory_space<vmem>>
      %dma_start3A_30 = tpu.memref_squeeze %dma_start3A_29 : memref<1x128xi32, #tpu.memory_space<vmem>> -> memref<128xi32, #tpu.memory_space<vmem>>
      %dma_start3A_31 = arith.constant 0 : i32
      %dma_start3A_32 = arith.constant 0 : i32
      %dma_start3A_33 = tpu.memref_slice %arg2[%dma_start3A_31, %dma_start3A_32] : memref<20000x128xf32, #tpu.memory_space<hbm>> -> memref<20000x128xf32, #tpu.memory_space<hbm>>
      tpu.enqueue_indirect_dma source(%dma_start3A_33 : memref<20000x128xf32, #tpu.memory_space<hbm>>) target(%dma_start3A_27 : memref<128x128xf32, #tpu.memory_space<vmem>>) offsets(%dma_start3A_30 : memref<128xi32, #tpu.memory_space<vmem>>) semaphore(%arg11 : memref<!tpu.dma_semaphore, #tpu.memory_space<semaphore_mem>>)
      %scan3A_34 = arith.constant 0 : i32
      %scan3A_35 = arith.constant 15 : i32
      %scan3A_36 = arith.addi %scan3A_34, %scan3A_35 : i32
      %scan3A_37 = arith.constant 1 : i32
      scf.for %scan3A_77 = %scan3A_34 to %scan3A_36 step %scan3A_37  : i32 {
        %mul3A_78 = arith.constant 1 : i32
        %mul3A_79 = arith.muli %scan3A_77, %mul3A_78 : i32
        %add3A_80 = arith.constant 0 : i32
        %add3A_81 = arith.addi %add3A_80, %mul3A_79 : i32
        %mul3A_82 = arith.constant 2 : i32
        %mul3A_83 = arith.muli %add3A_81, %mul3A_82 : i32
        %add3A_84 = arith.constant 1 : i32
        %add3A_85 = arith.addi %mul3A_83, %add3A_84 : i32
        %add3A_86 = arith.constant 2 : i32
        %add3A_87 = arith.addi %mul3A_83, %add3A_86 : i32
        %dma_wait3A_88 = arith.constant 0 : i32
        %dma_wait3A_89 = arith.constant 0 : i32
        %dma_wait3A_90 = arith.constant 0 : i32
        %dma_wait3A_91 = tpu.memref_slice %arg9[%dma_wait3A_88, %dma_wait3A_89, %dma_wait3A_90] : memref<2x128x128xf32, #tpu.memory_space<vmem>> -> memref<1x128x128xf32, #tpu.memory_space<vmem>>
        %dma_wait3A_92 = tpu.memref_squeeze %dma_wait3A_91 : memref<1x128x128xf32, #tpu.memory_space<vmem>> -> memref<128x128xf32, #tpu.memory_space<vmem>>
        %dma_wait3A_93 = arith.constant 0 : i32
        %dma_wait3A_94 = tpu.memref_slice %arg7[%mul3A_83, %dma_wait3A_93] : memref<32x128xi32, #tpu.memory_space<vmem>> -> memref<1x128xi32, #tpu.memory_space<vmem>>
        %dma_wait3A_95 = tpu.memref_squeeze %dma_wait3A_94 : memref<1x128xi32, #tpu.memory_space<vmem>> -> memref<128xi32, #tpu.memory_space<vmem>>
        %dma_wait3A_96 = arith.constant 0 : i32
        %dma_wait3A_97 = arith.constant 0 : i32
        %dma_wait3A_98 = tpu.memref_slice %arg2[%dma_wait3A_96, %dma_wait3A_97] : memref<20000x128xf32, #tpu.memory_space<hbm>> -> memref<20000x128xf32, #tpu.memory_space<hbm>>
        tpu.wait_indirect_dma semaphore(%arg11 : memref<!tpu.dma_semaphore, #tpu.memory_space<semaphore_mem>>) src(%dma_wait3A_98 : memref<20000x128xf32, #tpu.memory_space<hbm>>) dst(%dma_wait3A_92 : memref<128x128xf32, #tpu.memory_space<vmem>>)
        %dma_start3A_99 = arith.constant 1 : i32
        %dma_start3A_100 = arith.constant 0 : i32
        %dma_start3A_101 = arith.constant 0 : i32
        %dma_start3A_102 = tpu.memref_slice %arg9[%dma_start3A_99, %dma_start3A_100, %dma_start3A_101] : memref<2x128x128xf32, #tpu.memory_space<vmem>> -> memref<1x128x128xf32, #tpu.memory_space<vmem>>
        %dma_start3A_103 = tpu.memref_squeeze %dma_start3A_102 : memref<1x128x128xf32, #tpu.memory_space<vmem>> -> memref<128x128xf32, #tpu.memory_space<vmem>>
        %dma_start3A_104 = arith.constant 0 : i32
        %dma_start3A_105 = tpu.memref_slice %arg7[%add3A_85, %dma_start3A_104] : memref<32x128xi32, #tpu.memory_space<vmem>> -> memref<1x128xi32, #tpu.memory_space<vmem>>
        %dma_start3A_106 = tpu.memref_squeeze %dma_start3A_105 : memref<1x128xi32, #tpu.memory_space<vmem>> -> memref<128xi32, #tpu.memory_space<vmem>>
        %dma_start3A_107 = arith.constant 0 : i32
        %dma_start3A_108 = arith.constant 0 : i32
        %dma_start3A_109 = tpu.memref_slice %arg2[%dma_start3A_107, %dma_start3A_108] : memref<20000x128xf32, #tpu.memory_space<hbm>> -> memref<20000x128xf32, #tpu.memory_space<hbm>>
        tpu.enqueue_indirect_dma source(%dma_start3A_109 : memref<20000x128xf32, #tpu.memory_space<hbm>>) target(%dma_start3A_103 : memref<128x128xf32, #tpu.memory_space<vmem>>) offsets(%dma_start3A_106 : memref<128xi32, #tpu.memory_space<vmem>>) semaphore(%arg12 : memref<!tpu.dma_semaphore, #tpu.memory_space<semaphore_mem>>)
        %run_scoped3A_110 = arith.constant 0 : i32
        "tpu.region"() ({
          %run_scoped3A_134 = tpu.sem_alloc : memref<!tpu.dma_semaphore, #tpu.memory_space<semaphore_mem>>
          %dma_start3A_135 = arith.constant 0 : i32
          %dma_start3A_136 = arith.constant 0 : i32
          %dma_start3A_137 = tpu.memref_slice %arg9[%run_scoped3A_110, %dma_start3A_135, %dma_start3A_136] : memref<2x128x128xf32, #tpu.memory_space<vmem>> -> memref<1x128x128xf32, #tpu.memory_space<vmem>>
          %dma_start3A_138 = tpu.memref_squeeze %dma_start3A_137 : memref<1x128x128xf32, #tpu.memory_space<vmem>> -> memref<128x128xf32, #tpu.memory_space<vmem>>
          %dma_start3A_139 = arith.constant 0 : i32
          %dma_start3A_140 = tpu.memref_slice %arg8[%mul3A_83, %dma_start3A_139] : memref<32x128xi32, #tpu.memory_space<vmem>> -> memref<1x128xi32, #tpu.memory_space<vmem>>
          %dma_start3A_141 = tpu.memref_squeeze %dma_start3A_140 : memref<1x128xi32, #tpu.memory_space<vmem>> -> memref<128xi32, #tpu.memory_space<vmem>>
          %dma_start3A_142 = arith.constant 0 : i32
          %dma_start3A_143 = arith.constant 0 : i32
          %dma_start3A_144 = tpu.memref_slice %arg10[%dma_start3A_142, %dma_start3A_143] : memref<10112x128xf32, #tpu.memory_space<vmem_shared>> -> memref<10112x128xf32, #tpu.memory_space<vmem_shared>>
          tpu.enqueue_indirect_dma source(%dma_start3A_138 : memref<128x128xf32, #tpu.memory_space<vmem>>) target(%dma_start3A_144 : memref<10112x128xf32, #tpu.memory_space<vmem_shared>>) offsets(%dma_start3A_141 : memref<128xi32, #tpu.memory_space<vmem>>) semaphore(%run_scoped3A_134 : memref<!tpu.dma_semaphore, #tpu.memory_space<semaphore_mem>>) {add = true}
          %dma_wait3A_145 = arith.constant 0 : i32
          %dma_wait3A_146 = arith.constant 0 : i32
          %dma_wait3A_147 = tpu.memref_slice %arg9[%run_scoped3A_110, %dma_wait3A_145, %dma_wait3A_146] : memref<2x128x128xf32, #tpu.memory_space<vmem>> -> memref<1x128x128xf32, #tpu.memory_space<vmem>>
          %dma_wait3A_148 = tpu.memref_squeeze %dma_wait3A_147 : memref<1x128x128xf32, #tpu.memory_space<vmem>> -> memref<128x128xf32, #tpu.memory_space<vmem>>
          %dma_wait3A_149 = arith.constant 0 : i32
          %dma_wait3A_150 = tpu.memref_slice %arg8[%mul3A_83, %dma_wait3A_149] : memref<32x128xi32, #tpu.memory_space<vmem>> -> memref<1x128xi32, #tpu.memory_space<vmem>>
          %dma_wait3A_151 = tpu.memref_squeeze %dma_wait3A_150 : memref<1x128xi32, #tpu.memory_space<vmem>> -> memref<128xi32, #tpu.memory_space<vmem>>
          %dma_wait3A_152 = arith.constant 0 : i32
          %dma_wait3A_153 = arith.constant 0 : i32
          %dma_wait3A_154 = tpu.memref_slice %arg10[%dma_wait3A_152, %dma_wait3A_153] : memref<10112x128xf32, #tpu.memory_space<vmem_shared>> -> memref<10112x128xf32, #tpu.memory_space<vmem_shared>>
          tpu.wait_indirect_dma semaphore(%run_scoped3A_134 : memref<!tpu.dma_semaphore, #tpu.memory_space<semaphore_mem>>) src(%dma_wait3A_148 : memref<128x128xf32, #tpu.memory_space<vmem>>) dst(%dma_wait3A_154 : memref<10112x128xf32, #tpu.memory_space<vmem_shared>>)
          tpu.yield
        }) : () -> ()
        %dma_wait3A_111 = arith.constant 1 : i32
        %dma_wait3A_112 = arith.constant 0 : i32
        %dma_wait3A_113 = arith.constant 0 : i32
        %dma_wait3A_114 = tpu.memref_slice %arg9[%dma_wait3A_111, %dma_wait3A_112, %dma_wait3A_113] : memref<2x128x128xf32, #tpu.memory_space<vmem>> -> memref<1x128x128xf32, #tpu.memory_space<vmem>>
        %dma_wait3A_115 = tpu.memref_squeeze %dma_wait3A_114 : memref<1x128x128xf32, #tpu.memory_space<vmem>> -> memref<128x128xf32, #tpu.memory_space<vmem>>
        %dma_wait3A_116 = arith.constant 0 : i32
        %dma_wait3A_117 = tpu.memref_slice %arg7[%add3A_85, %dma_wait3A_116] : memref<32x128xi32, #tpu.memory_space<vmem>> -> memref<1x128xi32, #tpu.memory_space<vmem>>
        %dma_wait3A_118 = tpu.memref_squeeze %dma_wait3A_117 : memref<1x128xi32, #tpu.memory_space<vmem>> -> memref<128xi32, #tpu.memory_space<vmem>>
        %dma_wait3A_119 = arith.constant 0 : i32
        %dma_wait3A_120 = arith.constant 0 : i32
        %dma_wait3A_121 = tpu.memref_slice %arg2[%dma_wait3A_119, %dma_wait3A_120] : memref<20000x128xf32, #tpu.memory_space<hbm>> -> memref<20000x128xf32, #tpu.memory_space<hbm>>
        tpu.wait_indirect_dma semaphore(%arg12 : memref<!tpu.dma_semaphore, #tpu.memory_space<semaphore_mem>>) src(%dma_wait3A_121 : memref<20000x128xf32, #tpu.memory_space<hbm>>) dst(%dma_wait3A_115 : memref<128x128xf32, #tpu.memory_space<vmem>>)
        %dma_start3A_122 = arith.constant 0 : i32
        %dma_start3A_123 = arith.constant 0 : i32
        %dma_start3A_124 = arith.constant 0 : i32
        %dma_start3A_125 = tpu.memref_slice %arg9[%dma_start3A_122, %dma_start3A_123, %dma_start3A_124] : memref<2x128x128xf32, #tpu.memory_space<vmem>> -> memref<1x128x128xf32, #tpu.memory_space<vmem>>
        %dma_start3A_126 = tpu.memref_squeeze %dma_start3A_125 : memref<1x128x128xf32, #tpu.memory_space<vmem>> -> memref<128x128xf32, #tpu.memory_space<vmem>>
        %dma_start3A_127 = arith.constant 0 : i32
        %dma_start3A_128 = tpu.memref_slice %arg7[%add3A_87, %dma_start3A_127] : memref<32x128xi32, #tpu.memory_space<vmem>> -> memref<1x128xi32, #tpu.memory_space<vmem>>
        %dma_start3A_129 = tpu.memref_squeeze %dma_start3A_128 : memref<1x128xi32, #tpu.memory_space<vmem>> -> memref<128xi32, #tpu.memory_space<vmem>>
        %dma_start3A_130 = arith.constant 0 : i32
        %dma_start3A_131 = arith.constant 0 : i32
        %dma_start3A_132 = tpu.memref_slice %arg2[%dma_start3A_130, %dma_start3A_131] : memref<20000x128xf32, #tpu.memory_space<hbm>> -> memref<20000x128xf32, #tpu.memory_space<hbm>>
        tpu.enqueue_indirect_dma source(%dma_start3A_132 : memref<20000x128xf32, #tpu.memory_space<hbm>>) target(%dma_start3A_126 : memref<128x128xf32, #tpu.memory_space<vmem>>) offsets(%dma_start3A_129 : memref<128xi32, #tpu.memory_space<vmem>>) semaphore(%arg11 : memref<!tpu.dma_semaphore, #tpu.memory_space<semaphore_mem>>)
        %run_scoped3A_133 = arith.constant 1 : i32
        "tpu.region"() ({
          %run_scoped3A_134 = tpu.sem_alloc : memref<!tpu.dma_semaphore, #tpu.memory_space<semaphore_mem>>
          %dma_start3A_135 = arith.constant 0 : i32
          %dma_start3A_136 = arith.constant 0 : i32
          %dma_start3A_137 = tpu.memref_slice %arg9[%run_scoped3A_133, %dma_start3A_135, %dma_start3A_136] : memref<2x128x128xf32, #tpu.memory_space<vmem>> -> memref<1x128x128xf32, #tpu.memory_space<vmem>>
          %dma_start3A_138 = tpu.memref_squeeze %dma_start3A_137 : memref<1x128x128xf32, #tpu.memory_space<vmem>> -> memref<128x128xf32, #tpu.memory_space<vmem>>
          %dma_start3A_139 = arith.constant 0 : i32
          %dma_start3A_140 = tpu.memref_slice %arg8[%add3A_85, %dma_start3A_139] : memref<32x128xi32, #tpu.memory_space<vmem>> -> memref<1x128xi32, #tpu.memory_space<vmem>>
          %dma_start3A_141 = tpu.memref_squeeze %dma_start3A_140 : memref<1x128xi32, #tpu.memory_space<vmem>> -> memref<128xi32, #tpu.memory_space<vmem>>
          %dma_start3A_142 = arith.constant 0 : i32
          %dma_start3A_143 = arith.constant 0 : i32
          %dma_start3A_144 = tpu.memref_slice %arg10[%dma_start3A_142, %dma_start3A_143] : memref<10112x128xf32, #tpu.memory_space<vmem_shared>> -> memref<10112x128xf32, #tpu.memory_space<vmem_shared>>
          tpu.enqueue_indirect_dma source(%dma_start3A_138 : memref<128x128xf32, #tpu.memory_space<vmem>>) target(%dma_start3A_144 : memref<10112x128xf32, #tpu.memory_space<vmem_shared>>) offsets(%dma_start3A_141 : memref<128xi32, #tpu.memory_space<vmem>>) semaphore(%run_scoped3A_134 : memref<!tpu.dma_semaphore, #tpu.memory_space<semaphore_mem>>) {add = true}
          %dma_wait3A_145 = arith.constant 0 : i32
          %dma_wait3A_146 = arith.constant 0 : i32
          %dma_wait3A_147 = tpu.memref_slice %arg9[%run_scoped3A_133, %dma_wait3A_145, %dma_wait3A_146] : memref<2x128x128xf32, #tpu.memory_space<vmem>> -> memref<1x128x128xf32, #tpu.memory_space<vmem>>
          %dma_wait3A_148 = tpu.memref_squeeze %dma_wait3A_147 : memref<1x128x128xf32, #tpu.memory_space<vmem>> -> memref<128x128xf32, #tpu.memory_space<vmem>>
          %dma_wait3A_149 = arith.constant 0 : i32
          %dma_wait3A_150 = tpu.memref_slice %arg8[%add3A_85, %dma_wait3A_149] : memref<32x128xi32, #tpu.memory_space<vmem>> -> memref<1x128xi32, #tpu.memory_space<vmem>>
          %dma_wait3A_151 = tpu.memref_squeeze %dma_wait3A_150 : memref<1x128xi32, #tpu.memory_space<vmem>> -> memref<128xi32, #tpu.memory_space<vmem>>
          %dma_wait3A_152 = arith.constant 0 : i32
          %dma_wait3A_153 = arith.constant 0 : i32
          %dma_wait3A_154 = tpu.memref_slice %arg10[%dma_wait3A_152, %dma_wait3A_153] : memref<10112x128xf32, #tpu.memory_space<vmem_shared>> -> memref<10112x128xf32, #tpu.memory_space<vmem_shared>>
          tpu.wait_indirect_dma semaphore(%run_scoped3A_134 : memref<!tpu.dma_semaphore, #tpu.memory_space<semaphore_mem>>) src(%dma_wait3A_148 : memref<128x128xf32, #tpu.memory_space<vmem>>) dst(%dma_wait3A_154 : memref<10112x128xf32, #tpu.memory_space<vmem_shared>>)
          tpu.yield
        }) : () -> ()
      }
      %scan3A_38 = arith.constant 15 : i32
      %dma_wait3A = arith.constant 30 : i32
      %dma_wait3A_39 = arith.constant 0 : i32
      %dma_wait3A_40 = arith.constant 0 : i32
      %dma_wait3A_41 = arith.constant 0 : i32
      %dma_wait3A_42 = tpu.memref_slice %arg9[%dma_wait3A_39, %dma_wait3A_40, %dma_wait3A_41] : memref<2x128x128xf32, #tpu.memory_space<vmem>> -> memref<1x128x128xf32, #tpu.memory_space<vmem>>
      %dma_wait3A_43 = tpu.memref_squeeze %dma_wait3A_42 : memref<1x128x128xf32, #tpu.memory_space<vmem>> -> memref<128x128xf32, #tpu.memory_space<vmem>>
      %dma_wait3A_44 = arith.constant 0 : i32
      %dma_wait3A_45 = tpu.memref_slice %arg7[%dma_wait3A, %dma_wait3A_44] : memref<32x128xi32, #tpu.memory_space<vmem>> -> memref<1x128xi32, #tpu.memory_space<vmem>>
      %dma_wait3A_46 = tpu.memref_squeeze %dma_wait3A_45 : memref<1x128xi32, #tpu.memory_space<vmem>> -> memref<128xi32, #tpu.memory_space<vmem>>
      %dma_wait3A_47 = arith.constant 0 : i32
      %dma_wait3A_48 = arith.constant 0 : i32
      %dma_wait3A_49 = tpu.memref_slice %arg2[%dma_wait3A_47, %dma_wait3A_48] : memref<20000x128xf32, #tpu.memory_space<hbm>> -> memref<20000x128xf32, #tpu.memory_space<hbm>>
      tpu.wait_indirect_dma semaphore(%arg11 : memref<!tpu.dma_semaphore, #tpu.memory_space<semaphore_mem>>) src(%dma_wait3A_49 : memref<20000x128xf32, #tpu.memory_space<hbm>>) dst(%dma_wait3A_43 : memref<128x128xf32, #tpu.memory_space<vmem>>)
      %dma_start3A_50 = arith.constant 31 : i32
      %dma_start3A_51 = arith.constant 1 : i32
      %dma_start3A_52 = arith.constant 0 : i32
      %dma_start3A_53 = arith.constant 0 : i32
      %dma_start3A_54 = tpu.memref_slice %arg9[%dma_start3A_51, %dma_start3A_52, %dma_start3A_53] : memref<2x128x128xf32, #tpu.memory_space<vmem>> -> memref<1x128x128xf32, #tpu.memory_space<vmem>>
      %dma_start3A_55 = tpu.memref_squeeze %dma_start3A_54 : memref<1x128x128xf32, #tpu.memory_space<vmem>> -> memref<128x128xf32, #tpu.memory_space<vmem>>
      %dma_start3A_56 = arith.constant 0 : i32
      %dma_start3A_57 = tpu.memref_slice %arg7[%dma_start3A_50, %dma_start3A_56] : memref<32x128xi32, #tpu.memory_space<vmem>> -> memref<1x128xi32, #tpu.memory_space<vmem>>
      %dma_start3A_58 = tpu.memref_squeeze %dma_start3A_57 : memref<1x128xi32, #tpu.memory_space<vmem>> -> memref<128xi32, #tpu.memory_space<vmem>>
      %dma_start3A_59 = arith.constant 0 : i32
      %dma_start3A_60 = arith.constant 0 : i32
      %dma_start3A_61 = tpu.memref_slice %arg2[%dma_start3A_59, %dma_start3A_60] : memref<20000x128xf32, #tpu.memory_space<hbm>> -> memref<20000x128xf32, #tpu.memory_space<hbm>>
      tpu.enqueue_indirect_dma source(%dma_start3A_61 : memref<20000x128xf32, #tpu.memory_space<hbm>>) target(%dma_start3A_55 : memref<128x128xf32, #tpu.memory_space<vmem>>) offsets(%dma_start3A_58 : memref<128xi32, #tpu.memory_space<vmem>>) semaphore(%arg12 : memref<!tpu.dma_semaphore, #tpu.memory_space<semaphore_mem>>)
      %run_scoped3A = arith.constant 0 : i32
      %run_scoped3A_62 = arith.constant 30 : i32
      "tpu.region"() ({
        %run_scoped3A_77 = tpu.sem_alloc : memref<!tpu.dma_semaphore, #tpu.memory_space<semaphore_mem>>
        %dma_start3A_78 = arith.constant 0 : i32
        %dma_start3A_79 = arith.constant 0 : i32
        %dma_start3A_80 = tpu.memref_slice %arg9[%run_scoped3A, %dma_start3A_78, %dma_start3A_79] : memref<2x128x128xf32, #tpu.memory_space<vmem>> -> memref<1x128x128xf32, #tpu.memory_space<vmem>>
        %dma_start3A_81 = tpu.memref_squeeze %dma_start3A_80 : memref<1x128x128xf32, #tpu.memory_space<vmem>> -> memref<128x128xf32, #tpu.memory_space<vmem>>
        %dma_start3A_82 = arith.constant 0 : i32
        %dma_start3A_83 = tpu.memref_slice %arg8[%run_scoped3A_62, %dma_start3A_82] : memref<32x128xi32, #tpu.memory_space<vmem>> -> memref<1x128xi32, #tpu.memory_space<vmem>>
        %dma_start3A_84 = tpu.memref_squeeze %dma_start3A_83 : memref<1x128xi32, #tpu.memory_space<vmem>> -> memref<128xi32, #tpu.memory_space<vmem>>
        %dma_start3A_85 = arith.constant 0 : i32
        %dma_start3A_86 = arith.constant 0 : i32
        %dma_start3A_87 = tpu.memref_slice %arg10[%dma_start3A_85, %dma_start3A_86] : memref<10112x128xf32, #tpu.memory_space<vmem_shared>> -> memref<10112x128xf32, #tpu.memory_space<vmem_shared>>
        tpu.enqueue_indirect_dma source(%dma_start3A_81 : memref<128x128xf32, #tpu.memory_space<vmem>>) target(%dma_start3A_87 : memref<10112x128xf32, #tpu.memory_space<vmem_shared>>) offsets(%dma_start3A_84 : memref<128xi32, #tpu.memory_space<vmem>>) semaphore(%run_scoped3A_77 : memref<!tpu.dma_semaphore, #tpu.memory_space<semaphore_mem>>) {add = true}
        %dma_wait3A_88 = arith.constant 0 : i32
        %dma_wait3A_89 = arith.constant 0 : i32
        %dma_wait3A_90 = tpu.memref_slice %arg9[%run_scoped3A, %dma_wait3A_88, %dma_wait3A_89] : memref<2x128x128xf32, #tpu.memory_space<vmem>> -> memref<1x128x128xf32, #tpu.memory_space<vmem>>
        %dma_wait3A_91 = tpu.memref_squeeze %dma_wait3A_90 : memref<1x128x128xf32, #tpu.memory_space<vmem>> -> memref<128x128xf32, #tpu.memory_space<vmem>>
        %dma_wait3A_92 = arith.constant 0 : i32
        %dma_wait3A_93 = tpu.memref_slice %arg8[%run_scoped3A_62, %dma_wait3A_92] : memref<32x128xi32, #tpu.memory_space<vmem>> -> memref<1x128xi32, #tpu.memory_space<vmem>>
        %dma_wait3A_94 = tpu.memref_squeeze %dma_wait3A_93 : memref<1x128xi32, #tpu.memory_space<vmem>> -> memref<128xi32, #tpu.memory_space<vmem>>
        %dma_wait3A_95 = arith.constant 0 : i32
        %dma_wait3A_96 = arith.constant 0 : i32
        %dma_wait3A_97 = tpu.memref_slice %arg10[%dma_wait3A_95, %dma_wait3A_96] : memref<10112x128xf32, #tpu.memory_space<vmem_shared>> -> memref<10112x128xf32, #tpu.memory_space<vmem_shared>>
        tpu.wait_indirect_dma semaphore(%run_scoped3A_77 : memref<!tpu.dma_semaphore, #tpu.memory_space<semaphore_mem>>) src(%dma_wait3A_91 : memref<128x128xf32, #tpu.memory_space<vmem>>) dst(%dma_wait3A_97 : memref<10112x128xf32, #tpu.memory_space<vmem_shared>>)
        tpu.yield
      }) : () -> ()
      %dma_wait3A_63 = arith.constant 31 : i32
      %dma_wait3A_64 = arith.constant 1 : i32
      %dma_wait3A_65 = arith.constant 0 : i32
      %dma_wait3A_66 = arith.constant 0 : i32
      %dma_wait3A_67 = tpu.memref_slice %arg9[%dma_wait3A_64, %dma_wait3A_65, %dma_wait3A_66] : memref<2x128x128xf32, #tpu.memory_space<vmem>> -> memref<1x128x128xf32, #tpu.memory_space<vmem>>
      %dma_wait3A_68 = tpu.memref_squeeze %dma_wait3A_67 : memref<1x128x128xf32, #tpu.memory_space<vmem>> -> memref<128x128xf32, #tpu.memory_space<vmem>>
      %dma_wait3A_69 = arith.constant 0 : i32
      %dma_wait3A_70 = tpu.memref_slice %arg7[%dma_wait3A_63, %dma_wait3A_69] : memref<32x128xi32, #tpu.memory_space<vmem>> -> memref<1x128xi32, #tpu.memory_space<vmem>>
      %dma_wait3A_71 = tpu.memref_squeeze %dma_wait3A_70 : memref<1x128xi32, #tpu.memory_space<vmem>> -> memref<128xi32, #tpu.memory_space<vmem>>
      %dma_wait3A_72 = arith.constant 0 : i32
      %dma_wait3A_73 = arith.constant 0 : i32
      %dma_wait3A_74 = tpu.memref_slice %arg2[%dma_wait3A_72, %dma_wait3A_73] : memref<20000x128xf32, #tpu.memory_space<hbm>> -> memref<20000x128xf32, #tpu.memory_space<hbm>>
      tpu.wait_indirect_dma semaphore(%arg12 : memref<!tpu.dma_semaphore, #tpu.memory_space<semaphore_mem>>) src(%dma_wait3A_74 : memref<20000x128xf32, #tpu.memory_space<hbm>>) dst(%dma_wait3A_68 : memref<128x128xf32, #tpu.memory_space<vmem>>)
      %run_scoped3A_75 = arith.constant 1 : i32
      %run_scoped3A_76 = arith.constant 31 : i32
      "tpu.region"() ({
        %run_scoped3A_77 = tpu.sem_alloc : memref<!tpu.dma_semaphore, #tpu.memory_space<semaphore_mem>>
        %dma_start3A_78 = arith.constant 0 : i32
        %dma_start3A_79 = arith.constant 0 : i32
        %dma_start3A_80 = tpu.memref_slice %arg9[%run_scoped3A_75, %dma_start3A_78, %dma_start3A_79] : memref<2x128x128xf32, #tpu.memory_space<vmem>> -> memref<1x128x128xf32, #tpu.memory_space<vmem>>
        %dma_start3A_81 = tpu.memref_squeeze %dma_start3A_80 : memref<1x128x128xf32, #tpu.memory_space<vmem>> -> memref<128x128xf32, #tpu.memory_space<vmem>>
        %dma_start3A_82 = arith.constant 0 : i32
        %dma_start3A_83 = tpu.memref_slice %arg8[%run_scoped3A_76, %dma_start3A_82] : memref<32x128xi32, #tpu.memory_space<vmem>> -> memref<1x128xi32, #tpu.memory_space<vmem>>
        %dma_start3A_84 = tpu.memref_squeeze %dma_start3A_83 : memref<1x128xi32, #tpu.memory_space<vmem>> -> memref<128xi32, #tpu.memory_space<vmem>>
        %dma_start3A_85 = arith.constant 0 : i32
        %dma_start3A_86 = arith.constant 0 : i32
        %dma_start3A_87 = tpu.memref_slice %arg10[%dma_start3A_85, %dma_start3A_86] : memref<10112x128xf32, #tpu.memory_space<vmem_shared>> -> memref<10112x128xf32, #tpu.memory_space<vmem_shared>>
        tpu.enqueue_indirect_dma source(%dma_start3A_81 : memref<128x128xf32, #tpu.memory_space<vmem>>) target(%dma_start3A_87 : memref<10112x128xf32, #tpu.memory_space<vmem_shared>>) offsets(%dma_start3A_84 : memref<128xi32, #tpu.memory_space<vmem>>) semaphore(%run_scoped3A_77 : memref<!tpu.dma_semaphore, #tpu.memory_space<semaphore_mem>>) {add = true}
        %dma_wait3A_88 = arith.constant 0 : i32
        %dma_wait3A_89 = arith.constant 0 : i32
        %dma_wait3A_90 = tpu.memref_slice %arg9[%run_scoped3A_75, %dma_wait3A_88, %dma_wait3A_89] : memref<2x128x128xf32, #tpu.memory_space<vmem>> -> memref<1x128x128xf32, #tpu.memory_space<vmem>>
        %dma_wait3A_91 = tpu.memref_squeeze %dma_wait3A_90 : memref<1x128x128xf32, #tpu.memory_space<vmem>> -> memref<128x128xf32, #tpu.memory_space<vmem>>
        %dma_wait3A_92 = arith.constant 0 : i32
        %dma_wait3A_93 = tpu.memref_slice %arg8[%run_scoped3A_76, %dma_wait3A_92] : memref<32x128xi32, #tpu.memory_space<vmem>> -> memref<1x128xi32, #tpu.memory_space<vmem>>
        %dma_wait3A_94 = tpu.memref_squeeze %dma_wait3A_93 : memref<1x128xi32, #tpu.memory_space<vmem>> -> memref<128xi32, #tpu.memory_space<vmem>>
        %dma_wait3A_95 = arith.constant 0 : i32
        %dma_wait3A_96 = arith.constant 0 : i32
        %dma_wait3A_97 = tpu.memref_slice %arg10[%dma_wait3A_95, %dma_wait3A_96] : memref<10112x128xf32, #tpu.memory_space<vmem_shared>> -> memref<10112x128xf32, #tpu.memory_space<vmem_shared>>
        tpu.wait_indirect_dma semaphore(%run_scoped3A_77 : memref<!tpu.dma_semaphore, #tpu.memory_space<semaphore_mem>>) src(%dma_wait3A_91 : memref<128x128xf32, #tpu.memory_space<vmem>>) dst(%dma_wait3A_97 : memref<10112x128xf32, #tpu.memory_space<vmem_shared>>)
        tpu.yield
      }) : () -> ()
    }
    %scan3A_4 = arith.constant 5 : i32
    %barrier3A_5 = arith.constant 0 : index
    tpu.barrier barrier_id(%barrier3A_5)
    %mul3A_6 = arith.constant 10112 : i32
    %mul3A_7 = arith.muli %arg0, %mul3A_6 : i32
    %mul3A_8 = arith.constant 632 : i32
    %mul3A_9 = arith.muli %arg1, %mul3A_8 : i32
    %add3A = arith.addi %mul3A_7, %mul3A_9 : i32
    "tpu.region"() ({
      %run_scoped3A = tpu.sem_alloc : memref<!tpu.dma_semaphore, #tpu.memory_space<semaphore_mem>>
      %dma_start3A = arith.constant 0 : i32
      %dma_start3A_10 = tpu.memref_slice %arg6[%add3A, %dma_start3A] : memref<20224x128xf32, #tpu.memory_space<hbm>> -> memref<632x128xf32, #tpu.memory_space<hbm>>
      %dma_start3A_11 = arith.constant 0 : i32
      %dma_start3A_12 = tpu.memref_slice %arg10[%mul3A_0, %dma_start3A_11] : memref<10112x128xf32, #tpu.memory_space<vmem_shared>> -> memref<632x128xf32, #tpu.memory_space<vmem_shared>>
      tpu.enqueue_dma source(%dma_start3A_12 : memref<632x128xf32, #tpu.memory_space<vmem_shared>>) target(%dma_start3A_10 : memref<632x128xf32, #tpu.memory_space<hbm>>) target_semaphore(%run_scoped3A : memref<!tpu.dma_semaphore, #tpu.memory_space<semaphore_mem>>)
      %dma_wait3A = arith.constant 0 : i32
      %dma_wait3A_13 = tpu.memref_slice %arg6[%add3A, %dma_wait3A] : memref<20224x128xf32, #tpu.memory_space<hbm>> -> memref<632x128xf32, #tpu.memory_space<hbm>>
      %dma_wait3A_14 = arith.constant 0 : i32
      %dma_wait3A_15 = tpu.memref_slice %arg10[%mul3A_0, %dma_wait3A_14] : memref<10112x128xf32, #tpu.memory_space<vmem_shared>> -> memref<632x128xf32, #tpu.memory_space<vmem_shared>>
      tpu.wait_dma2 semaphore(%run_scoped3A : memref<!tpu.dma_semaphore, #tpu.memory_space<semaphore_mem>>) src(%dma_wait3A_15 : memref<632x128xf32, #tpu.memory_space<vmem_shared>>) dst(%dma_wait3A_13 : memref<632x128xf32, #tpu.memory_space<hbm>>)
      tpu.yield
    }) : () -> ()
    return
  }
}

#map = affine_map<(d0, d1) -> (0, 0)>
#map1 = affine_map<(d0, d1) -> (0)>
module attributes {stable_mosaic.version = 14 : i64} {
  func.func @_sc_degree(%arg0: i32, %arg1: i32, %arg2: memref<2560x128xi32, #tpu.memory_space<hbm>>, %arg3: memref<79x128xf32, #tpu.memory_space<hbm>>, %arg4: memref<79xi32, #tpu.memory_space<hbm>>, %arg5: memref<79x128xf32, #tpu.memory_space<hbm>>, %arg6: memref<160x128xi32, #tpu.memory_space<vmem>>, %arg7: memref<79x128xf32, #tpu.memory_space<vmem>>, %arg8: memref<79xi32, #tpu.memory_space<vmem>>, %arg9: memref<79x128xf32, #tpu.memory_space<vmem_shared>>) attributes {dimension_semantics = [#tpu.dimension_semantics<core_parallel>, #tpu.dimension_semantics<subcore_parallel>], iteration_bounds = array<i64: 2, 16>, scalar_prefetch = 0 : i64, scratch_operands = 4 : i64, tpu.core_type = #tpu.core_type<sc_vector_subcore>, window_params = [{transform_indices = #map}, {transform_indices = #map}, {transform_indices = #map1}, {transform_indices = #map}]} {
    %eq3A = arith.constant 0 : i32
    %eq3A_0 = arith.cmpi eq, %arg0, %eq3A : i32
    %convert_element_type3A = arith.extui %eq3A_0 : i1 to i32
    %cond3A = arith.constant 0 : i32
    %cond3A_1 = arith.cmpi ne, %convert_element_type3A, %cond3A : i32
    scf.if %cond3A_1 {
      "tpu.region"() ({
        %run_scoped3A = tpu.sem_alloc : memref<!tpu.dma_semaphore, #tpu.memory_space<semaphore_mem>>
        tpu.enqueue_dma source(%arg3 : memref<79x128xf32, #tpu.memory_space<hbm>>) target(%arg7 : memref<79x128xf32, #tpu.memory_space<vmem>>) target_semaphore(%run_scoped3A : memref<!tpu.dma_semaphore, #tpu.memory_space<semaphore_mem>>)
        tpu.wait_dma2 semaphore(%run_scoped3A : memref<!tpu.dma_semaphore, #tpu.memory_space<semaphore_mem>>) src(%arg3 : memref<79x128xf32, #tpu.memory_space<hbm>>) dst(%arg7 : memref<79x128xf32, #tpu.memory_space<vmem>>)
        tpu.yield
      }) : () -> ()
      "tpu.region"() ({
        %run_scoped3A = tpu.sem_alloc : memref<!tpu.dma_semaphore, #tpu.memory_space<semaphore_mem>>
        tpu.enqueue_dma source(%arg4 : memref<79xi32, #tpu.memory_space<hbm>>) target(%arg8 : memref<79xi32, #tpu.memory_space<vmem>>) target_semaphore(%run_scoped3A : memref<!tpu.dma_semaphore, #tpu.memory_space<semaphore_mem>>)
        tpu.wait_dma2 semaphore(%run_scoped3A : memref<!tpu.dma_semaphore, #tpu.memory_space<semaphore_mem>>) src(%arg4 : memref<79xi32, #tpu.memory_space<hbm>>) dst(%arg8 : memref<79xi32, #tpu.memory_space<vmem>>)
        tpu.yield
      }) : () -> ()
      %mul3A = arith.constant 160 : i32
      %mul3A_2 = arith.muli %arg1, %mul3A : i32
      "tpu.region"() ({
        %run_scoped3A = tpu.sem_alloc : memref<!tpu.dma_semaphore, #tpu.memory_space<semaphore_mem>>
        %dma_start3A = arith.constant 0 : i32
        %dma_start3A_19 = tpu.memref_slice %arg2[%mul3A_2, %dma_start3A] : memref<2560x128xi32, #tpu.memory_space<hbm>> -> memref<160x128xi32, #tpu.memory_space<hbm>>
        %dma_start3A_20 = arith.constant 0 : i32
        %dma_start3A_21 = tpu.memref_slice %arg2[%mul3A_2, %dma_start3A_20] : memref<2560x128xi32, #tpu.memory_space<hbm>> -> memref<160x128xi32, #tpu.memory_space<hbm>>
        tpu.enqueue_dma source(%dma_start3A_21 : memref<160x128xi32, #tpu.memory_space<hbm>>) target(%arg6 : memref<160x128xi32, #tpu.memory_space<vmem>>) target_semaphore(%run_scoped3A : memref<!tpu.dma_semaphore, #tpu.memory_space<semaphore_mem>>)
        %dma_wait3A = arith.constant 0 : i32
        %dma_wait3A_22 = tpu.memref_slice %arg2[%mul3A_2, %dma_wait3A] : memref<2560x128xi32, #tpu.memory_space<hbm>> -> memref<160x128xi32, #tpu.memory_space<hbm>>
        %dma_wait3A_23 = arith.constant 0 : i32
        %dma_wait3A_24 = tpu.memref_slice %arg2[%mul3A_2, %dma_wait3A_23] : memref<2560x128xi32, #tpu.memory_space<hbm>> -> memref<160x128xi32, #tpu.memory_space<hbm>>
        tpu.wait_dma2 semaphore(%run_scoped3A : memref<!tpu.dma_semaphore, #tpu.memory_space<semaphore_mem>>) src(%dma_wait3A_24 : memref<160x128xi32, #tpu.memory_space<hbm>>) dst(%arg6 : memref<160x128xi32, #tpu.memory_space<vmem>>)
        tpu.yield
      }) : () -> ()
      %eq3A_3 = arith.constant 0 : i32
      %eq3A_4 = arith.cmpi eq, %arg1, %eq3A_3 : i32
      %convert_element_type3A_5 = arith.extui %eq3A_4 : i1 to i32
      %cond3A_6 = arith.constant 0 : i32
      %cond3A_7 = arith.cmpi ne, %convert_element_type3A_5, %cond3A_6 : i32
      scf.if %cond3A_7 {
        "tpu.region"() ({
          %run_scoped3A = tpu.sem_alloc : memref<!tpu.dma_semaphore, #tpu.memory_space<semaphore_mem>>
          tpu.enqueue_dma source(%arg3 : memref<79x128xf32, #tpu.memory_space<hbm>>) target(%arg9 : memref<79x128xf32, #tpu.memory_space<vmem_shared>>) target_semaphore(%run_scoped3A : memref<!tpu.dma_semaphore, #tpu.memory_space<semaphore_mem>>)
          tpu.wait_dma2 semaphore(%run_scoped3A : memref<!tpu.dma_semaphore, #tpu.memory_space<semaphore_mem>>) src(%arg3 : memref<79x128xf32, #tpu.memory_space<hbm>>) dst(%arg9 : memref<79x128xf32, #tpu.memory_space<vmem_shared>>)
          tpu.yield
        }) : () -> ()
      } else {
      }
      %broadcast_in_dim3A = arith.constant 1.000000e+00 : f32
      %broadcast_in_dim3A_8 = vector.broadcast %broadcast_in_dim3A : f32 to vector<16xf32>
      %scan3A = arith.constant 0 : i32
      %scan3A_9 = arith.constant 160 : i32
      %scan3A_10 = arith.addi %scan3A, %scan3A_9 : i32
      %scan3A_11 = arith.constant 1 : i32
      scf.for %scan3A_19 = %scan3A to %scan3A_10 step %scan3A_11  : i32 {
        %mul3A_20 = arith.constant 1 : i32
        %mul3A_21 = arith.muli %scan3A_19, %mul3A_20 : i32
        %add3A = arith.constant 0 : i32
        %add3A_22 = arith.addi %add3A, %mul3A_21 : i32
        %get3A = arith.index_cast %add3A_22 : i32 to index
        %get3A_23 = arith.constant 0 : index
        %get3A_24 = tpu.vector_load %arg6[%get3A, %get3A_23] {strides = array<i32>} : memref<160x128xi32, #tpu.memory_space<vmem>>, vector<16xi32>,
        %shift_right_logical3A = arith.constant 7 : i32
        %shift_right_logical3A_25 = vector.broadcast %shift_right_logical3A : i32 to vector<16xi32>
        %shift_right_logical3A_26 = arith.shrui %get3A_24, %shift_right_logical3A_25 : vector<16xi32>
        %and3A = arith.constant 127 : i32
        %and3A_27 = vector.broadcast %and3A : i32 to vector<16xi32>
        %and3A_28 = arith.andi %get3A_24, %and3A_27 : vector<16xi32>
        tpu.vector_store_idx %arg7[%shift_right_logical3A_26, %and3A_28], %broadcast_in_dim3A_8 {add = true} : memref<79x128xf32, #tpu.memory_space<vmem>>[vector<16xi32>, vector<16xi32>], vector<16xf32>,
        %get3A_29 = arith.index_cast %add3A_22 : i32 to index
        %get3A_30 = arith.constant 16 : index
        %get3A_31 = tpu.vector_load %arg6[%get3A_29, %get3A_30] {strides = array<i32>} : memref<160x128xi32, #tpu.memory_space<vmem>>, vector<16xi32>,
        %shift_right_logical3A_32 = arith.constant 7 : i32
        %shift_right_logical3A_33 = vector.broadcast %shift_right_logical3A_32 : i32 to vector<16xi32>
        %shift_right_logical3A_34 = arith.shrui %get3A_31, %shift_right_logical3A_33 : vector<16xi32>
        %and3A_35 = arith.constant 127 : i32
        %and3A_36 = vector.broadcast %and3A_35 : i32 to vector<16xi32>
        %and3A_37 = arith.andi %get3A_31, %and3A_36 : vector<16xi32>
        tpu.vector_store_idx %arg7[%shift_right_logical3A_34, %and3A_37], %broadcast_in_dim3A_8 {add = true} : memref<79x128xf32, #tpu.memory_space<vmem>>[vector<16xi32>, vector<16xi32>], vector<16xf32>,
        %get3A_38 = arith.index_cast %add3A_22 : i32 to index
        %get3A_39 = arith.constant 32 : index
        %get3A_40 = tpu.vector_load %arg6[%get3A_38, %get3A_39] {strides = array<i32>} : memref<160x128xi32, #tpu.memory_space<vmem>>, vector<16xi32>,
        %shift_right_logical3A_41 = arith.constant 7 : i32
        %shift_right_logical3A_42 = vector.broadcast %shift_right_logical3A_41 : i32 to vector<16xi32>
        %shift_right_logical3A_43 = arith.shrui %get3A_40, %shift_right_logical3A_42 : vector<16xi32>
        %and3A_44 = arith.constant 127 : i32
        %and3A_45 = vector.broadcast %and3A_44 : i32 to vector<16xi32>
        %and3A_46 = arith.andi %get3A_40, %and3A_45 : vector<16xi32>
        tpu.vector_store_idx %arg7[%shift_right_logical3A_43, %and3A_46], %broadcast_in_dim3A_8 {add = true} : memref<79x128xf32, #tpu.memory_space<vmem>>[vector<16xi32>, vector<16xi32>], vector<16xf32>,
        %get3A_47 = arith.index_cast %add3A_22 : i32 to index
        %get3A_48 = arith.constant 48 : index
        %get3A_49 = tpu.vector_load %arg6[%get3A_47, %get3A_48] {strides = array<i32>} : memref<160x128xi32, #tpu.memory_space<vmem>>, vector<16xi32>,
        %shift_right_logical3A_50 = arith.constant 7 : i32
        %shift_right_logical3A_51 = vector.broadcast %shift_right_logical3A_50 : i32 to vector<16xi32>
        %shift_right_logical3A_52 = arith.shrui %get3A_49, %shift_right_logical3A_51 : vector<16xi32>
        %and3A_53 = arith.constant 127 : i32
        %and3A_54 = vector.broadcast %and3A_53 : i32 to vector<16xi32>
        %and3A_55 = arith.andi %get3A_49, %and3A_54 : vector<16xi32>
        tpu.vector_store_idx %arg7[%shift_right_logical3A_52, %and3A_55], %broadcast_in_dim3A_8 {add = true} : memref<79x128xf32, #tpu.memory_space<vmem>>[vector<16xi32>, vector<16xi32>], vector<16xf32>,
        %get3A_56 = arith.index_cast %add3A_22 : i32 to index
        %get3A_57 = arith.constant 64 : index
        %get3A_58 = tpu.vector_load %arg6[%get3A_56, %get3A_57] {strides = array<i32>} : memref<160x128xi32, #tpu.memory_space<vmem>>, vector<16xi32>,
        %shift_right_logical3A_59 = arith.constant 7 : i32
        %shift_right_logical3A_60 = vector.broadcast %shift_right_logical3A_59 : i32 to vector<16xi32>
        %shift_right_logical3A_61 = arith.shrui %get3A_58, %shift_right_logical3A_60 : vector<16xi32>
        %and3A_62 = arith.constant 127 : i32
        %and3A_63 = vector.broadcast %and3A_62 : i32 to vector<16xi32>
        %and3A_64 = arith.andi %get3A_58, %and3A_63 : vector<16xi32>
        tpu.vector_store_idx %arg7[%shift_right_logical3A_61, %and3A_64], %broadcast_in_dim3A_8 {add = true} : memref<79x128xf32, #tpu.memory_space<vmem>>[vector<16xi32>, vector<16xi32>], vector<16xf32>,
        %get3A_65 = arith.index_cast %add3A_22 : i32 to index
        %get3A_66 = arith.constant 80 : index
        %get3A_67 = tpu.vector_load %arg6[%get3A_65, %get3A_66] {strides = array<i32>} : memref<160x128xi32, #tpu.memory_space<vmem>>, vector<16xi32>,
        %shift_right_logical3A_68 = arith.constant 7 : i32
        %shift_right_logical3A_69 = vector.broadcast %shift_right_logical3A_68 : i32 to vector<16xi32>
        %shift_right_logical3A_70 = arith.shrui %get3A_67, %shift_right_logical3A_69 : vector<16xi32>
        %and3A_71 = arith.constant 127 : i32
        %and3A_72 = vector.broadcast %and3A_71 : i32 to vector<16xi32>
        %and3A_73 = arith.andi %get3A_67, %and3A_72 : vector<16xi32>
        tpu.vector_store_idx %arg7[%shift_right_logical3A_70, %and3A_73], %broadcast_in_dim3A_8 {add = true} : memref<79x128xf32, #tpu.memory_space<vmem>>[vector<16xi32>, vector<16xi32>], vector<16xf32>,
        %get3A_74 = arith.index_cast %add3A_22 : i32 to index
        %get3A_75 = arith.constant 96 : index
        %get3A_76 = tpu.vector_load %arg6[%get3A_74, %get3A_75] {strides = array<i32>} : memref<160x128xi32, #tpu.memory_space<vmem>>, vector<16xi32>,
        %shift_right_logical3A_77 = arith.constant 7 : i32
        %shift_right_logical3A_78 = vector.broadcast %shift_right_logical3A_77 : i32 to vector<16xi32>
        %shift_right_logical3A_79 = arith.shrui %get3A_76, %shift_right_logical3A_78 : vector<16xi32>
        %and3A_80 = arith.constant 127 : i32
        %and3A_81 = vector.broadcast %and3A_80 : i32 to vector<16xi32>
        %and3A_82 = arith.andi %get3A_76, %and3A_81 : vector<16xi32>
        tpu.vector_store_idx %arg7[%shift_right_logical3A_79, %and3A_82], %broadcast_in_dim3A_8 {add = true} : memref<79x128xf32, #tpu.memory_space<vmem>>[vector<16xi32>, vector<16xi32>], vector<16xf32>,
        %get3A_83 = arith.index_cast %add3A_22 : i32 to index
        %get3A_84 = arith.constant 112 : index
        %get3A_85 = tpu.vector_load %arg6[%get3A_83, %get3A_84] {strides = array<i32>} : memref<160x128xi32, #tpu.memory_space<vmem>>, vector<16xi32>,
        %shift_right_logical3A_86 = arith.constant 7 : i32
        %shift_right_logical3A_87 = vector.broadcast %shift_right_logical3A_86 : i32 to vector<16xi32>
        %shift_right_logical3A_88 = arith.shrui %get3A_85, %shift_right_logical3A_87 : vector<16xi32>
        %and3A_89 = arith.constant 127 : i32
        %and3A_90 = vector.broadcast %and3A_89 : i32 to vector<16xi32>
        %and3A_91 = arith.andi %get3A_85, %and3A_90 : vector<16xi32>
        tpu.vector_store_idx %arg7[%shift_right_logical3A_88, %and3A_91], %broadcast_in_dim3A_8 {add = true} : memref<79x128xf32, #tpu.memory_space<vmem>>[vector<16xi32>, vector<16xi32>], vector<16xf32>,
      }
      %scan3A_12 = arith.constant 160 : i32
      %barrier3A = arith.constant 0 : index
      tpu.barrier barrier_id(%barrier3A)
      "tpu.region"() ({
        %run_scoped3A = tpu.sem_alloc : memref<!tpu.dma_semaphore, #tpu.memory_space<semaphore_mem>>
        %dma_start3A = arith.constant 0 : i32
        %dma_start3A_19 = arith.constant 0 : i32
        %dma_start3A_20 = tpu.memref_slice %arg9[%dma_start3A, %dma_start3A_19] : memref<79x128xf32, #tpu.memory_space<vmem_shared>> -> memref<79x128xf32, #tpu.memory_space<vmem_shared>>
        tpu.enqueue_indirect_dma source(%arg7 : memref<79x128xf32, #tpu.memory_space<vmem>>) target(%dma_start3A_20 : memref<79x128xf32, #tpu.memory_space<vmem_shared>>) offsets(%arg8 : memref<79xi32, #tpu.memory_space<vmem>>) semaphore(%run_scoped3A : memref<!tpu.dma_semaphore, #tpu.memory_space<semaphore_mem>>) {add = true}
        %dma_wait3A = arith.constant 0 : i32
        %dma_wait3A_21 = arith.constant 0 : i32
        %dma_wait3A_22 = tpu.memref_slice %arg9[%dma_wait3A, %dma_wait3A_21] : memref<79x128xf32, #tpu.memory_space<vmem_shared>> -> memref<79x128xf32, #tpu.memory_space<vmem_shared>>
        tpu.wait_indirect_dma semaphore(%run_scoped3A : memref<!tpu.dma_semaphore, #tpu.memory_space<semaphore_mem>>) src(%arg7 : memref<79x128xf32, #tpu.memory_space<vmem>>) dst(%dma_wait3A_22 : memref<79x128xf32, #tpu.memory_space<vmem_shared>>)
        tpu.yield
      }) : () -> ()
      %barrier3A_13 = arith.constant 0 : index
      tpu.barrier barrier_id(%barrier3A_13)
      %eq3A_14 = arith.constant 0 : i32
      %eq3A_15 = arith.cmpi eq, %arg1, %eq3A_14 : i32
      %convert_element_type3A_16 = arith.extui %eq3A_15 : i1 to i32
      %cond3A_17 = arith.constant 0 : i32
      %cond3A_18 = arith.cmpi ne, %convert_element_type3A_16, %cond3A_17 : i32
      scf.if %cond3A_18 {
        "tpu.region"() ({
          %run_scoped3A = tpu.sem_alloc : memref<!tpu.dma_semaphore, #tpu.memory_space<semaphore_mem>>
          tpu.enqueue_dma source(%arg9 : memref<79x128xf32, #tpu.memory_space<vmem_shared>>) target(%arg5 : memref<79x128xf32, #tpu.memory_space<hbm>>) target_semaphore(%run_scoped3A : memref<!tpu.dma_semaphore, #tpu.memory_space<semaphore_mem>>)
          tpu.wait_dma2 semaphore(%run_scoped3A : memref<!tpu.dma_semaphore, #tpu.memory_space<semaphore_mem>>) src(%arg9 : memref<79x128xf32, #tpu.memory_space<vmem_shared>>) dst(%arg5 : memref<79x128xf32, #tpu.memory_space<hbm>>)
          tpu.yield
        }) : () -> ()
      } else {
      }
    } else {
    }
    return
  }
}

#map = affine_map<(d0, d1) -> (0, 0)>
module attributes {stable_mosaic.version = 14 : i64} {
  func.func @_sc_aggregate_half(%arg0: i32, %arg1: i32, %arg2: memref<10000x128xf32, #tpu.memory_space<hbm>>, %arg3: memref<2560x128xi32, #tpu.memory_space<hbm>>, %arg4: memref<2560x128xi32, #tpu.memory_space<hbm>>, %arg5: memref<10112x128xf32, #tpu.memory_space<hbm>>, %arg6: memref<20224x128xf32, #tpu.memory_space<hbm>>, %arg7: memref<16x128xi32, #tpu.memory_space<vmem>>, %arg8: memref<16x128xi32, #tpu.memory_space<vmem>>, %arg9: memref<2x128x128xf32, #tpu.memory_space<vmem>>, %arg10: memref<10112x128xf32, #tpu.memory_space<vmem_shared>>, %arg11: memref<!tpu.dma_semaphore, #tpu.memory_space<semaphore_mem>>, %arg12: memref<!tpu.dma_semaphore, #tpu.memory_space<semaphore_mem>>) attributes {dimension_semantics = [#tpu.dimension_semantics<core_parallel>, #tpu.dimension_semantics<subcore_parallel>], iteration_bounds = array<i64: 2, 16>, scalar_prefetch = 0 : i64, scratch_operands = 6 : i64, tpu.core_type = #tpu.core_type<sc_vector_subcore>, window_params = [{transform_indices = #map}, {transform_indices = #map}, {transform_indices = #map}, {transform_indices = #map}, {transform_indices = #map}]} {
    %mul3A = arith.constant 632 : i32
    %mul3A_0 = arith.muli %arg1, %mul3A : i32
    "tpu.region"() ({
      %run_scoped3A = tpu.sem_alloc : memref<!tpu.dma_semaphore, #tpu.memory_space<semaphore_mem>>
      %dma_start3A = arith.constant 0 : i32
      %dma_start3A_10 = tpu.memref_slice %arg10[%mul3A_0, %dma_start3A] : memref<10112x128xf32, #tpu.memory_space<vmem_shared>> -> memref<632x128xf32, #tpu.memory_space<vmem_shared>>
      %dma_start3A_11 = arith.constant 0 : i32
      %dma_start3A_12 = tpu.memref_slice %arg5[%mul3A_0, %dma_start3A_11] : memref<10112x128xf32, #tpu.memory_space<hbm>> -> memref<632x128xf32, #tpu.memory_space<hbm>>
      tpu.enqueue_dma source(%dma_start3A_12 : memref<632x128xf32, #tpu.memory_space<hbm>>) target(%dma_start3A_10 : memref<632x128xf32, #tpu.memory_space<vmem_shared>>) target_semaphore(%run_scoped3A : memref<!tpu.dma_semaphore, #tpu.memory_space<semaphore_mem>>)
      %dma_wait3A = arith.constant 0 : i32
      %dma_wait3A_13 = tpu.memref_slice %arg10[%mul3A_0, %dma_wait3A] : memref<10112x128xf32, #tpu.memory_space<vmem_shared>> -> memref<632x128xf32, #tpu.memory_space<vmem_shared>>
      %dma_wait3A_14 = arith.constant 0 : i32
      %dma_wait3A_15 = tpu.memref_slice %arg5[%mul3A_0, %dma_wait3A_14] : memref<10112x128xf32, #tpu.memory_space<hbm>> -> memref<632x128xf32, #tpu.memory_space<hbm>>
      tpu.wait_dma2 semaphore(%run_scoped3A : memref<!tpu.dma_semaphore, #tpu.memory_space<semaphore_mem>>) src(%dma_wait3A_15 : memref<632x128xf32, #tpu.memory_space<hbm>>) dst(%dma_wait3A_13 : memref<632x128xf32, #tpu.memory_space<vmem_shared>>)
      tpu.yield
    }) : () -> ()
    %barrier3A = arith.constant 0 : index
    tpu.barrier barrier_id(%barrier3A)
    %scan3A = arith.constant 0 : i32
    %scan3A_1 = arith.constant 5 : i32
    %scan3A_2 = arith.addi %scan3A, %scan3A_1 : i32
    %scan3A_3 = arith.constant 1 : i32
    scf.for %scan3A_10 = %scan3A to %scan3A_2 step %scan3A_3  : i32 {
      %mul3A_11 = arith.constant 1 : i32
      %mul3A_12 = arith.muli %scan3A_10, %mul3A_11 : i32
      %add3A_13 = arith.constant 0 : i32
      %add3A_14 = arith.addi %add3A_13, %mul3A_12 : i32
      %mul3A_15 = arith.constant 1280 : i32
      %mul3A_16 = arith.muli %arg0, %mul3A_15 : i32
      %mul3A_17 = arith.constant 80 : i32
      %mul3A_18 = arith.muli %arg1, %mul3A_17 : i32
      %add3A_19 = arith.addi %mul3A_16, %mul3A_18 : i32
      %mul3A_20 = arith.constant 16 : i32
      %mul3A_21 = arith.muli %add3A_14, %mul3A_20 : i32
      %add3A_22 = arith.addi %add3A_19, %mul3A_21 : i32
      "tpu.region"() ({
        %run_scoped3A_77 = tpu.sem_alloc : memref<!tpu.dma_semaphore, #tpu.memory_space<semaphore_mem>>
        %dma_start3A_78 = arith.constant 0 : i32
        %dma_start3A_79 = tpu.memref_slice %arg3[%add3A_22, %dma_start3A_78] : memref<2560x128xi32, #tpu.memory_space<hbm>> -> memref<16x128xi32, #tpu.memory_space<hbm>>
        %dma_start3A_80 = arith.constant 0 : i32
        %dma_start3A_81 = tpu.memref_slice %arg3[%add3A_22, %dma_start3A_80] : memref<2560x128xi32, #tpu.memory_space<hbm>> -> memref<16x128xi32, #tpu.memory_space<hbm>>
        tpu.enqueue_dma source(%dma_start3A_81 : memref<16x128xi32, #tpu.memory_space<hbm>>) target(%arg7 : memref<16x128xi32, #tpu.memory_space<vmem>>) target_semaphore(%run_scoped3A_77 : memref<!tpu.dma_semaphore, #tpu.memory_space<semaphore_mem>>)
        %dma_wait3A_82 = arith.constant 0 : i32
        %dma_wait3A_83 = tpu.memref_slice %arg3[%add3A_22, %dma_wait3A_82] : memref<2560x128xi32, #tpu.memory_space<hbm>> -> memref<16x128xi32, #tpu.memory_space<hbm>>
        %dma_wait3A_84 = arith.constant 0 : i32
        %dma_wait3A_85 = tpu.memref_slice %arg3[%add3A_22, %dma_wait3A_84] : memref<2560x128xi32, #tpu.memory_space<hbm>> -> memref<16x128xi32, #tpu.memory_space<hbm>>
        tpu.wait_dma2 semaphore(%run_scoped3A_77 : memref<!tpu.dma_semaphore, #tpu.memory_space<semaphore_mem>>) src(%dma_wait3A_85 : memref<16x128xi32, #tpu.memory_space<hbm>>) dst(%arg7 : memref<16x128xi32, #tpu.memory_space<vmem>>)
        tpu.yield
      }) : () -> ()
      "tpu.region"() ({
        %run_scoped3A_77 = tpu.sem_alloc : memref<!tpu.dma_semaphore, #tpu.memory_space<semaphore_mem>>
        %dma_start3A_78 = arith.constant 0 : i32
        %dma_start3A_79 = tpu.memref_slice %arg4[%add3A_22, %dma_start3A_78] : memref<2560x128xi32, #tpu.memory_space<hbm>> -> memref<16x128xi32, #tpu.memory_space<hbm>>
        %dma_start3A_80 = arith.constant 0 : i32
        %dma_start3A_81 = tpu.memref_slice %arg4[%add3A_22, %dma_start3A_80] : memref<2560x128xi32, #tpu.memory_space<hbm>> -> memref<16x128xi32, #tpu.memory_space<hbm>>
        tpu.enqueue_dma source(%dma_start3A_81 : memref<16x128xi32, #tpu.memory_space<hbm>>) target(%arg8 : memref<16x128xi32, #tpu.memory_space<vmem>>) target_semaphore(%run_scoped3A_77 : memref<!tpu.dma_semaphore, #tpu.memory_space<semaphore_mem>>)
        %dma_wait3A_82 = arith.constant 0 : i32
        %dma_wait3A_83 = tpu.memref_slice %arg4[%add3A_22, %dma_wait3A_82] : memref<2560x128xi32, #tpu.memory_space<hbm>> -> memref<16x128xi32, #tpu.memory_space<hbm>>
        %dma_wait3A_84 = arith.constant 0 : i32
        %dma_wait3A_85 = tpu.memref_slice %arg4[%add3A_22, %dma_wait3A_84] : memref<2560x128xi32, #tpu.memory_space<hbm>> -> memref<16x128xi32, #tpu.memory_space<hbm>>
        tpu.wait_dma2 semaphore(%run_scoped3A_77 : memref<!tpu.dma_semaphore, #tpu.memory_space<semaphore_mem>>) src(%dma_wait3A_85 : memref<16x128xi32, #tpu.memory_space<hbm>>) dst(%arg8 : memref<16x128xi32, #tpu.memory_space<vmem>>)
        tpu.yield
      }) : () -> ()
      %dma_start3A = arith.constant 0 : i32
      %dma_start3A_23 = arith.constant 0 : i32
      %dma_start3A_24 = arith.constant 0 : i32
      %dma_start3A_25 = arith.constant 0 : i32
      %dma_start3A_26 = tpu.memref_slice %arg9[%dma_start3A_23, %dma_start3A_24, %dma_start3A_25] : memref<2x128x128xf32, #tpu.memory_space<vmem>> -> memref<1x128x128xf32, #tpu.memory_space<vmem>>
      %dma_start3A_27 = tpu.memref_squeeze %dma_start3A_26 : memref<1x128x128xf32, #tpu.memory_space<vmem>> -> memref<128x128xf32, #tpu.memory_space<vmem>>
      %dma_start3A_28 = arith.constant 0 : i32
      %dma_start3A_29 = tpu.memref_slice %arg7[%dma_start3A, %dma_start3A_28] : memref<16x128xi32, #tpu.memory_space<vmem>> -> memref<1x128xi32, #tpu.memory_space<vmem>>
      %dma_start3A_30 = tpu.memref_squeeze %dma_start3A_29 : memref<1x128xi32, #tpu.memory_space<vmem>> -> memref<128xi32, #tpu.memory_space<vmem>>
      %dma_start3A_31 = arith.constant 0 : i32
      %dma_start3A_32 = arith.constant 0 : i32
      %dma_start3A_33 = tpu.memref_slice %arg2[%dma_start3A_31, %dma_start3A_32] : memref<10000x128xf32, #tpu.memory_space<hbm>> -> memref<10000x128xf32, #tpu.memory_space<hbm>>
      tpu.enqueue_indirect_dma source(%dma_start3A_33 : memref<10000x128xf32, #tpu.memory_space<hbm>>) target(%dma_start3A_27 : memref<128x128xf32, #tpu.memory_space<vmem>>) offsets(%dma_start3A_30 : memref<128xi32, #tpu.memory_space<vmem>>) semaphore(%arg11 : memref<!tpu.dma_semaphore, #tpu.memory_space<semaphore_mem>>)
      %scan3A_34 = arith.constant 0 : i32
      %scan3A_35 = arith.constant 7 : i32
      %scan3A_36 = arith.addi %scan3A_34, %scan3A_35 : i32
      %scan3A_37 = arith.constant 1 : i32
      scf.for %scan3A_77 = %scan3A_34 to %scan3A_36 step %scan3A_37  : i32 {
        %mul3A_78 = arith.constant 1 : i32
        %mul3A_79 = arith.muli %scan3A_77, %mul3A_78 : i32
        %add3A_80 = arith.constant 0 : i32
        %add3A_81 = arith.addi %add3A_80, %mul3A_79 : i32
        %mul3A_82 = arith.constant 2 : i32
        %mul3A_83 = arith.muli %add3A_81, %mul3A_82 : i32
        %add3A_84 = arith.constant 1 : i32
        %add3A_85 = arith.addi %mul3A_83, %add3A_84 : i32
        %add3A_86 = arith.constant 2 : i32
        %add3A_87 = arith.addi %mul3A_83, %add3A_86 : i32
        %dma_wait3A_88 = arith.constant 0 : i32
        %dma_wait3A_89 = arith.constant 0 : i32
        %dma_wait3A_90 = arith.constant 0 : i32
        %dma_wait3A_91 = tpu.memref_slice %arg9[%dma_wait3A_88, %dma_wait3A_89, %dma_wait3A_90] : memref<2x128x128xf32, #tpu.memory_space<vmem>> -> memref<1x128x128xf32, #tpu.memory_space<vmem>>
        %dma_wait3A_92 = tpu.memref_squeeze %dma_wait3A_91 : memref<1x128x128xf32, #tpu.memory_space<vmem>> -> memref<128x128xf32, #tpu.memory_space<vmem>>
        %dma_wait3A_93 = arith.constant 0 : i32
        %dma_wait3A_94 = tpu.memref_slice %arg7[%mul3A_83, %dma_wait3A_93] : memref<16x128xi32, #tpu.memory_space<vmem>> -> memref<1x128xi32, #tpu.memory_space<vmem>>
        %dma_wait3A_95 = tpu.memref_squeeze %dma_wait3A_94 : memref<1x128xi32, #tpu.memory_space<vmem>> -> memref<128xi32, #tpu.memory_space<vmem>>
        %dma_wait3A_96 = arith.constant 0 : i32
        %dma_wait3A_97 = arith.constant 0 : i32
        %dma_wait3A_98 = tpu.memref_slice %arg2[%dma_wait3A_96, %dma_wait3A_97] : memref<10000x128xf32, #tpu.memory_space<hbm>> -> memref<10000x128xf32, #tpu.memory_space<hbm>>
        tpu.wait_indirect_dma semaphore(%arg11 : memref<!tpu.dma_semaphore, #tpu.memory_space<semaphore_mem>>) src(%dma_wait3A_98 : memref<10000x128xf32, #tpu.memory_space<hbm>>) dst(%dma_wait3A_92 : memref<128x128xf32, #tpu.memory_space<vmem>>)
        %dma_start3A_99 = arith.constant 1 : i32
        %dma_start3A_100 = arith.constant 0 : i32
        %dma_start3A_101 = arith.constant 0 : i32
        %dma_start3A_102 = tpu.memref_slice %arg9[%dma_start3A_99, %dma_start3A_100, %dma_start3A_101] : memref<2x128x128xf32, #tpu.memory_space<vmem>> -> memref<1x128x128xf32, #tpu.memory_space<vmem>>
        %dma_start3A_103 = tpu.memref_squeeze %dma_start3A_102 : memref<1x128x128xf32, #tpu.memory_space<vmem>> -> memref<128x128xf32, #tpu.memory_space<vmem>>
        %dma_start3A_104 = arith.constant 0 : i32
        %dma_start3A_105 = tpu.memref_slice %arg7[%add3A_85, %dma_start3A_104] : memref<16x128xi32, #tpu.memory_space<vmem>> -> memref<1x128xi32, #tpu.memory_space<vmem>>
        %dma_start3A_106 = tpu.memref_squeeze %dma_start3A_105 : memref<1x128xi32, #tpu.memory_space<vmem>> -> memref<128xi32, #tpu.memory_space<vmem>>
        %dma_start3A_107 = arith.constant 0 : i32
        %dma_start3A_108 = arith.constant 0 : i32
        %dma_start3A_109 = tpu.memref_slice %arg2[%dma_start3A_107, %dma_start3A_108] : memref<10000x128xf32, #tpu.memory_space<hbm>> -> memref<10000x128xf32, #tpu.memory_space<hbm>>
        tpu.enqueue_indirect_dma source(%dma_start3A_109 : memref<10000x128xf32, #tpu.memory_space<hbm>>) target(%dma_start3A_103 : memref<128x128xf32, #tpu.memory_space<vmem>>) offsets(%dma_start3A_106 : memref<128xi32, #tpu.memory_space<vmem>>) semaphore(%arg12 : memref<!tpu.dma_semaphore, #tpu.memory_space<semaphore_mem>>)
        %run_scoped3A_110 = arith.constant 0 : i32
        "tpu.region"() ({
          %run_scoped3A_134 = tpu.sem_alloc : memref<!tpu.dma_semaphore, #tpu.memory_space<semaphore_mem>>
          %dma_start3A_135 = arith.constant 0 : i32
          %dma_start3A_136 = arith.constant 0 : i32
          %dma_start3A_137 = tpu.memref_slice %arg9[%run_scoped3A_110, %dma_start3A_135, %dma_start3A_136] : memref<2x128x128xf32, #tpu.memory_space<vmem>> -> memref<1x128x128xf32, #tpu.memory_space<vmem>>
          %dma_start3A_138 = tpu.memref_squeeze %dma_start3A_137 : memref<1x128x128xf32, #tpu.memory_space<vmem>> -> memref<128x128xf32, #tpu.memory_space<vmem>>
          %dma_start3A_139 = arith.constant 0 : i32
          %dma_start3A_140 = tpu.memref_slice %arg8[%mul3A_83, %dma_start3A_139] : memref<16x128xi32, #tpu.memory_space<vmem>> -> memref<1x128xi32, #tpu.memory_space<vmem>>
          %dma_start3A_141 = tpu.memref_squeeze %dma_start3A_140 : memref<1x128xi32, #tpu.memory_space<vmem>> -> memref<128xi32, #tpu.memory_space<vmem>>
          %dma_start3A_142 = arith.constant 0 : i32
          %dma_start3A_143 = arith.constant 0 : i32
          %dma_start3A_144 = tpu.memref_slice %arg10[%dma_start3A_142, %dma_start3A_143] : memref<10112x128xf32, #tpu.memory_space<vmem_shared>> -> memref<10112x128xf32, #tpu.memory_space<vmem_shared>>
          tpu.enqueue_indirect_dma source(%dma_start3A_138 : memref<128x128xf32, #tpu.memory_space<vmem>>) target(%dma_start3A_144 : memref<10112x128xf32, #tpu.memory_space<vmem_shared>>) offsets(%dma_start3A_141 : memref<128xi32, #tpu.memory_space<vmem>>) semaphore(%run_scoped3A_134 : memref<!tpu.dma_semaphore, #tpu.memory_space<semaphore_mem>>) {add = true}
          %dma_wait3A_145 = arith.constant 0 : i32
          %dma_wait3A_146 = arith.constant 0 : i32
          %dma_wait3A_147 = tpu.memref_slice %arg9[%run_scoped3A_110, %dma_wait3A_145, %dma_wait3A_146] : memref<2x128x128xf32, #tpu.memory_space<vmem>> -> memref<1x128x128xf32, #tpu.memory_space<vmem>>
          %dma_wait3A_148 = tpu.memref_squeeze %dma_wait3A_147 : memref<1x128x128xf32, #tpu.memory_space<vmem>> -> memref<128x128xf32, #tpu.memory_space<vmem>>
          %dma_wait3A_149 = arith.constant 0 : i32
          %dma_wait3A_150 = tpu.memref_slice %arg8[%mul3A_83, %dma_wait3A_149] : memref<16x128xi32, #tpu.memory_space<vmem>> -> memref<1x128xi32, #tpu.memory_space<vmem>>
          %dma_wait3A_151 = tpu.memref_squeeze %dma_wait3A_150 : memref<1x128xi32, #tpu.memory_space<vmem>> -> memref<128xi32, #tpu.memory_space<vmem>>
          %dma_wait3A_152 = arith.constant 0 : i32
          %dma_wait3A_153 = arith.constant 0 : i32
          %dma_wait3A_154 = tpu.memref_slice %arg10[%dma_wait3A_152, %dma_wait3A_153] : memref<10112x128xf32, #tpu.memory_space<vmem_shared>> -> memref<10112x128xf32, #tpu.memory_space<vmem_shared>>
          tpu.wait_indirect_dma semaphore(%run_scoped3A_134 : memref<!tpu.dma_semaphore, #tpu.memory_space<semaphore_mem>>) src(%dma_wait3A_148 : memref<128x128xf32, #tpu.memory_space<vmem>>) dst(%dma_wait3A_154 : memref<10112x128xf32, #tpu.memory_space<vmem_shared>>)
          tpu.yield
        }) : () -> ()
        %dma_wait3A_111 = arith.constant 1 : i32
        %dma_wait3A_112 = arith.constant 0 : i32
        %dma_wait3A_113 = arith.constant 0 : i32
        %dma_wait3A_114 = tpu.memref_slice %arg9[%dma_wait3A_111, %dma_wait3A_112, %dma_wait3A_113] : memref<2x128x128xf32, #tpu.memory_space<vmem>> -> memref<1x128x128xf32, #tpu.memory_space<vmem>>
        %dma_wait3A_115 = tpu.memref_squeeze %dma_wait3A_114 : memref<1x128x128xf32, #tpu.memory_space<vmem>> -> memref<128x128xf32, #tpu.memory_space<vmem>>
        %dma_wait3A_116 = arith.constant 0 : i32
        %dma_wait3A_117 = tpu.memref_slice %arg7[%add3A_85, %dma_wait3A_116] : memref<16x128xi32, #tpu.memory_space<vmem>> -> memref<1x128xi32, #tpu.memory_space<vmem>>
        %dma_wait3A_118 = tpu.memref_squeeze %dma_wait3A_117 : memref<1x128xi32, #tpu.memory_space<vmem>> -> memref<128xi32, #tpu.memory_space<vmem>>
        %dma_wait3A_119 = arith.constant 0 : i32
        %dma_wait3A_120 = arith.constant 0 : i32
        %dma_wait3A_121 = tpu.memref_slice %arg2[%dma_wait3A_119, %dma_wait3A_120] : memref<10000x128xf32, #tpu.memory_space<hbm>> -> memref<10000x128xf32, #tpu.memory_space<hbm>>
        tpu.wait_indirect_dma semaphore(%arg12 : memref<!tpu.dma_semaphore, #tpu.memory_space<semaphore_mem>>) src(%dma_wait3A_121 : memref<10000x128xf32, #tpu.memory_space<hbm>>) dst(%dma_wait3A_115 : memref<128x128xf32, #tpu.memory_space<vmem>>)
        %dma_start3A_122 = arith.constant 0 : i32
        %dma_start3A_123 = arith.constant 0 : i32
        %dma_start3A_124 = arith.constant 0 : i32
        %dma_start3A_125 = tpu.memref_slice %arg9[%dma_start3A_122, %dma_start3A_123, %dma_start3A_124] : memref<2x128x128xf32, #tpu.memory_space<vmem>> -> memref<1x128x128xf32, #tpu.memory_space<vmem>>
        %dma_start3A_126 = tpu.memref_squeeze %dma_start3A_125 : memref<1x128x128xf32, #tpu.memory_space<vmem>> -> memref<128x128xf32, #tpu.memory_space<vmem>>
        %dma_start3A_127 = arith.constant 0 : i32
        %dma_start3A_128 = tpu.memref_slice %arg7[%add3A_87, %dma_start3A_127] : memref<16x128xi32, #tpu.memory_space<vmem>> -> memref<1x128xi32, #tpu.memory_space<vmem>>
        %dma_start3A_129 = tpu.memref_squeeze %dma_start3A_128 : memref<1x128xi32, #tpu.memory_space<vmem>> -> memref<128xi32, #tpu.memory_space<vmem>>
        %dma_start3A_130 = arith.constant 0 : i32
        %dma_start3A_131 = arith.constant 0 : i32
        %dma_start3A_132 = tpu.memref_slice %arg2[%dma_start3A_130, %dma_start3A_131] : memref<10000x128xf32, #tpu.memory_space<hbm>> -> memref<10000x128xf32, #tpu.memory_space<hbm>>
        tpu.enqueue_indirect_dma source(%dma_start3A_132 : memref<10000x128xf32, #tpu.memory_space<hbm>>) target(%dma_start3A_126 : memref<128x128xf32, #tpu.memory_space<vmem>>) offsets(%dma_start3A_129 : memref<128xi32, #tpu.memory_space<vmem>>) semaphore(%arg11 : memref<!tpu.dma_semaphore, #tpu.memory_space<semaphore_mem>>)
        %run_scoped3A_133 = arith.constant 1 : i32
        "tpu.region"() ({
          %run_scoped3A_134 = tpu.sem_alloc : memref<!tpu.dma_semaphore, #tpu.memory_space<semaphore_mem>>
          %dma_start3A_135 = arith.constant 0 : i32
          %dma_start3A_136 = arith.constant 0 : i32
          %dma_start3A_137 = tpu.memref_slice %arg9[%run_scoped3A_133, %dma_start3A_135, %dma_start3A_136] : memref<2x128x128xf32, #tpu.memory_space<vmem>> -> memref<1x128x128xf32, #tpu.memory_space<vmem>>
          %dma_start3A_138 = tpu.memref_squeeze %dma_start3A_137 : memref<1x128x128xf32, #tpu.memory_space<vmem>> -> memref<128x128xf32, #tpu.memory_space<vmem>>
          %dma_start3A_139 = arith.constant 0 : i32
          %dma_start3A_140 = tpu.memref_slice %arg8[%add3A_85, %dma_start3A_139] : memref<16x128xi32, #tpu.memory_space<vmem>> -> memref<1x128xi32, #tpu.memory_space<vmem>>
          %dma_start3A_141 = tpu.memref_squeeze %dma_start3A_140 : memref<1x128xi32, #tpu.memory_space<vmem>> -> memref<128xi32, #tpu.memory_space<vmem>>
          %dma_start3A_142 = arith.constant 0 : i32
          %dma_start3A_143 = arith.constant 0 : i32
          %dma_start3A_144 = tpu.memref_slice %arg10[%dma_start3A_142, %dma_start3A_143] : memref<10112x128xf32, #tpu.memory_space<vmem_shared>> -> memref<10112x128xf32, #tpu.memory_space<vmem_shared>>
          tpu.enqueue_indirect_dma source(%dma_start3A_138 : memref<128x128xf32, #tpu.memory_space<vmem>>) target(%dma_start3A_144 : memref<10112x128xf32, #tpu.memory_space<vmem_shared>>) offsets(%dma_start3A_141 : memref<128xi32, #tpu.memory_space<vmem>>) semaphore(%run_scoped3A_134 : memref<!tpu.dma_semaphore, #tpu.memory_space<semaphore_mem>>) {add = true}
          %dma_wait3A_145 = arith.constant 0 : i32
          %dma_wait3A_146 = arith.constant 0 : i32
          %dma_wait3A_147 = tpu.memref_slice %arg9[%run_scoped3A_133, %dma_wait3A_145, %dma_wait3A_146] : memref<2x128x128xf32, #tpu.memory_space<vmem>> -> memref<1x128x128xf32, #tpu.memory_space<vmem>>
          %dma_wait3A_148 = tpu.memref_squeeze %dma_wait3A_147 : memref<1x128x128xf32, #tpu.memory_space<vmem>> -> memref<128x128xf32, #tpu.memory_space<vmem>>
          %dma_wait3A_149 = arith.constant 0 : i32
          %dma_wait3A_150 = tpu.memref_slice %arg8[%add3A_85, %dma_wait3A_149] : memref<16x128xi32, #tpu.memory_space<vmem>> -> memref<1x128xi32, #tpu.memory_space<vmem>>
          %dma_wait3A_151 = tpu.memref_squeeze %dma_wait3A_150 : memref<1x128xi32, #tpu.memory_space<vmem>> -> memref<128xi32, #tpu.memory_space<vmem>>
          %dma_wait3A_152 = arith.constant 0 : i32
          %dma_wait3A_153 = arith.constant 0 : i32
          %dma_wait3A_154 = tpu.memref_slice %arg10[%dma_wait3A_152, %dma_wait3A_153] : memref<10112x128xf32, #tpu.memory_space<vmem_shared>> -> memref<10112x128xf32, #tpu.memory_space<vmem_shared>>
          tpu.wait_indirect_dma semaphore(%run_scoped3A_134 : memref<!tpu.dma_semaphore, #tpu.memory_space<semaphore_mem>>) src(%dma_wait3A_148 : memref<128x128xf32, #tpu.memory_space<vmem>>) dst(%dma_wait3A_154 : memref<10112x128xf32, #tpu.memory_space<vmem_shared>>)
          tpu.yield
        }) : () -> ()
      }
      %scan3A_38 = arith.constant 7 : i32
      %dma_wait3A = arith.constant 14 : i32
      %dma_wait3A_39 = arith.constant 0 : i32
      %dma_wait3A_40 = arith.constant 0 : i32
      %dma_wait3A_41 = arith.constant 0 : i32
      %dma_wait3A_42 = tpu.memref_slice %arg9[%dma_wait3A_39, %dma_wait3A_40, %dma_wait3A_41] : memref<2x128x128xf32, #tpu.memory_space<vmem>> -> memref<1x128x128xf32, #tpu.memory_space<vmem>>
      %dma_wait3A_43 = tpu.memref_squeeze %dma_wait3A_42 : memref<1x128x128xf32, #tpu.memory_space<vmem>> -> memref<128x128xf32, #tpu.memory_space<vmem>>
      %dma_wait3A_44 = arith.constant 0 : i32
      %dma_wait3A_45 = tpu.memref_slice %arg7[%dma_wait3A, %dma_wait3A_44] : memref<16x128xi32, #tpu.memory_space<vmem>> -> memref<1x128xi32, #tpu.memory_space<vmem>>
      %dma_wait3A_46 = tpu.memref_squeeze %dma_wait3A_45 : memref<1x128xi32, #tpu.memory_space<vmem>> -> memref<128xi32, #tpu.memory_space<vmem>>
      %dma_wait3A_47 = arith.constant 0 : i32
      %dma_wait3A_48 = arith.constant 0 : i32
      %dma_wait3A_49 = tpu.memref_slice %arg2[%dma_wait3A_47, %dma_wait3A_48] : memref<10000x128xf32, #tpu.memory_space<hbm>> -> memref<10000x128xf32, #tpu.memory_space<hbm>>
      tpu.wait_indirect_dma semaphore(%arg11 : memref<!tpu.dma_semaphore, #tpu.memory_space<semaphore_mem>>) src(%dma_wait3A_49 : memref<10000x128xf32, #tpu.memory_space<hbm>>) dst(%dma_wait3A_43 : memref<128x128xf32, #tpu.memory_space<vmem>>)
      %dma_start3A_50 = arith.constant 15 : i32
      %dma_start3A_51 = arith.constant 1 : i32
      %dma_start3A_52 = arith.constant 0 : i32
      %dma_start3A_53 = arith.constant 0 : i32
      %dma_start3A_54 = tpu.memref_slice %arg9[%dma_start3A_51, %dma_start3A_52, %dma_start3A_53] : memref<2x128x128xf32, #tpu.memory_space<vmem>> -> memref<1x128x128xf32, #tpu.memory_space<vmem>>
      %dma_start3A_55 = tpu.memref_squeeze %dma_start3A_54 : memref<1x128x128xf32, #tpu.memory_space<vmem>> -> memref<128x128xf32, #tpu.memory_space<vmem>>
      %dma_start3A_56 = arith.constant 0 : i32
      %dma_start3A_57 = tpu.memref_slice %arg7[%dma_start3A_50, %dma_start3A_56] : memref<16x128xi32, #tpu.memory_space<vmem>> -> memref<1x128xi32, #tpu.memory_space<vmem>>
      %dma_start3A_58 = tpu.memref_squeeze %dma_start3A_57 : memref<1x128xi32, #tpu.memory_space<vmem>> -> memref<128xi32, #tpu.memory_space<vmem>>
      %dma_start3A_59 = arith.constant 0 : i32
      %dma_start3A_60 = arith.constant 0 : i32
      %dma_start3A_61 = tpu.memref_slice %arg2[%dma_start3A_59, %dma_start3A_60] : memref<10000x128xf32, #tpu.memory_space<hbm>> -> memref<10000x128xf32, #tpu.memory_space<hbm>>
      tpu.enqueue_indirect_dma source(%dma_start3A_61 : memref<10000x128xf32, #tpu.memory_space<hbm>>) target(%dma_start3A_55 : memref<128x128xf32, #tpu.memory_space<vmem>>) offsets(%dma_start3A_58 : memref<128xi32, #tpu.memory_space<vmem>>) semaphore(%arg12 : memref<!tpu.dma_semaphore, #tpu.memory_space<semaphore_mem>>)
      %run_scoped3A = arith.constant 0 : i32
      %run_scoped3A_62 = arith.constant 14 : i32
      "tpu.region"() ({
        %run_scoped3A_77 = tpu.sem_alloc : memref<!tpu.dma_semaphore, #tpu.memory_space<semaphore_mem>>
        %dma_start3A_78 = arith.constant 0 : i32
        %dma_start3A_79 = arith.constant 0 : i32
        %dma_start3A_80 = tpu.memref_slice %arg9[%run_scoped3A, %dma_start3A_78, %dma_start3A_79] : memref<2x128x128xf32, #tpu.memory_space<vmem>> -> memref<1x128x128xf32, #tpu.memory_space<vmem>>
        %dma_start3A_81 = tpu.memref_squeeze %dma_start3A_80 : memref<1x128x128xf32, #tpu.memory_space<vmem>> -> memref<128x128xf32, #tpu.memory_space<vmem>>
        %dma_start3A_82 = arith.constant 0 : i32
        %dma_start3A_83 = tpu.memref_slice %arg8[%run_scoped3A_62, %dma_start3A_82] : memref<16x128xi32, #tpu.memory_space<vmem>> -> memref<1x128xi32, #tpu.memory_space<vmem>>
        %dma_start3A_84 = tpu.memref_squeeze %dma_start3A_83 : memref<1x128xi32, #tpu.memory_space<vmem>> -> memref<128xi32, #tpu.memory_space<vmem>>
        %dma_start3A_85 = arith.constant 0 : i32
        %dma_start3A_86 = arith.constant 0 : i32
        %dma_start3A_87 = tpu.memref_slice %arg10[%dma_start3A_85, %dma_start3A_86] : memref<10112x128xf32, #tpu.memory_space<vmem_shared>> -> memref<10112x128xf32, #tpu.memory_space<vmem_shared>>
        tpu.enqueue_indirect_dma source(%dma_start3A_81 : memref<128x128xf32, #tpu.memory_space<vmem>>) target(%dma_start3A_87 : memref<10112x128xf32, #tpu.memory_space<vmem_shared>>) offsets(%dma_start3A_84 : memref<128xi32, #tpu.memory_space<vmem>>) semaphore(%run_scoped3A_77 : memref<!tpu.dma_semaphore, #tpu.memory_space<semaphore_mem>>) {add = true}
        %dma_wait3A_88 = arith.constant 0 : i32
        %dma_wait3A_89 = arith.constant 0 : i32
        %dma_wait3A_90 = tpu.memref_slice %arg9[%run_scoped3A, %dma_wait3A_88, %dma_wait3A_89] : memref<2x128x128xf32, #tpu.memory_space<vmem>> -> memref<1x128x128xf32, #tpu.memory_space<vmem>>
        %dma_wait3A_91 = tpu.memref_squeeze %dma_wait3A_90 : memref<1x128x128xf32, #tpu.memory_space<vmem>> -> memref<128x128xf32, #tpu.memory_space<vmem>>
        %dma_wait3A_92 = arith.constant 0 : i32
        %dma_wait3A_93 = tpu.memref_slice %arg8[%run_scoped3A_62, %dma_wait3A_92] : memref<16x128xi32, #tpu.memory_space<vmem>> -> memref<1x128xi32, #tpu.memory_space<vmem>>
        %dma_wait3A_94 = tpu.memref_squeeze %dma_wait3A_93 : memref<1x128xi32, #tpu.memory_space<vmem>> -> memref<128xi32, #tpu.memory_space<vmem>>
        %dma_wait3A_95 = arith.constant 0 : i32
        %dma_wait3A_96 = arith.constant 0 : i32
        %dma_wait3A_97 = tpu.memref_slice %arg10[%dma_wait3A_95, %dma_wait3A_96] : memref<10112x128xf32, #tpu.memory_space<vmem_shared>> -> memref<10112x128xf32, #tpu.memory_space<vmem_shared>>
        tpu.wait_indirect_dma semaphore(%run_scoped3A_77 : memref<!tpu.dma_semaphore, #tpu.memory_space<semaphore_mem>>) src(%dma_wait3A_91 : memref<128x128xf32, #tpu.memory_space<vmem>>) dst(%dma_wait3A_97 : memref<10112x128xf32, #tpu.memory_space<vmem_shared>>)
        tpu.yield
      }) : () -> ()
      %dma_wait3A_63 = arith.constant 15 : i32
      %dma_wait3A_64 = arith.constant 1 : i32
      %dma_wait3A_65 = arith.constant 0 : i32
      %dma_wait3A_66 = arith.constant 0 : i32
      %dma_wait3A_67 = tpu.memref_slice %arg9[%dma_wait3A_64, %dma_wait3A_65, %dma_wait3A_66] : memref<2x128x128xf32, #tpu.memory_space<vmem>> -> memref<1x128x128xf32, #tpu.memory_space<vmem>>
      %dma_wait3A_68 = tpu.memref_squeeze %dma_wait3A_67 : memref<1x128x128xf32, #tpu.memory_space<vmem>> -> memref<128x128xf32, #tpu.memory_space<vmem>>
      %dma_wait3A_69 = arith.constant 0 : i32
      %dma_wait3A_70 = tpu.memref_slice %arg7[%dma_wait3A_63, %dma_wait3A_69] : memref<16x128xi32, #tpu.memory_space<vmem>> -> memref<1x128xi32, #tpu.memory_space<vmem>>
      %dma_wait3A_71 = tpu.memref_squeeze %dma_wait3A_70 : memref<1x128xi32, #tpu.memory_space<vmem>> -> memref<128xi32, #tpu.memory_space<vmem>>
      %dma_wait3A_72 = arith.constant 0 : i32
      %dma_wait3A_73 = arith.constant 0 : i32
      %dma_wait3A_74 = tpu.memref_slice %arg2[%dma_wait3A_72, %dma_wait3A_73] : memref<10000x128xf32, #tpu.memory_space<hbm>> -> memref<10000x128xf32, #tpu.memory_space<hbm>>
      tpu.wait_indirect_dma semaphore(%arg12 : memref<!tpu.dma_semaphore, #tpu.memory_space<semaphore_mem>>) src(%dma_wait3A_74 : memref<10000x128xf32, #tpu.memory_space<hbm>>) dst(%dma_wait3A_68 : memref<128x128xf32, #tpu.memory_space<vmem>>)
      %run_scoped3A_75 = arith.constant 1 : i32
      %run_scoped3A_76 = arith.constant 15 : i32
      "tpu.region"() ({
        %run_scoped3A_77 = tpu.sem_alloc : memref<!tpu.dma_semaphore, #tpu.memory_space<semaphore_mem>>
        %dma_start3A_78 = arith.constant 0 : i32
        %dma_start3A_79 = arith.constant 0 : i32
        %dma_start3A_80 = tpu.memref_slice %arg9[%run_scoped3A_75, %dma_start3A_78, %dma_start3A_79] : memref<2x128x128xf32, #tpu.memory_space<vmem>> -> memref<1x128x128xf32, #tpu.memory_space<vmem>>
        %dma_start3A_81 = tpu.memref_squeeze %dma_start3A_80 : memref<1x128x128xf32, #tpu.memory_space<vmem>> -> memref<128x128xf32, #tpu.memory_space<vmem>>
        %dma_start3A_82 = arith.constant 0 : i32
        %dma_start3A_83 = tpu.memref_slice %arg8[%run_scoped3A_76, %dma_start3A_82] : memref<16x128xi32, #tpu.memory_space<vmem>> -> memref<1x128xi32, #tpu.memory_space<vmem>>
        %dma_start3A_84 = tpu.memref_squeeze %dma_start3A_83 : memref<1x128xi32, #tpu.memory_space<vmem>> -> memref<128xi32, #tpu.memory_space<vmem>>
        %dma_start3A_85 = arith.constant 0 : i32
        %dma_start3A_86 = arith.constant 0 : i32
        %dma_start3A_87 = tpu.memref_slice %arg10[%dma_start3A_85, %dma_start3A_86] : memref<10112x128xf32, #tpu.memory_space<vmem_shared>> -> memref<10112x128xf32, #tpu.memory_space<vmem_shared>>
        tpu.enqueue_indirect_dma source(%dma_start3A_81 : memref<128x128xf32, #tpu.memory_space<vmem>>) target(%dma_start3A_87 : memref<10112x128xf32, #tpu.memory_space<vmem_shared>>) offsets(%dma_start3A_84 : memref<128xi32, #tpu.memory_space<vmem>>) semaphore(%run_scoped3A_77 : memref<!tpu.dma_semaphore, #tpu.memory_space<semaphore_mem>>) {add = true}
        %dma_wait3A_88 = arith.constant 0 : i32
        %dma_wait3A_89 = arith.constant 0 : i32
        %dma_wait3A_90 = tpu.memref_slice %arg9[%run_scoped3A_75, %dma_wait3A_88, %dma_wait3A_89] : memref<2x128x128xf32, #tpu.memory_space<vmem>> -> memref<1x128x128xf32, #tpu.memory_space<vmem>>
        %dma_wait3A_91 = tpu.memref_squeeze %dma_wait3A_90 : memref<1x128x128xf32, #tpu.memory_space<vmem>> -> memref<128x128xf32, #tpu.memory_space<vmem>>
        %dma_wait3A_92 = arith.constant 0 : i32
        %dma_wait3A_93 = tpu.memref_slice %arg8[%run_scoped3A_76, %dma_wait3A_92] : memref<16x128xi32, #tpu.memory_space<vmem>> -> memref<1x128xi32, #tpu.memory_space<vmem>>
        %dma_wait3A_94 = tpu.memref_squeeze %dma_wait3A_93 : memref<1x128xi32, #tpu.memory_space<vmem>> -> memref<128xi32, #tpu.memory_space<vmem>>
        %dma_wait3A_95 = arith.constant 0 : i32
        %dma_wait3A_96 = arith.constant 0 : i32
        %dma_wait3A_97 = tpu.memref_slice %arg10[%dma_wait3A_95, %dma_wait3A_96] : memref<10112x128xf32, #tpu.memory_space<vmem_shared>> -> memref<10112x128xf32, #tpu.memory_space<vmem_shared>>
        tpu.wait_indirect_dma semaphore(%run_scoped3A_77 : memref<!tpu.dma_semaphore, #tpu.memory_space<semaphore_mem>>) src(%dma_wait3A_91 : memref<128x128xf32, #tpu.memory_space<vmem>>) dst(%dma_wait3A_97 : memref<10112x128xf32, #tpu.memory_space<vmem_shared>>)
        tpu.yield
      }) : () -> ()
    }
    %scan3A_4 = arith.constant 5 : i32
    %barrier3A_5 = arith.constant 0 : index
    tpu.barrier barrier_id(%barrier3A_5)
    %mul3A_6 = arith.constant 10112 : i32
    %mul3A_7 = arith.muli %arg0, %mul3A_6 : i32
    %mul3A_8 = arith.constant 632 : i32
    %mul3A_9 = arith.muli %arg1, %mul3A_8 : i32
    %add3A = arith.addi %mul3A_7, %mul3A_9 : i32
    "tpu.region"() ({
      %run_scoped3A = tpu.sem_alloc : memref<!tpu.dma_semaphore, #tpu.memory_space<semaphore_mem>>
      %dma_start3A = arith.constant 0 : i32
      %dma_start3A_10 = tpu.memref_slice %arg6[%add3A, %dma_start3A] : memref<20224x128xf32, #tpu.memory_space<hbm>> -> memref<632x128xf32, #tpu.memory_space<hbm>>
      %dma_start3A_11 = arith.constant 0 : i32
      %dma_start3A_12 = tpu.memref_slice %arg10[%mul3A_0, %dma_start3A_11] : memref<10112x128xf32, #tpu.memory_space<vmem_shared>> -> memref<632x128xf32, #tpu.memory_space<vmem_shared>>
      tpu.enqueue_dma source(%dma_start3A_12 : memref<632x128xf32, #tpu.memory_space<vmem_shared>>) target(%dma_start3A_10 : memref<632x128xf32, #tpu.memory_space<hbm>>) target_semaphore(%run_scoped3A : memref<!tpu.dma_semaphore, #tpu.memory_space<semaphore_mem>>)
      %dma_wait3A = arith.constant 0 : i32
      %dma_wait3A_13 = tpu.memref_slice %arg6[%add3A, %dma_wait3A] : memref<20224x128xf32, #tpu.memory_space<hbm>> -> memref<632x128xf32, #tpu.memory_space<hbm>>
      %dma_wait3A_14 = arith.constant 0 : i32
      %dma_wait3A_15 = tpu.memref_slice %arg10[%mul3A_0, %dma_wait3A_14] : memref<10112x128xf32, #tpu.memory_space<vmem_shared>> -> memref<632x128xf32, #tpu.memory_space<vmem_shared>>
      tpu.wait_dma2 semaphore(%run_scoped3A : memref<!tpu.dma_semaphore, #tpu.memory_space<semaphore_mem>>) src(%dma_wait3A_15 : memref<632x128xf32, #tpu.memory_space<vmem_shared>>) dst(%dma_wait3A_13 : memref<632x128xf32, #tpu.memory_space<hbm>>)
      tpu.yield
    }) : () -> ()
    return
  }
}

module attributes {stable_mosaic.version = 14 : i64} {
  func.func @_xscale_body(%arg0: i32, %arg1: memref<2000x128xf32, #tpu.memory_space<vmem>>, %arg2: memref<2000x8xf32, #tpu.memory_space<vmem>>, %arg3: memref<2000x128xf32, #tpu.memory_space<vmem>>) attributes {dimension_semantics = [#tpu.dimension_semantics<arbitrary>], iteration_bounds = array<i64: 5>, scalar_prefetch = 0 : i64, scratch_operands = 0 : i64, tpu.core_type = #tpu.core_type<tc>, window_params = [{transform_indices = @transform_0, window_bounds = array<i64: 2000, 128>}, {transform_indices = @transform_1, window_bounds = array<i64: 2000, 8>}, {transform_indices = @transform_2, window_bounds = array<i64: 2000, 128>}]} {
    %get3A = arith.constant 0 : index
    %get3A_0 = arith.constant 0 : index
    %get3A_1 = vector.load %arg1[%get3A, %get3A_0] : memref<2000x128xf32, #tpu.memory_space<vmem>>, vector<2000x128xf32>
    %get3A_2 = arith.constant 0 : index
    %get3A_3 = arith.constant 0 : index
    %get3A_4 = vector.load %arg2[%get3A_2, %get3A_3] : memref<2000x8xf32, #tpu.memory_space<vmem>>, vector<2000x8xf32>
    %slice3A = vector.extract_strided_slice %get3A_4 {offsets = [0, 0], sizes = [2000, 1], strides = [1, 1]} : vector<2000x8xf32> to vector<2000x1xf32>
    %add3A = arith.constant 1.000000e+00 : f32
    %add3A_5 = vector.broadcast %add3A : f32 to vector<2000x1xf32>
    %add3A_6 = arith.addf %slice3A, %add3A_5 : vector<2000x1xf32>
    %rsqrt3A = math.rsqrt %add3A_6 : vector<2000x1xf32>
    %mul3A = vector.broadcast %rsqrt3A : vector<2000x1xf32> to vector<2000x128xf32>
    %mul3A_7 = arith.mulf %get3A_1, %mul3A : vector<2000x128xf32>
    %swap3A = arith.constant 0 : index
    %swap3A_8 = arith.constant 0 : index
    %swap3A_9 = vector.load %arg3[%swap3A, %swap3A_8] : memref<2000x128xf32, #tpu.memory_space<vmem>>, vector<2000x128xf32>
    tpu.vector_store %arg3[%swap3A, %swap3A_8], %mul3A_7 {strides = array<i32>} : memref<2000x128xf32, #tpu.memory_space<vmem>>, vector<2000x128xf32>,
    return
  }
  func.func @transform_0(%arg0: i32) -> (i32, i32) {
    %c0_i32 = arith.constant 0 : i32
    %c0_i32_0 = arith.constant 0 : i32
    return %arg0, %c0_i32 : i32, i32
  }
  func.func @transform_1(%arg0: i32) -> (i32, i32) {
    %c0_i32 = arith.constant 0 : i32
    %c0_i32_0 = arith.constant 0 : i32
    return %arg0, %c0_i32 : i32, i32
  }
  func.func @transform_2(%arg0: i32) -> (i32, i32) {
    %c0_i32 = arith.constant 0 : i32
    %c0_i32_0 = arith.constant 0 : i32
    return %arg0, %c0_i32 : i32, i32
  }
}

module attributes {stable_mosaic.version = 14 : i64} {
  func.func @_z1stats_body(%arg0: i32, %arg1: memref<2000x128xf32, #tpu.memory_space<vmem>>, %arg2: memref<2000x128xf32, #tpu.memory_space<vmem>>, %arg3: memref<2000x128xf32, #tpu.memory_space<vmem>>, %arg4: memref<2000x8xf32, #tpu.memory_space<vmem>>, %arg5: memref<256x128xf32, #tpu.memory_space<vmem>>, %arg6: memref<1x256xf32, #tpu.memory_space<vmem>>, %arg7: memref<2000x256xf32, #tpu.memory_space<vmem>>, %arg8: memref<2x256xf32, #tpu.memory_space<vmem>>) attributes {dimension_semantics = [#tpu.dimension_semantics<arbitrary>], iteration_bounds = array<i64: 5>, scalar_prefetch = 0 : i64, scratch_operands = 0 : i64, tpu.core_type = #tpu.core_type<tc>, window_params = [{transform_indices = @transform_0, window_bounds = array<i64: 2000, 128>}, {transform_indices = @transform_1, window_bounds = array<i64: 2000, 128>}, {transform_indices = @transform_2, window_bounds = array<i64: 2000, 128>}, {transform_indices = @transform_3, window_bounds = array<i64: 2000, 8>}, {pipeline_mode = #tpu.pipeline_mode<synchronous>, transform_indices = @transform_4, window_bounds = array<i64: 256, 128>}, {pipeline_mode = #tpu.pipeline_mode<synchronous>, transform_indices = @transform_5, window_bounds = array<i64: 1, 256>}, {transform_indices = @transform_6, window_bounds = array<i64: 2000, 256>}, {pipeline_mode = #tpu.pipeline_mode<synchronous>, transform_indices = @transform_7, window_bounds = array<i64: 2, 256>}]} {
    %get3A = arith.constant 0 : index
    %get3A_0 = arith.constant 0 : index
    %get3A_1 = vector.load %arg4[%get3A, %get3A_0] : memref<2000x8xf32, #tpu.memory_space<vmem>>, vector<2000x8xf32>
    %slice3A = vector.extract_strided_slice %get3A_1 {offsets = [0, 0], sizes = [2000, 1], strides = [1, 1]} : vector<2000x8xf32> to vector<2000x1xf32>
    %add3A = arith.constant 1.000000e+00 : f32
    %add3A_2 = vector.broadcast %add3A : f32 to vector<2000x1xf32>
    %add3A_3 = arith.addf %slice3A, %add3A_2 : vector<2000x1xf32>
    %rsqrt3A = math.rsqrt %add3A_3 : vector<2000x1xf32>
    %get3A_4 = arith.constant 0 : index
    %get3A_5 = arith.constant 0 : index
    %get3A_6 = vector.load %arg1[%get3A_4, %get3A_5] : memref<2000x128xf32, #tpu.memory_space<vmem>>, vector<2000x128xf32>
    %get3A_7 = arith.constant 0 : index
    %get3A_8 = arith.constant 0 : index
    %get3A_9 = vector.load %arg2[%get3A_7, %get3A_8] : memref<2000x128xf32, #tpu.memory_space<vmem>>, vector<2000x128xf32>
    %add3A_10 = arith.addf %get3A_6, %get3A_9 : vector<2000x128xf32>
    %get3A_11 = arith.constant 0 : index
    %get3A_12 = arith.constant 0 : index
    %get3A_13 = vector.load %arg3[%get3A_11, %get3A_12] : memref<2000x128xf32, #tpu.memory_space<vmem>>, vector<2000x128xf32>
    %add3A_14 = arith.addf %add3A_10, %get3A_13 : vector<2000x128xf32>
    %mul3A = vector.broadcast %rsqrt3A : vector<2000x1xf32> to vector<2000x128xf32>
    %mul3A_15 = arith.mulf %mul3A, %add3A_14 : vector<2000x128xf32>
    %get3A_16 = arith.constant 0 : index
    %get3A_17 = arith.constant 0 : index
    %get3A_18 = vector.load %arg5[%get3A_16, %get3A_17] : memref<256x128xf32, #tpu.memory_space<vmem>>, vector<256x128xf32>
    %dot_general3A = arith.constant dense<0.000000e+00> : vector<2000x256xf32>
    %dot_general3A_19 = tpu.matmul %mul3A_15, %get3A_18, %dot_general3A {dimension_numbers = #tpu.dot_dimension_numbers<[1], [1], [0], [0], [0, 0, 1, 0], [], []>, precision = #tpu.contract_precision<fp32>, transpose_lhs_hint = false} : vector<2000x128xf32>, vector<256x128xf32>, vector<2000x256xf32> -> vector<2000x256xf32>
    %get3A_20 = arith.constant 0 : index
    %get3A_21 = arith.constant 0 : index
    %get3A_22 = vector.load %arg6[%get3A_20, %get3A_21] : memref<1x256xf32, #tpu.memory_space<vmem>>, vector<1x256xf32>
    %add3A_23 = vector.broadcast %get3A_22 : vector<1x256xf32> to vector<2000x256xf32>
    %add3A_24 = arith.addf %dot_general3A_19, %add3A_23 : vector<2000x256xf32>
    %swap3A = arith.constant 0 : index
    %swap3A_25 = arith.constant 0 : index
    %swap3A_26 = vector.load %arg7[%swap3A, %swap3A_25] : memref<2000x256xf32, #tpu.memory_space<vmem>>, vector<2000x256xf32>
    tpu.vector_store %arg7[%swap3A, %swap3A_25], %add3A_24 {strides = array<i32>} : memref<2000x256xf32, #tpu.memory_space<vmem>>, vector<2000x256xf32>,
    %reduce_sum3A = arith.constant dense<0.000000e+00> : vector<256xf32>
    %reduce_sum3A_27 = vector.multi_reduction <add>, %add3A_24, %reduce_sum3A [0] : vector<2000x256xf32> to vector<256xf32>
    %broadcast_in_dim3A = vector.shape_cast %reduce_sum3A_27 : vector<256xf32> to vector<1x256xf32>
    %mul3A_28 = arith.mulf %add3A_24, %add3A_24 : vector<2000x256xf32>
    %reduce_sum3A_29 = arith.constant dense<0.000000e+00> : vector<256xf32>
    %reduce_sum3A_30 = vector.multi_reduction <add>, %mul3A_28, %reduce_sum3A_29 [0] : vector<2000x256xf32> to vector<256xf32>
    %broadcast_in_dim3A_31 = vector.shape_cast %reduce_sum3A_30 : vector<256xf32> to vector<1x256xf32>
    %concatenate3A = tpu.concatenate %broadcast_in_dim3A, %broadcast_in_dim3A_31 in 0 : vector<1x256xf32>, vector<1x256xf32> -> vector<2x256xf32>
    %eq3A = arith.constant 0 : i32
    %eq3A_32 = arith.cmpi eq, %arg0, %eq3A : i32
    %convert_element_type3A = arith.extui %eq3A_32 : i1 to i32
    %cond3A = arith.constant 0 : i32
    %cond3A_33 = arith.cmpi ne, %convert_element_type3A, %cond3A : i32
    scf.if %cond3A_33 {
      %swap3A_38 = arith.constant 0 : index
      %swap3A_39 = arith.constant 0 : index
      %swap3A_40 = vector.load %arg8[%swap3A_38, %swap3A_39] : memref<2x256xf32, #tpu.memory_space<vmem>>, vector<2x256xf32>
      tpu.vector_store %arg8[%swap3A_38, %swap3A_39], %concatenate3A {strides = array<i32>} : memref<2x256xf32, #tpu.memory_space<vmem>>, vector<2x256xf32>,
    } else {
    }
    %ne3A = arith.constant 0 : i32
    %ne3A_34 = arith.cmpi ne, %arg0, %ne3A : i32
    %convert_element_type3A_35 = arith.extui %ne3A_34 : i1 to i32
    %cond3A_36 = arith.constant 0 : i32
    %cond3A_37 = arith.cmpi ne, %convert_element_type3A_35, %cond3A_36 : i32
    scf.if %cond3A_37 {
      %get3A_38 = arith.constant 0 : index
      %get3A_39 = arith.constant 0 : index
      %get3A_40 = vector.load %arg8[%get3A_38, %get3A_39] : memref<2x256xf32, #tpu.memory_space<vmem>>, vector<2x256xf32>
      %add3A_41 = arith.addf %get3A_40, %concatenate3A : vector<2x256xf32>
      %swap3A_42 = arith.constant 0 : index
      %swap3A_43 = arith.constant 0 : index
      %swap3A_44 = vector.load %arg8[%swap3A_42, %swap3A_43] : memref<2x256xf32, #tpu.memory_space<vmem>>, vector<2x256xf32>
      tpu.vector_store %arg8[%swap3A_42, %swap3A_43], %add3A_41 {strides = array<i32>} : memref<2x256xf32, #tpu.memory_space<vmem>>, vector<2x256xf32>,
    } else {
    }
    return
  }
  func.func @transform_0(%arg0: i32) -> (i32, i32) {
    %c0_i32 = arith.constant 0 : i32
    %c0_i32_0 = arith.constant 0 : i32
    return %arg0, %c0_i32 : i32, i32
  }
  func.func @transform_1(%arg0: i32) -> (i32, i32) {
    %c0_i32 = arith.constant 0 : i32
    %c0_i32_0 = arith.constant 0 : i32
    return %arg0, %c0_i32 : i32, i32
  }
  func.func @transform_2(%arg0: i32) -> (i32, i32) {
    %c0_i32 = arith.constant 0 : i32
    %c0_i32_0 = arith.constant 0 : i32
    return %arg0, %c0_i32 : i32, i32
  }
  func.func @transform_3(%arg0: i32) -> (i32, i32) {
    %c0_i32 = arith.constant 0 : i32
    %c0_i32_0 = arith.constant 0 : i32
    return %arg0, %c0_i32 : i32, i32
  }
  func.func @transform_4(%arg0: i32) -> (i32, i32) {
    %c0_i32 = arith.constant 0 : i32
    %c0_i32_0 = arith.constant 0 : i32
    %c0_i32_1 = arith.constant 0 : i32
    return %c0_i32, %c0_i32_0 : i32, i32
  }
  func.func @transform_5(%arg0: i32) -> (i32, i32) {
    %c0_i32 = arith.constant 0 : i32
    %c0_i32_0 = arith.constant 0 : i32
    %c0_i32_1 = arith.constant 0 : i32
    return %c0_i32, %c0_i32_0 : i32, i32
  }
  func.func @transform_6(%arg0: i32) -> (i32, i32) {
    %c0_i32 = arith.constant 0 : i32
    %c0_i32_0 = arith.constant 0 : i32
    return %arg0, %c0_i32 : i32, i32
  }
  func.func @transform_7(%arg0: i32) -> (i32, i32) {
    %c0_i32 = arith.constant 0 : i32
    %c0_i32_0 = arith.constant 0 : i32
    %c0_i32_1 = arith.constant 0 : i32
    return %c0_i32, %c0_i32_0 : i32, i32
  }
}

module attributes {stable_mosaic.version = 14 : i64} {
  func.func @_np_mm_body(%arg0: i32, %arg1: i32, %arg2: memref<2000x256xf32, #tpu.memory_space<vmem>>, %arg3: memref<2x256xf32, #tpu.memory_space<vmem>>, %arg4: memref<1x256xf32, #tpu.memory_space<vmem>>, %arg5: memref<1x256xf32, #tpu.memory_space<vmem>>, %arg6: memref<1x1xf32, #tpu.memory_space<vmem>>, %arg7: memref<128x256xf32, #tpu.memory_space<vmem>>, %arg8: memref<2000x8xf32, #tpu.memory_space<vmem>>, %arg9: memref<2000x128xf32, #tpu.memory_space<vmem>>) attributes {dimension_semantics = [#tpu.dimension_semantics<arbitrary>, #tpu.dimension_semantics<arbitrary>], iteration_bounds = array<i64: 5, 2>, scalar_prefetch = 0 : i64, scratch_operands = 0 : i64, tpu.core_type = #tpu.core_type<tc>, window_params = [{transform_indices = @transform_0, window_bounds = array<i64: 2000, 256>}, {pipeline_mode = #tpu.pipeline_mode<synchronous>, transform_indices = @transform_1, window_bounds = array<i64: 2, 256>}, {pipeline_mode = #tpu.pipeline_mode<synchronous>, transform_indices = @transform_2, window_bounds = array<i64: 1, 256>}, {pipeline_mode = #tpu.pipeline_mode<synchronous>, transform_indices = @transform_3, window_bounds = array<i64: 1, 256>}, {pipeline_mode = #tpu.pipeline_mode<synchronous>, transform_indices = @transform_4, window_bounds = array<i64: 1, 1>}, {transform_indices = @transform_5, window_bounds = array<i64: 128, 256>}, {transform_indices = @transform_6, window_bounds = array<i64: 2000, 8>}, {transform_indices = @transform_7, window_bounds = array<i64: 2000, 128>}]} {
    %get3A = arith.constant 0 : index
    %get3A_0 = arith.constant 0 : index
    %get3A_1 = vector.load %arg3[%get3A, %get3A_0] : memref<2x256xf32, #tpu.memory_space<vmem>>, vector<2x256xf32>
    %slice3A = vector.extract_strided_slice %get3A_1 {offsets = [0, 0], sizes = [1, 256], strides = [1, 1]} : vector<2x256xf32> to vector<1x256xf32>
    %reduce_sum3A = vector.shape_cast %slice3A : vector<1x256xf32> to vector<1x1x256xf32>
    %reduce_sum3A_2 = arith.constant dense<0.000000e+00> : vector<1xf32>
    %reduce_sum3A_3 = vector.multi_reduction <add>, %reduce_sum3A, %reduce_sum3A_2 [1, 2] : vector<1x1x256xf32> to vector<1xf32>
    %reduce_sum3A_4 = vector.shape_cast %reduce_sum3A_3 : vector<1xf32> to vector<1x1x1xf32>
    %reduce_sum3A_5 = vector.extract %reduce_sum3A_4[0, 0, 0] : f32 from vector<1x1x1xf32>
    %div3A = arith.constant 2.560000e+06 : f32
    %div3A_6 = arith.divf %reduce_sum3A_5, %div3A : f32
    %slice3A_7 = vector.extract_strided_slice %get3A_1 {offsets = [1, 0], sizes = [1, 256], strides = [1, 1]} : vector<2x256xf32> to vector<1x256xf32>
    %reduce_sum3A_8 = vector.shape_cast %slice3A_7 : vector<1x256xf32> to vector<1x1x256xf32>
    %reduce_sum3A_9 = arith.constant dense<0.000000e+00> : vector<1xf32>
    %reduce_sum3A_10 = vector.multi_reduction <add>, %reduce_sum3A_8, %reduce_sum3A_9 [1, 2] : vector<1x1x256xf32> to vector<1xf32>
    %reduce_sum3A_11 = vector.shape_cast %reduce_sum3A_10 : vector<1xf32> to vector<1x1x1xf32>
    %reduce_sum3A_12 = vector.extract %reduce_sum3A_11[0, 0, 0] : f32 from vector<1x1x1xf32>
    %div3A_13 = arith.constant 2.560000e+06 : f32
    %div3A_14 = arith.divf %reduce_sum3A_12, %div3A_13 : f32
    %mul3A = arith.mulf %div3A_6, %div3A_6 : f32
    %sub3A = arith.subf %div3A_14, %mul3A : f32
    %add3A = arith.constant 9.99999974E-6 : f32
    %add3A_15 = arith.addf %sub3A, %add3A : f32
    %rsqrt3A = math.rsqrt %add3A_15 : f32
    %get3A_16 = arith.constant 0 : index
    %get3A_17 = arith.constant 0 : index
    %get3A_18 = vector.load %arg2[%get3A_16, %get3A_17] : memref<2000x256xf32, #tpu.memory_space<vmem>>, vector<2000x256xf32>
    %sub3A_19 = vector.broadcast %div3A_6 : f32 to vector<2000x256xf32>
    %sub3A_20 = arith.subf %get3A_18, %sub3A_19 : vector<2000x256xf32>
    %mul3A_21 = vector.broadcast %rsqrt3A : f32 to vector<2000x256xf32>
    %mul3A_22 = arith.mulf %sub3A_20, %mul3A_21 : vector<2000x256xf32>
    %get3A_23 = arith.constant 0 : index
    %get3A_24 = arith.constant 0 : index
    %get3A_25 = vector.load %arg4[%get3A_23, %get3A_24] : memref<1x256xf32, #tpu.memory_space<vmem>>, vector<1x256xf32>
    %mul3A_26 = vector.broadcast %get3A_25 : vector<1x256xf32> to vector<2000x256xf32>
    %mul3A_27 = arith.mulf %mul3A_22, %mul3A_26 : vector<2000x256xf32>
    %get3A_28 = arith.constant 0 : index
    %get3A_29 = arith.constant 0 : index
    %get3A_30 = vector.load %arg5[%get3A_28, %get3A_29] : memref<1x256xf32, #tpu.memory_space<vmem>>, vector<1x256xf32>
    %add3A_31 = vector.broadcast %get3A_30 : vector<1x256xf32> to vector<2000x256xf32>
    %add3A_32 = arith.addf %mul3A_27, %add3A_31 : vector<2000x256xf32>
    %get3A_33 = arith.constant 0 : index
    %get3A_34 = arith.constant 0 : index
    %get3A_35 = vector.load %arg6[%get3A_33, %get3A_34] : memref<1x1xf32, #tpu.memory_space<vmem>>, vector<1x1xf32>
    %get3A_36 = vector.extract %get3A_35[0, 0] : f32 from vector<1x1xf32>
    %max3A = arith.constant 0.000000e+00 : f32
    %max3A_37 = vector.broadcast %max3A : f32 to vector<2000x256xf32>
    %max3A_38 = arith.maximumf %add3A_32, %max3A_37 : vector<2000x256xf32>
    %min3A = arith.constant 0.000000e+00 : f32
    %min3A_39 = vector.broadcast %min3A : f32 to vector<2000x256xf32>
    %min3A_40 = arith.minimumf %add3A_32, %min3A_39 : vector<2000x256xf32>
    %mul3A_41 = vector.broadcast %get3A_36 : f32 to vector<2000x256xf32>
    %mul3A_42 = arith.mulf %mul3A_41, %min3A_40 : vector<2000x256xf32>
    %add3A_43 = arith.addf %max3A_38, %mul3A_42 : vector<2000x256xf32>
    %get3A_44 = arith.constant 0 : index
    %get3A_45 = arith.constant 0 : index
    %get3A_46 = vector.load %arg7[%get3A_44, %get3A_45] : memref<128x256xf32, #tpu.memory_space<vmem>>, vector<128x256xf32>
    %dot_general3A = arith.constant dense<0.000000e+00> : vector<2000x128xf32>
    %dot_general3A_47 = tpu.matmul %add3A_43, %get3A_46, %dot_general3A {dimension_numbers = #tpu.dot_dimension_numbers<[1], [1], [0], [0], [0, 0, 1, 0], [], []>, precision = #tpu.contract_precision<fp32>, transpose_lhs_hint = false} : vector<2000x256xf32>, vector<128x256xf32>, vector<2000x128xf32> -> vector<2000x128xf32>
    %get3A_48 = arith.constant 0 : index
    %get3A_49 = arith.constant 0 : index
    %get3A_50 = vector.load %arg8[%get3A_48, %get3A_49] : memref<2000x8xf32, #tpu.memory_space<vmem>>, vector<2000x8xf32>
    %slice3A_51 = vector.extract_strided_slice %get3A_50 {offsets = [0, 0], sizes = [2000, 1], strides = [1, 1]} : vector<2000x8xf32> to vector<2000x1xf32>
    %add3A_52 = arith.constant 1.000000e+00 : f32
    %add3A_53 = vector.broadcast %add3A_52 : f32 to vector<2000x1xf32>
    %add3A_54 = arith.addf %slice3A_51, %add3A_53 : vector<2000x1xf32>
    %rsqrt3A_55 = math.rsqrt %add3A_54 : vector<2000x1xf32>
    %mul3A_56 = vector.broadcast %rsqrt3A_55 : vector<2000x1xf32> to vector<2000x128xf32>
    %mul3A_57 = arith.mulf %dot_general3A_47, %mul3A_56 : vector<2000x128xf32>
    %swap3A = arith.constant 0 : index
    %swap3A_58 = arith.constant 0 : index
    %swap3A_59 = vector.load %arg9[%swap3A, %swap3A_58] : memref<2000x128xf32, #tpu.memory_space<vmem>>, vector<2000x128xf32>
    tpu.vector_store %arg9[%swap3A, %swap3A_58], %mul3A_57 {strides = array<i32>} : memref<2000x128xf32, #tpu.memory_space<vmem>>, vector<2000x128xf32>,
    return
  }
  func.func @transform_0(%arg0: i32, %arg1: i32) -> (i32, i32) {
    %c0_i32 = arith.constant 0 : i32
    %c0_i32_0 = arith.constant 0 : i32
    return %arg0, %c0_i32 : i32, i32
  }
  func.func @transform_1(%arg0: i32, %arg1: i32) -> (i32, i32) {
    %c0_i32 = arith.constant 0 : i32
    %c0_i32_0 = arith.constant 0 : i32
    %c0_i32_1 = arith.constant 0 : i32
    return %c0_i32, %c0_i32_0 : i32, i32
  }
  func.func @transform_2(%arg0: i32, %arg1: i32) -> (i32, i32) {
    %c0_i32 = arith.constant 0 : i32
    %c0_i32_0 = arith.constant 0 : i32
    %c0_i32_1 = arith.constant 0 : i32
    return %c0_i32, %c0_i32_0 : i32, i32
  }
  func.func @transform_3(%arg0: i32, %arg1: i32) -> (i32, i32) {
    %c0_i32 = arith.constant 0 : i32
    %c0_i32_0 = arith.constant 0 : i32
    %c0_i32_1 = arith.constant 0 : i32
    return %c0_i32, %c0_i32_0 : i32, i32
  }
  func.func @transform_4(%arg0: i32, %arg1: i32) -> (i32, i32) {
    %c0_i32 = arith.constant 0 : i32
    %c0_i32_0 = arith.constant 0 : i32
    %c0_i32_1 = arith.constant 0 : i32
    return %c0_i32, %c0_i32_0 : i32, i32
  }
  func.func @transform_5(%arg0: i32, %arg1: i32) -> (i32, i32) {
    %c0_i32 = arith.constant 0 : i32
    %c0_i32_0 = arith.constant 0 : i32
    return %arg1, %c0_i32 : i32, i32
  }
  func.func @transform_6(%arg0: i32, %arg1: i32) -> (i32, i32) {
    %c0_i32 = arith.constant 0 : i32
    %c0_i32_0 = arith.constant 0 : i32
    return %arg0, %c0_i32 : i32, i32
  }
  func.func @transform_7(%arg0: i32, %arg1: i32) -> (i32, i32) {
    %mul3A = arith.constant 5 : i32
    %mul3A_0 = arith.muli %arg1, %mul3A : i32
    %add3A = arith.addi %mul3A_0, %arg0 : i32
    %c0_i32 = arith.constant 0 : i32
    %c0_i32_1 = arith.constant 0 : i32
    return %add3A, %c0_i32 : i32, i32
  }
}

module attributes {stable_mosaic.version = 14 : i64} {
  func.func @_zstats_body(%arg0: i32, %arg1: memref<2000x128xf32, #tpu.memory_space<vmem>>, %arg2: memref<2000x128xf32, #tpu.memory_space<vmem>>, %arg3: memref<2000x128xf32, #tpu.memory_space<vmem>>, %arg4: memref<2000x128xf32, #tpu.memory_space<vmem>>, %arg5: memref<2000x8xf32, #tpu.memory_space<vmem>>, %arg6: memref<1x256xf32, #tpu.memory_space<vmem>>, %arg7: memref<2000x256xf32, #tpu.memory_space<vmem>>, %arg8: memref<2x256xf32, #tpu.memory_space<vmem>>) attributes {dimension_semantics = [#tpu.dimension_semantics<arbitrary>], iteration_bounds = array<i64: 5>, scalar_prefetch = 0 : i64, scratch_operands = 0 : i64, tpu.core_type = #tpu.core_type<tc>, window_params = [{transform_indices = @transform_0, window_bounds = array<i64: 2000, 128>}, {transform_indices = @transform_1, window_bounds = array<i64: 2000, 128>}, {transform_indices = @transform_2, window_bounds = array<i64: 2000, 128>}, {transform_indices = @transform_3, window_bounds = array<i64: 2000, 128>}, {transform_indices = @transform_4, window_bounds = array<i64: 2000, 8>}, {pipeline_mode = #tpu.pipeline_mode<synchronous>, transform_indices = @transform_5, window_bounds = array<i64: 1, 256>}, {transform_indices = @transform_6, window_bounds = array<i64: 2000, 256>}, {pipeline_mode = #tpu.pipeline_mode<synchronous>, transform_indices = @transform_7, window_bounds = array<i64: 2, 256>}]} {
    %get3A = arith.constant 0 : index
    %get3A_0 = arith.constant 0 : index
    %get3A_1 = vector.load %arg1[%get3A, %get3A_0] : memref<2000x128xf32, #tpu.memory_space<vmem>>, vector<2000x128xf32>
    %get3A_2 = arith.constant 0 : index
    %get3A_3 = arith.constant 0 : index
    %get3A_4 = vector.load %arg2[%get3A_2, %get3A_3] : memref<2000x128xf32, #tpu.memory_space<vmem>>, vector<2000x128xf32>
    %concatenate3A = tpu.concatenate %get3A_1, %get3A_4 in 1 : vector<2000x128xf32>, vector<2000x128xf32> -> vector<2000x256xf32>
    %get3A_5 = arith.constant 0 : index
    %get3A_6 = arith.constant 0 : index
    %get3A_7 = vector.load %arg3[%get3A_5, %get3A_6] : memref<2000x128xf32, #tpu.memory_space<vmem>>, vector<2000x128xf32>
    %get3A_8 = arith.constant 0 : index
    %get3A_9 = arith.constant 0 : index
    %get3A_10 = vector.load %arg4[%get3A_8, %get3A_9] : memref<2000x128xf32, #tpu.memory_space<vmem>>, vector<2000x128xf32>
    %concatenate3A_11 = tpu.concatenate %get3A_7, %get3A_10 in 1 : vector<2000x128xf32>, vector<2000x128xf32> -> vector<2000x256xf32>
    %get3A_12 = arith.constant 0 : index
    %get3A_13 = arith.constant 0 : index
    %get3A_14 = vector.load %arg5[%get3A_12, %get3A_13] : memref<2000x8xf32, #tpu.memory_space<vmem>>, vector<2000x8xf32>
    %slice3A = vector.extract_strided_slice %get3A_14 {offsets = [0, 0], sizes = [2000, 1], strides = [1, 1]} : vector<2000x8xf32> to vector<2000x1xf32>
    %add3A = arith.constant 1.000000e+00 : f32
    %add3A_15 = vector.broadcast %add3A : f32 to vector<2000x1xf32>
    %add3A_16 = arith.addf %slice3A, %add3A_15 : vector<2000x1xf32>
    %rsqrt3A = math.rsqrt %add3A_16 : vector<2000x1xf32>
    %add3A_17 = arith.addf %concatenate3A, %concatenate3A_11 : vector<2000x256xf32>
    %mul3A = vector.broadcast %rsqrt3A : vector<2000x1xf32> to vector<2000x256xf32>
    %mul3A_18 = arith.mulf %mul3A, %add3A_17 : vector<2000x256xf32>
    %get3A_19 = arith.constant 0 : index
    %get3A_20 = arith.constant 0 : index
    %get3A_21 = vector.load %arg6[%get3A_19, %get3A_20] : memref<1x256xf32, #tpu.memory_space<vmem>>, vector<1x256xf32>
    %add3A_22 = vector.broadcast %get3A_21 : vector<1x256xf32> to vector<2000x256xf32>
    %add3A_23 = arith.addf %mul3A_18, %add3A_22 : vector<2000x256xf32>
    %swap3A = arith.constant 0 : index
    %swap3A_24 = arith.constant 0 : index
    %swap3A_25 = vector.load %arg7[%swap3A, %swap3A_24] : memref<2000x256xf32, #tpu.memory_space<vmem>>, vector<2000x256xf32>
    tpu.vector_store %arg7[%swap3A, %swap3A_24], %add3A_23 {strides = array<i32>} : memref<2000x256xf32, #tpu.memory_space<vmem>>, vector<2000x256xf32>,
    %reduce_sum3A = arith.constant dense<0.000000e+00> : vector<256xf32>
    %reduce_sum3A_26 = vector.multi_reduction <add>, %add3A_23, %reduce_sum3A [0] : vector<2000x256xf32> to vector<256xf32>
    %broadcast_in_dim3A = vector.shape_cast %reduce_sum3A_26 : vector<256xf32> to vector<1x256xf32>
    %mul3A_27 = arith.mulf %add3A_23, %add3A_23 : vector<2000x256xf32>
    %reduce_sum3A_28 = arith.constant dense<0.000000e+00> : vector<256xf32>
    %reduce_sum3A_29 = vector.multi_reduction <add>, %mul3A_27, %reduce_sum3A_28 [0] : vector<2000x256xf32> to vector<256xf32>
    %broadcast_in_dim3A_30 = vector.shape_cast %reduce_sum3A_29 : vector<256xf32> to vector<1x256xf32>
    %concatenate3A_31 = tpu.concatenate %broadcast_in_dim3A, %broadcast_in_dim3A_30 in 0 : vector<1x256xf32>, vector<1x256xf32> -> vector<2x256xf32>
    %eq3A = arith.constant 0 : i32
    %eq3A_32 = arith.cmpi eq, %arg0, %eq3A : i32
    %convert_element_type3A = arith.extui %eq3A_32 : i1 to i32
    %cond3A = arith.constant 0 : i32
    %cond3A_33 = arith.cmpi ne, %convert_element_type3A, %cond3A : i32
    scf.if %cond3A_33 {
      %swap3A_38 = arith.constant 0 : index
      %swap3A_39 = arith.constant 0 : index
      %swap3A_40 = vector.load %arg8[%swap3A_38, %swap3A_39] : memref<2x256xf32, #tpu.memory_space<vmem>>, vector<2x256xf32>
      tpu.vector_store %arg8[%swap3A_38, %swap3A_39], %concatenate3A_31 {strides = array<i32>} : memref<2x256xf32, #tpu.memory_space<vmem>>, vector<2x256xf32>,
    } else {
    }
    %ne3A = arith.constant 0 : i32
    %ne3A_34 = arith.cmpi ne, %arg0, %ne3A : i32
    %convert_element_type3A_35 = arith.extui %ne3A_34 : i1 to i32
    %cond3A_36 = arith.constant 0 : i32
    %cond3A_37 = arith.cmpi ne, %convert_element_type3A_35, %cond3A_36 : i32
    scf.if %cond3A_37 {
      %get3A_38 = arith.constant 0 : index
      %get3A_39 = arith.constant 0 : index
      %get3A_40 = vector.load %arg8[%get3A_38, %get3A_39] : memref<2x256xf32, #tpu.memory_space<vmem>>, vector<2x256xf32>
      %add3A_41 = arith.addf %get3A_40, %concatenate3A_31 : vector<2x256xf32>
      %swap3A_42 = arith.constant 0 : index
      %swap3A_43 = arith.constant 0 : index
      %swap3A_44 = vector.load %arg8[%swap3A_42, %swap3A_43] : memref<2x256xf32, #tpu.memory_space<vmem>>, vector<2x256xf32>
      tpu.vector_store %arg8[%swap3A_42, %swap3A_43], %add3A_41 {strides = array<i32>} : memref<2x256xf32, #tpu.memory_space<vmem>>, vector<2x256xf32>,
    } else {
    }
    return
  }
  func.func @transform_0(%arg0: i32) -> (i32, i32) {
    %c0_i32 = arith.constant 0 : i32
    %c0_i32_0 = arith.constant 0 : i32
    return %arg0, %c0_i32 : i32, i32
  }
  func.func @transform_1(%arg0: i32) -> (i32, i32) {
    %c0_i32 = arith.constant 0 : i32
    %c0_i32_0 = arith.constant 0 : i32
    return %arg0, %c0_i32 : i32, i32
  }
  func.func @transform_2(%arg0: i32) -> (i32, i32) {
    %c0_i32 = arith.constant 0 : i32
    %c0_i32_0 = arith.constant 0 : i32
    return %arg0, %c0_i32 : i32, i32
  }
  func.func @transform_3(%arg0: i32) -> (i32, i32) {
    %add3A = arith.constant 5 : i32
    %add3A_0 = arith.addi %add3A, %arg0 : i32
    %c0_i32 = arith.constant 0 : i32
    %c0_i32_1 = arith.constant 0 : i32
    return %add3A_0, %c0_i32 : i32, i32
  }
  func.func @transform_4(%arg0: i32) -> (i32, i32) {
    %c0_i32 = arith.constant 0 : i32
    %c0_i32_0 = arith.constant 0 : i32
    return %arg0, %c0_i32 : i32, i32
  }
  func.func @transform_5(%arg0: i32) -> (i32, i32) {
    %c0_i32 = arith.constant 0 : i32
    %c0_i32_0 = arith.constant 0 : i32
    %c0_i32_1 = arith.constant 0 : i32
    return %c0_i32, %c0_i32_0 : i32, i32
  }
  func.func @transform_6(%arg0: i32) -> (i32, i32) {
    %c0_i32 = arith.constant 0 : i32
    %c0_i32_0 = arith.constant 0 : i32
    return %arg0, %c0_i32 : i32, i32
  }
  func.func @transform_7(%arg0: i32) -> (i32, i32) {
    %c0_i32 = arith.constant 0 : i32
    %c0_i32_0 = arith.constant 0 : i32
    %c0_i32_1 = arith.constant 0 : i32
    return %c0_i32, %c0_i32_0 : i32, i32
  }
}

module attributes {stable_mosaic.version = 14 : i64} {
  func.func @_final_body(%arg0: i32, %arg1: memref<2000x256xf32, #tpu.memory_space<vmem>>, %arg2: memref<2x256xf32, #tpu.memory_space<vmem>>, %arg3: memref<1x256xf32, #tpu.memory_space<vmem>>, %arg4: memref<1x256xf32, #tpu.memory_space<vmem>>, %arg5: memref<1x1xf32, #tpu.memory_space<vmem>>, %arg6: memref<2000x256xf32, #tpu.memory_space<vmem>>) attributes {dimension_semantics = [#tpu.dimension_semantics<arbitrary>], iteration_bounds = array<i64: 5>, scalar_prefetch = 0 : i64, scratch_operands = 0 : i64, tpu.core_type = #tpu.core_type<tc>, window_params = [{transform_indices = @transform_0, window_bounds = array<i64: 2000, 256>}, {pipeline_mode = #tpu.pipeline_mode<synchronous>, transform_indices = @transform_1, window_bounds = array<i64: 2, 256>}, {pipeline_mode = #tpu.pipeline_mode<synchronous>, transform_indices = @transform_2, window_bounds = array<i64: 1, 256>}, {pipeline_mode = #tpu.pipeline_mode<synchronous>, transform_indices = @transform_3, window_bounds = array<i64: 1, 256>}, {pipeline_mode = #tpu.pipeline_mode<synchronous>, transform_indices = @transform_4, window_bounds = array<i64: 1, 1>}, {transform_indices = @transform_5, window_bounds = array<i64: 2000, 256>}]} {
    %get3A = arith.constant 0 : index
    %get3A_0 = arith.constant 0 : index
    %get3A_1 = vector.load %arg2[%get3A, %get3A_0] : memref<2x256xf32, #tpu.memory_space<vmem>>, vector<2x256xf32>
    %slice3A = vector.extract_strided_slice %get3A_1 {offsets = [0, 0], sizes = [1, 256], strides = [1, 1]} : vector<2x256xf32> to vector<1x256xf32>
    %reduce_sum3A = vector.shape_cast %slice3A : vector<1x256xf32> to vector<1x1x256xf32>
    %reduce_sum3A_2 = arith.constant dense<0.000000e+00> : vector<1xf32>
    %reduce_sum3A_3 = vector.multi_reduction <add>, %reduce_sum3A, %reduce_sum3A_2 [1, 2] : vector<1x1x256xf32> to vector<1xf32>
    %reduce_sum3A_4 = vector.shape_cast %reduce_sum3A_3 : vector<1xf32> to vector<1x1x1xf32>
    %reduce_sum3A_5 = vector.extract %reduce_sum3A_4[0, 0, 0] : f32 from vector<1x1x1xf32>
    %div3A = arith.constant 2.560000e+06 : f32
    %div3A_6 = arith.divf %reduce_sum3A_5, %div3A : f32
    %slice3A_7 = vector.extract_strided_slice %get3A_1 {offsets = [1, 0], sizes = [1, 256], strides = [1, 1]} : vector<2x256xf32> to vector<1x256xf32>
    %reduce_sum3A_8 = vector.shape_cast %slice3A_7 : vector<1x256xf32> to vector<1x1x256xf32>
    %reduce_sum3A_9 = arith.constant dense<0.000000e+00> : vector<1xf32>
    %reduce_sum3A_10 = vector.multi_reduction <add>, %reduce_sum3A_8, %reduce_sum3A_9 [1, 2] : vector<1x1x256xf32> to vector<1xf32>
    %reduce_sum3A_11 = vector.shape_cast %reduce_sum3A_10 : vector<1xf32> to vector<1x1x1xf32>
    %reduce_sum3A_12 = vector.extract %reduce_sum3A_11[0, 0, 0] : f32 from vector<1x1x1xf32>
    %div3A_13 = arith.constant 2.560000e+06 : f32
    %div3A_14 = arith.divf %reduce_sum3A_12, %div3A_13 : f32
    %mul3A = arith.mulf %div3A_6, %div3A_6 : f32
    %sub3A = arith.subf %div3A_14, %mul3A : f32
    %add3A = arith.constant 9.99999974E-6 : f32
    %add3A_15 = arith.addf %sub3A, %add3A : f32
    %rsqrt3A = math.rsqrt %add3A_15 : f32
    %get3A_16 = arith.constant 0 : index
    %get3A_17 = arith.constant 0 : index
    %get3A_18 = vector.load %arg1[%get3A_16, %get3A_17] : memref<2000x256xf32, #tpu.memory_space<vmem>>, vector<2000x256xf32>
    %sub3A_19 = vector.broadcast %div3A_6 : f32 to vector<2000x256xf32>
    %sub3A_20 = arith.subf %get3A_18, %sub3A_19 : vector<2000x256xf32>
    %mul3A_21 = vector.broadcast %rsqrt3A : f32 to vector<2000x256xf32>
    %mul3A_22 = arith.mulf %sub3A_20, %mul3A_21 : vector<2000x256xf32>
    %get3A_23 = arith.constant 0 : index
    %get3A_24 = arith.constant 0 : index
    %get3A_25 = vector.load %arg3[%get3A_23, %get3A_24] : memref<1x256xf32, #tpu.memory_space<vmem>>, vector<1x256xf32>
    %mul3A_26 = vector.broadcast %get3A_25 : vector<1x256xf32> to vector<2000x256xf32>
    %mul3A_27 = arith.mulf %mul3A_22, %mul3A_26 : vector<2000x256xf32>
    %get3A_28 = arith.constant 0 : index
    %get3A_29 = arith.constant 0 : index
    %get3A_30 = vector.load %arg4[%get3A_28, %get3A_29] : memref<1x256xf32, #tpu.memory_space<vmem>>, vector<1x256xf32>
    %add3A_31 = vector.broadcast %get3A_30 : vector<1x256xf32> to vector<2000x256xf32>
    %add3A_32 = arith.addf %mul3A_27, %add3A_31 : vector<2000x256xf32>
    %get3A_33 = arith.constant 0 : index
    %get3A_34 = arith.constant 0 : index
    %get3A_35 = vector.load %arg5[%get3A_33, %get3A_34] : memref<1x1xf32, #tpu.memory_space<vmem>>, vector<1x1xf32>
    %get3A_36 = vector.extract %get3A_35[0, 0] : f32 from vector<1x1xf32>
    %max3A = arith.constant 0.000000e+00 : f32
    %max3A_37 = vector.broadcast %max3A : f32 to vector<2000x256xf32>
    %max3A_38 = arith.maximumf %add3A_32, %max3A_37 : vector<2000x256xf32>
    %min3A = arith.constant 0.000000e+00 : f32
    %min3A_39 = vector.broadcast %min3A : f32 to vector<2000x256xf32>
    %min3A_40 = arith.minimumf %add3A_32, %min3A_39 : vector<2000x256xf32>
    %mul3A_41 = vector.broadcast %get3A_36 : f32 to vector<2000x256xf32>
    %mul3A_42 = arith.mulf %mul3A_41, %min3A_40 : vector<2000x256xf32>
    %add3A_43 = arith.addf %max3A_38, %mul3A_42 : vector<2000x256xf32>
    %swap3A = arith.constant 0 : index
    %swap3A_44 = arith.constant 0 : index
    %swap3A_45 = vector.load %arg6[%swap3A, %swap3A_44] : memref<2000x256xf32, #tpu.memory_space<vmem>>, vector<2000x256xf32>
    tpu.vector_store %arg6[%swap3A, %swap3A_44], %add3A_43 {strides = array<i32>} : memref<2000x256xf32, #tpu.memory_space<vmem>>, vector<2000x256xf32>,
    return
  }
  func.func @transform_0(%arg0: i32) -> (i32, i32) {
    %c0_i32 = arith.constant 0 : i32
    %c0_i32_0 = arith.constant 0 : i32
    return %arg0, %c0_i32 : i32, i32
  }
  func.func @transform_1(%arg0: i32) -> (i32, i32) {
    %c0_i32 = arith.constant 0 : i32
    %c0_i32_0 = arith.constant 0 : i32
    %c0_i32_1 = arith.constant 0 : i32
    return %c0_i32, %c0_i32_0 : i32, i32
  }
  func.func @transform_2(%arg0: i32) -> (i32, i32) {
    %c0_i32 = arith.constant 0 : i32
    %c0_i32_0 = arith.constant 0 : i32
    %c0_i32_1 = arith.constant 0 : i32
    return %c0_i32, %c0_i32_0 : i32, i32
  }
  func.func @transform_3(%arg0: i32) -> (i32, i32) {
    %c0_i32 = arith.constant 0 : i32
    %c0_i32_0 = arith.constant 0 : i32
    %c0_i32_1 = arith.constant 0 : i32
    return %c0_i32, %c0_i32_0 : i32, i32
  }
  func.func @transform_4(%arg0: i32) -> (i32, i32) {
    %c0_i32 = arith.constant 0 : i32
    %c0_i32_0 = arith.constant 0 : i32
    %c0_i32_1 = arith.constant 0 : i32
    return %c0_i32, %c0_i32_0 : i32, i32
  }
  func.func @transform_5(%arg0: i32) -> (i32, i32) {
    %c0_i32 = arith.constant 0 : i32
    %c0_i32_0 = arith.constant 0 : i32
    return %arg0, %c0_i32 : i32, i32
  }
}

</mosaic_0001>

<sc_bundles>
// kernel: kernel.10.cloned.1.call-start
scs
__scs_entry_jumppad:
0x0: {  	(pc) =	sbr.rel $0x88, $3  }
0x1: {  	(tag) =	ssettag $0x0;
	lr =	simm.s32 $0x1  }
0x2: {  	[smem:$0x3F95] =	sst lr;
	_ =	strace $0xD0000000  }
0x3: {  	_ = 	snop  }
0x4: {  	_ = 	snop  }
0x5: {  	_ = 	snop  }
0x6: {  	_ = 	snop  }
0x7: {  	_ = 	snop  }
__scs_overlays_trampoline_lowered:
0x8: {  	[smem:$0x3FA4] =	sst s0  }
0x9: {  	[smem:$0x3FA5] =	sst s1  }
0xa: {  	[smem:$0x3FA6] =	sst s2  }
0xb: {  	[smem:$0x3FA7] =	sst s3  }
0xc: {  	[smem:$0x3FA8] =	sst s4  }
0xd: {  	[smem:$0x3FA9] =	sst s5  }
0xe: {  	[smem:$0x3FAA] =	sst s6  }
0xf: {  	[smem:$0x3FAB] =	sst s7  }
0x10: {  	[smem:$0x3FAC] =	sst s8  }
0x11: {  	[smem:$0x3FAD] =	sst s9;
	s0 =	simm.s32 @!p0 $0x0  }
0x12: {  	s1 =	sld [smem:$0x3F93];
	s0 =	simm.s32 @p0 $0x1  }
0x13: {  	[smem:$0x3FAE] =	sst s0;
	s0 =	simm.s32 @!p1 $0x0  }
0x14: {  	s2 =	sld [smem:$0x3F92];
	s0 =	simm.s32 @p1 $0x1  }
0x15: {  	[smem:$0x3FAF] =	sst s0;
	s0 =	simm.s32 @!p2 $0x0  }
0x16: {  	s3 =	sld [smem:$0x3FDB];
	s0 =	simm.s32 @p2 $0x1  }
0x17: {  	s4 =	simm.s32 $0x1BF5;
	[smem:$0x3FB1] =	sst s0  }
0x18: {  	s0 =	sld [smem:$0x3F94];
	_ =	swait.ge [sflag:s4], $0x0  }
0x19: {  	s7 =	sld [smem:$0x3F95]  }
0x1a: {  	s8 =	sadd.s32 $0xFFFFE003, lr  }
0x1b: {  	s9 =	sadd.s32 $0xFFFFFEF7, lr;
	s5 =	simm.s32 $0xFFFFFFFF;
	p2 =	slt.u32 s8, $0xFFFFF086  }
0x1c: {  	p1 =	slt.u32 s9, $0xF7A;
	s5 =	simm.s32 @!p2 $0x0  }
0x1d: {  	s5 =	simm.s32 @p1 $0x1;
	p0 =	seq.s32 s7, s2  }
0x1e: {  	s7 =	smul.u32 @!p0 $0xF7A, s2;
	p2 =	seq.s32 @!p0 s5, $0x0  }
0x1f: {  	s9 =	smul.u32 $0xF7A, s1;
	s8 =	simm.s32 @!p0 $0x1BF5;
	p2 =	por !p2, p0  }
0x20: {  	[sflag:s8] =	ssyncset.s32 @!p0 $0xFFFFF086;
	s6 =	sadd.s32 @!p0 s3, s7;
	s7 =	simm.s32 @!p0 $0x108  }
0x21: {  	s3 =	sadd.s32 s3, s9;
	s6 =	sadd.s32 @!p0 $0x88, s6;
	s7 =	simm.s32 @p2 $0x1082  }
0x22: {  	[simem:s7], [sflag:s8] =	dma.local @!p0 [hbm:s6], $0xF7A  }
0x23: {  	s9 =	sor.u32 $0xD0000000, s2;
	s6 =	simm.s32 $0x108;
	_ =	swait.ge @!p0 [sflag:s8], $0x0  }
0x24: {  	s3 =	sadd.s32 $0x88, s3;
	s6 =	simm.s32 @!p1 $0x1082;
	[sflag:s4] =	ssyncset.s32 $0xFFFFF086  }
0x25: {  	[simem:s6], [sflag:s4] =	dma.local [hbm:s3], $0xF7A  }
0x26: {  	[smem:$0x3F95] =	sst s1;
	(tag) =	ssettag s2;
	_ =	strace s9  }
0x27: {  	s1 =	sld [smem:$0x3FA5]  }
0x28: {  	s2 =	sld [smem:$0x3FA6]  }
0x29: {  	s4 =	sld [smem:$0x3FA8]  }
0x2a: {  	p0 =	seq.s32 s5, $0x0;
	s5 =	sld [smem:$0x3FA9]  }
0x2b: {  	s6 =	sld [smem:$0x3FAA]  }
0x2c: {  	s7 =	sld [smem:$0x3FAB]  }
0x2d: {  	s3 =	simm.s32 $0x108;
	s8 =	sld [smem:$0x3FAC]  }
0x2e: {  	s3 =	simm.s32 @!p0 $0x1082;
	s9 =	sld [smem:$0x3FAD]  }
0x2f: {  	lr =	sadd.s32 s0, s3;
	s0 =	sld [smem:$0x3FA4]  }
0x30: {  	s3 =	sld [smem:$0x3FA7]  }
0x31: {  	[smem:$0x3FB0] =	sst s10  }
0x32: {  	s10 =	sld [smem:$0x3FAE];
	_ =	sdelay $0x3  }
0x33: {  	p0 =	seq.s32 s10, $0x1;
	s10 =	sld [smem:$0x3FB0];
	_ =	sdelay $0x3  }
0x34: {  	[smem:$0x3FB0] =	sst s10  }
0x35: {  	s10 =	sld [smem:$0x3FAF];
	_ =	sdelay $0x3  }
0x36: {  	p1 =	seq.s32 s10, $0x1;
	s10 =	sld [smem:$0x3FB0];
	_ =	sdelay $0x3  }
0x37: {  	[smem:$0x3FB0] =	sst s10  }
0x38: {  	s10 =	sld [smem:$0x3FB1]  }
0x39: {  	_ = 	snop;
	(pc) =	sbr.ind lr, $3  }
0x3a: {  	_ = 	snop  }
0x3b: {  	_ = 	snop  }
0x3c: {  	p2 =	seq.s32 s10, $0x1;
	s10 =	sld [smem:$0x3FB0]  }
0x3d: {  	_ =	shalt  }
0x3e: {  	_ =	shalt  }
0x3f: {  	_ =	shalt  }
0x40: {  	_ =	shalt  }
0x41: {  	_ =	shalt  }
0x42: {  	_ =	shalt  }
0x43: {  	_ =	shalt  }
0x44: {  	_ =	shalt  }
0x45: {  	_ =	shalt  }
0x46: {  	_ =	shalt  }
0x47: {  	_ =	shalt  }
0x48: {  	_ =	shalt  }
0x49: {  	_ =	shalt  }
0x4a: {  	_ =	shalt  }
0x4b: {  	_ =	shalt  }
0x4c: {  	_ =	shalt  }
0x4d: {  	_ =	shalt  }
0x4e: {  	_ =	shalt  }
0x4f: {  	_ =	shalt  }
0x50: {  	_ =	shalt  }
0x51: {  	_ =	shalt  }
0x52: {  	_ =	shalt  }
0x53: {  	_ =	shalt  }
0x54: {  	_ =	shalt  }
0x55: {  	_ =	shalt  }
0x56: {  	_ =	shalt  }
0x57: {  	_ =	shalt  }
0x58: {  	_ =	shalt  }
0x59: {  	_ =	shalt  }
0x5a: {  	_ =	shalt  }
0x5b: {  	_ =	shalt  }
0x5c: {  	_ =	shalt  }
0x5d: {  	_ =	shalt  }
0x5e: {  	_ =	shalt  }
0x5f: {  	_ =	shalt  }
0x60: {  	_ =	shalt  }
0x61: {  	_ =	shalt  }
0x62: {  	_ =	shalt  }
0x63: {  	_ =	shalt  }
0x64: {  	_ =	shalt  }
0x65: {  	_ =	shalt  }
0x66: {  	_ =	shalt  }
0x67: {  	_ =	shalt  }
0x68: {  	_ =	shalt  }
0x69: {  	_ =	shalt  }
0x6a: {  	_ =	shalt  }
0x6b: {  	_ =	shalt  }
0x6c: {  	_ =	shalt  }
0x6d: {  	_ =	shalt  }
0x6e: {  	_ =	shalt  }
0x6f: {  	_ =	shalt  }
0x70: {  	_ =	shalt  }
0x71: {  	_ =	shalt  }
0x72: {  	_ =	shalt  }
0x73: {  	_ =	shalt  }
0x74: {  	_ =	shalt  }
0x75: {  	_ =	shalt  }
0x76: {  	_ =	shalt  }
0x77: {  	_ =	shalt  }
0x78: {  	_ =	shalt  }
0x79: {  	_ =	shalt  }
0x7a: {  	_ =	shalt  }
0x7b: {  	_ =	shalt  }
0x7c: {  	_ =	shalt  }
0x7d: {  	_ =	shalt  }
0x7e: {  	_ =	shalt  }
0x7f: {  	_ =	shalt  }
0x80: {  	_ =	shalt  }
0x81: {  	_ =	shalt  }
0x82: {  	_ =	shalt  }
0x83: {  	_ =	shalt  }
0x84: {  	_ =	shalt  }
0x85: {  	_ =	shalt  }
0x86: {  	_ =	shalt  }
0x87: {  	_ =	shalt  }
.Lfunc_end0:
.L_simem_size_0:
called_computation_lowered:
.L_overlay_start_0:
0x88: {  	s2 =	sld [smem:$0x3FD9]  }
0x89: {  	s3 =	sld [smem:$0x3FFE];
	_ =	sdelay $0x1  }
0x8a: {  	s1 =	srdreg.scid  }
0x8b: {  	s0 =	sand.u32 $0x1, s1  }
0x8c: {  	s17 =	sshll.u32 s0, $0xA;
	s2 =	sadd.s32 s3, s2  }
0x8d: {  	s2 =	sadd.s32 s2, s17  }
0x8e: {  	[smem:$0x3FBC] =	sst s2  }
0x8f: {  	_ = 	snop  }
0x90: {  	s2 =	sld [smem:$0x3FD0];
	(tm) =	ssettm $0x1  }
0x91: {  	s18 =	sld [smem:$0x3FFB];
	_ =	sdelay $0x3  }
0x92: {  	_ =	strace s18  }
0x93: {  	s3 =	sld [smem:$0x3FFC];
	_ =	sdelay $0x3  }
0x94: {  	_ =	strace s3  }
0x95: {  	s3 =	sld [smem:$0x3FFD];
	_ =	sdelay $0x3  }
0x96: {  	_ =	strace s3  }
0x97: {  	_ =	strace $0x8FFFFFFF  }
0x98: {  	s19 =	sld [smem:$0x3FDB];
	_ =	sdelay $0x1  }
0x99: {  	s4 =	simm.s32 $_scs_section_size  }
0x9a: {  	s5 =	simm.s32 $_size__tile_overlayer_lowered;
	s6 =	simm.s32 $_tile_overlayer_lowered  }
0x9b: {  	s22 =	simm.s32 $0x1BFF;
	s21 =	sshll.u32 s6, $0x1;
	s3 =	sadd.s32 s4, s19  }
0x9c: {  	s7 =	simm.s32 $0x0;
	s20 =	sshll.u32 s5, $0x1;
	s5 =	sadd.s32 s21, s3  }
0x9d: {  	[timem:s7], [sflag:s22] =	dma.local [hbm:s5], s20  }
0x9e: {  	_ =	swait.ge [sflag:s22], s20  }
0x9f: {  	s4 =	ssub.s32 $0x0, s20;
	[sflag:s22] =	ssyncset.done $0x0  }
0xa0: {  	[sflag:s22] =	ssyncadd.s32 s4;
	_ =	sdelay $0x1  }
0xa1: {  	s23 =	simm.s32 $0x1B8B  }
0xa2: {  	_ =	swait.ge [sflag:s23], $0x1  }
0xa3: {  	[sflag:s23] =	ssyncset.done $0x0  }
0xa4: {  	s25 =	simm.s32 $0x1B8E;
	s24 =	sld [smem:$0x3FFE];
	[sflag:s23] =	ssyncadd.s32 $0xFFFFFFFF  }
0xa5: {  	s26 =	simm.s32 $execute0_lowered;
	[smem:$0x3FD2] =	sst s25  }
0xa6: {  	s5 =	sshll.u32 s26, $0x1;
	_ =	strace $0x80000046;
	[dreg:$0x1] =	wrdreg $0xFFFFFFFF  }
0xa7: {  	s28 =	simm.s32 $_size_execute0_lowered;
	s3 =	sadd.s32 s3, s5;
	[dreg:$0x0] =	wrdreg $0x0  }
0xa8: {  	s5 =	sshll.u32 s28, $0x1;
	[dreg:$0x2] =	wrdreg s3  }
0xa9: {  	[dreg:$0x3] =	wrdreg s5  }
0xaa: {  	[dreg:$0x4] =	wrdreg $0xC0  }
0xab: {  	_ =	task [dreg:s7], $0x5FFFF  }
0xac: {  	[dreg:$0x1] =	wrdreg $0xFFFFFFFF  }
0xad: {  	[dreg:$0x0] =	wrdreg $0x60  }
0xae: {  	[dreg:$0x2] =	wrdreg s24  }
0xaf: {  	[dreg:$0x3] =	wrdreg s2  }
0xb0: {  	[dreg:$0x4] =	wrdreg $0x78800  }
0xb1: {  	[dreg:$0x5] =	wrdreg $0x9  }
0xb2: {  	_ =	task.clear_ibuf [dreg:s7], $0x6FFFF;
	_ =	strace $0x90000046  }
0xb3: {  	s29 =	simm.s32 $0x9;
	_ =	strace $0x80000048  }
0xb4: {  	_ =	swait.ge [sflag:s29], $0x1  }
0xb5: {  	[sflag:s29] =	ssyncadd.s32 $0xFFFFFFFF  }
0xb6: {  	_ =	strace $0x90000048  }
0xb7: {  	_ =	sfence  }
0xb8: {  	s30 =	sld [smem:$0x0];
	_ =	sdelay $0x2  }
0xb9: {  	s31 =	sshll.u32 s1, $0xD;
	s1 =	sshrl.u32 s1, $0x2  }
0xba: {  	s3 =	sand.u32 $0x4000, s31;
	s1 =	sadd.s32 s1, s30  }
0xbb: {  	s0 =	sor.u32 s3, s0;
	s1 =	sshll.u32 s1, $0x11  }
0xbc: {  	s0 =	sor.u32 s1, s0  }
0xbd: {  	s0 =	sadd.s32 $0x8F2B, s0  }
0xbe: {  	[sflag:s0] =	ssyncadd.remote.s32 $0x1  }
0xbf: {  	_ =	sfence.sel $0xFFFF  }
0xc0: {  	[dreg:$0x0] =	wrdreg $0xFFFFFFFF;
	(pc) =	sbr.abs _section_cstart, $3  }
0xc1: {  	[dreg:$0x1] =	wrdreg $0xFFFFFFFF  }
0xc2: {  	_ =	task.clear_ibuf [dreg:s7], $0x2FFFF;
	_ =	strace $0x9FFFFFFF  }
0xc3: {  	(tm) =	ssettm $0x7FFFFFFF  }
tec
execute0_lowered:
.L_overlay_start_1:
0x0: {  	(tag) =	ssettag $0x1  }
0x1: {  	s3 =	srdreg.scid  }
0x2: {  	s3 =	sand.u32 $0x1, s3  }
0x3: {  	p1 =	seq.s32 s3, $0x1  }
.Ltmp0:
0x4: {  	s5 =	rddreg [dreg:$0x0];
	(pc) =	sbr.rel @p1 .LBB2_4-.Ltmp0, $4  }
0x5: {  	s6 =	rddreg [dreg:$0x1]  }
0x6: {  	s1 =	rddreg [dreg:$0x2];
	s2 =	simm.s32 $0x0  }
0x7: {  	s4 =	stileid.u32;
	[smem:$0x7FF] =	sst s2  }
0x8: {  	s0 =	rddreg [dreg:$0x3];
	p0 =	sne.s32 s4, $0x0;
	_ =	strace $0x80000047  }
0x9: {  	s3 =	simm.s32 $0x5000;
	s7 =	simm.s32 $0x1  }
0xa: {  	[tilespmem:s3], [sflag:$0x1] =	stream.linear.gather [hbm4b:s6+s2], $0x2780, $0x38;
	[tilespmem:$0x7AF8] =	vst v63  }
0xb: {  	_ =	swait.ge [sflag:s7], $0x2780  }
0xc: {  	[sflag:s7] =	ssyncset.done $0x0  }
0xd: {  	s8 =	sadd.s32 $0xD400, s5;
	s9 =	simm.s32 $0x7800;
	[sflag:s7] =	ssyncadd.s32 $0xFFFFD880  }
0xe: {  	[tilespmem:s9], [sflag:$0x1] =	stream.linear.gather [hbm4b:s8+s2], $0x80, $0x38;
	[tilespmem:$0x7AF8] =	vst v63  }
0xf: {  	s4 =	smul.u32 $0xA00, s4;
	_ =	swait.ge [sflag:s7], $0x80  }
0x10: {  	s31 =	sadd.s32 $0x3400, s5;
	[sflag:s7] =	ssyncset.done $0x0  }
0x11: {  	s4 =	sadd.s32 s31, s4;
	[sflag:s7] =	ssyncadd.s32 $0xFFFFFF80  }
0x12: {  	[tilespmem:s2], [sflag:$0x1] =	stream.linear.gather [hbm4b:s4+s2], $0x5000, $0x38;
	[tilespmem:$0x7AF8] =	vst v63  }
0x13: {  	_ =	swait.ge [sflag:s7], $0x5000  }
0x14: {  	[sflag:s7] =	ssyncset.done $0x0  }
0x15: {  	s4 =	sshrl.u32 @!p0 s1, $0x3;
	[sflag:s7] =	ssyncadd.s32 $0xFFFFB000;
	s7 =	simm.s32 @!p0 $0x1C01  }
0x16: {  	[spmem:s4], [sflag:s7] =	dma.local @!p0 [hbm:s6], $0x4F0  }
0x17: {  	s6 =	simm.s32 @!p0 $0x1  }
0x18: {  	_ =	swait.ge @!p0 [sflag:s6], $0x4F0  }
0x19: {  	[sflag:s6] =	ssyncset.done @!p0 $0x0  }
0x1a: {  	s5 =	sadd.s32 $0xD600, s5;
	v0 =	vimm.f32 $1.000000000e+00;
	[sflag:s6] =	ssyncadd.s32 @!p0 $0xFFFFFB10  }
.LBB2_2:
0x1b: {  	s6 =	sshra.s32 s2, $0x2  }
0x1c: {  	v1 =	vld [tilespmem:s6+$0x0];
	_ =	sdelay $0x7  }
0x1d: {  	[tilespmem:v1+s3+$0x0] =	vst.idx.add.f32.msk $0xffff, v0  }
0x1e: {  	v1 =	vld [tilespmem:s6+$0x10];
	_ =	sdelay $0x7  }
0x1f: {  	[tilespmem:v1+s3+$0x0] =	vst.idx.add.f32.msk $0xffff, v0  }
0x20: {  	v1 =	vld [tilespmem:s6+$0x20];
	_ =	sdelay $0x7  }
0x21: {  	[tilespmem:v1+s3+$0x0] =	vst.idx.add.f32.msk $0xffff, v0  }
0x22: {  	v1 =	vld [tilespmem:s6+$0x30];
	_ =	sdelay $0x7  }
0x23: {  	[tilespmem:v1+s3+$0x0] =	vst.idx.add.f32.msk $0xffff, v0  }
0x24: {  	v1 =	vld [tilespmem:s6+$0x40];
	_ =	sdelay $0x7  }
0x25: {  	[tilespmem:v1+s3+$0x0] =	vst.idx.add.f32.msk $0xffff, v0  }
0x26: {  	v1 =	vld [tilespmem:s6+$0x50];
	_ =	sdelay $0x7  }
0x27: {  	[tilespmem:v1+s3+$0x0] =	vst.idx.add.f32.msk $0xffff, v0  }
0x28: {  	v1 =	vld [tilespmem:s6+$0x60];
	_ =	sdelay $0x7  }
0x29: {  	[tilespmem:v1+s3+$0x0] =	vst.idx.add.f32.msk $0xffff, v0  }
0x2a: {  	v1 =	vld [tilespmem:s6+$0x70];
	_ =	sdelay $0x2  }
0x2b: {  	p1 =	sne.s32 s2, $0x13E00  }
.Ltmp1:
0x2c: {  	_ = 	snop;
	(pc) =	sbr.rel @p1 .LBB2_2-.Ltmp1, $2  }
0x2d: {  	_ =	sdelay $0x2  }
0x2e: {  	s2 =	sadd.s32 $0x200, s2;
	[tilespmem:v1+s3+$0x0] =	vst.idx.add.f32.msk $0xffff, v0  }
0x2f: {  	[bflag:$0x0] =	sbarrier.arrive $0xFFFF;
	s2 =	simm.s32 $0x4F  }
0x30: {  	s3 =	simm.s32 $0x7800;
	s6 =	simm.s32 $0x5000;
	s31 =	simm.s32 $0x1  }
0x31: {  	[spmem:s1] =	stream.indirect.scatter.add.f32 [tilespmem:s6], [sflag:$0x1], $0x80, s3, s2, $0xb8;
	[tilespmem:$0x7AF8] =	vst v63  }
0x32: {  	_ =	swait.ge [sflag:s31], $0x2780  }
0x33: {  	[sflag:s31] =	ssyncset.done $0x0  }
0x34: {  	[sflag:s31] =	ssyncadd.s32 $0xFFFFD880  }
0x35: {  	s1 =	simm.s32 @!p0 $0x1C01;
	[bflag:$0x0] =	sbarrier.arrive $0xFFFF  }
0x36: {  	[hbm:s5], [sflag:s1] =	dma.local @!p0 [spmem:s4], $0x4F0  }
0x37: {  	s1 =	simm.s32 @!p0 $0x1  }
0x38: {  	_ =	swait.ge @!p0 [sflag:s1], $0x4F0  }
0x39: {  	[sflag:s1] =	ssyncset.done @!p0 $0x0  }
0x3a: {  	[sflag:s1] =	ssyncadd.s32 @!p0 $0xFFFFFB10  }
.LBB2_4:
0x3b: {  	_ =	sfence.sel $0x180000  }
0x3c: {  	[bflag:$0x0] =	sbarrier.arrive $0xFFFF  }
0x3d: {  	_ =	strace $0x90000047  }
0x3e: {  	s0 =	sadd.s32 @!p0 $0x100000, s0;
	[bflag:$0x2] =	sbarrier.arrive $0xFFFF  }
0x3f: {  	[sflag:s0] =	ssyncadd.tile.s32 @!p0 $0x1;
	_ =	shalt  }
.Lfunc_end2:
_tile_overlayer_lowered:
.L_overlay_start_2:
0x40: {  	(tag) =	ssettag $0x2  }
0x41: {  	s0 =	rddreg [dreg:$0x0];
	s2 =	stileid.u32  }
0x42: {  	s1 =	rddreg [dreg:$0x1];
	p0 =	sne.s32 s2, $0x0  }
0x43: {  	s3 =	rddreg [dreg:$0x2];
	[bflag:$0x3] =	sbarrier.arrive $0xFFFF;
	s2 =	simm.s32 @!p0 $0x1C01  }
0x44: {  	[timem:s3], [sflag:s2] =	dma.local @!p0 [hbm:s0], s1  }
0x45: {  	s0 =	simm.s32 @!p0 $0x1  }
0x46: {  	_ =	swait.ge @!p0 [sflag:s0], s1  }
0x47: {  	s1 =	ssub.s32 @!p0 $0x0, s1;
	[sflag:s0] =	ssyncset.done @!p0 $0x0  }
0x48: {  	[sflag:s0] =	ssyncadd.s32 @!p0 s1  }
0x49: {  	[bflag:$0x3] =	sbarrier.arrive $0xFFFF  }
0x4a: {  	_ =	shalt  }

// kernel: kernel.13.cloned.1.call-start
scs
__scs_entry_jumppad:
0x0: {  	(pc) =	sbr.rel $0x88, $3  }
0x1: {  	(tag) =	ssettag $0x0;
	lr =	simm.s32 $0x1  }
0x2: {  	[smem:$0x3F95] =	sst lr;
	_ =	strace $0xD0000000  }
0x3: {  	_ = 	snop  }
0x4: {  	_ = 	snop  }
0x5: {  	_ = 	snop  }
0x6: {  	_ = 	snop  }
0x7: {  	_ = 	snop  }
__scs_overlays_trampoline_lowered:
0x8: {  	[smem:$0x3FA4] =	sst s0  }
0x9: {  	[smem:$0x3FA5] =	sst s1  }
0xa: {  	[smem:$0x3FA6] =	sst s2  }
0xb: {  	[smem:$0x3FA7] =	sst s3  }
0xc: {  	[smem:$0x3FA8] =	sst s4  }
0xd: {  	[smem:$0x3FA9] =	sst s5  }
0xe: {  	[smem:$0x3FAA] =	sst s6  }
0xf: {  	[smem:$0x3FAB] =	sst s7  }
0x10: {  	[smem:$0x3FAC] =	sst s8  }
0x11: {  	[smem:$0x3FAD] =	sst s9;
	s0 =	simm.s32 @!p0 $0x0  }
0x12: {  	s1 =	sld [smem:$0x3F93];
	s0 =	simm.s32 @p0 $0x1  }
0x13: {  	[smem:$0x3FAE] =	sst s0;
	s0 =	simm.s32 @!p1 $0x0  }
0x14: {  	s2 =	sld [smem:$0x3F92];
	s0 =	simm.s32 @p1 $0x1  }
0x15: {  	[smem:$0x3FAF] =	sst s0;
	s0 =	simm.s32 @!p2 $0x0  }
0x16: {  	s3 =	sld [smem:$0x3FDB];
	s0 =	simm.s32 @p2 $0x1  }
0x17: {  	s4 =	simm.s32 $0x1BF5;
	[smem:$0x3FB1] =	sst s0  }
0x18: {  	s0 =	sld [smem:$0x3F94];
	_ =	swait.ge [sflag:s4], $0x0  }
0x19: {  	s7 =	sld [smem:$0x3F95]  }
0x1a: {  	s8 =	sadd.s32 $0xFFFFE003, lr  }
0x1b: {  	s9 =	sadd.s32 $0xFFFFFEF7, lr;
	s5 =	simm.s32 $0xFFFFFFFF;
	p2 =	slt.u32 s8, $0xFFFFF086  }
0x1c: {  	p1 =	slt.u32 s9, $0xF7A;
	s5 =	simm.s32 @!p2 $0x0  }
0x1d: {  	s5 =	simm.s32 @p1 $0x1;
	p0 =	seq.s32 s7, s2  }
0x1e: {  	s7 =	smul.u32 @!p0 $0xF7A, s2;
	p2 =	seq.s32 @!p0 s5, $0x0  }
0x1f: {  	s9 =	smul.u32 $0xF7A, s1;
	s8 =	simm.s32 @!p0 $0x1BF5;
	p2 =	por !p2, p0  }
0x20: {  	[sflag:s8] =	ssyncset.s32 @!p0 $0xFFFFF086;
	s6 =	sadd.s32 @!p0 s3, s7;
	s7 =	simm.s32 @!p0 $0x108  }
0x21: {  	s3 =	sadd.s32 s3, s9;
	s6 =	sadd.s32 @!p0 $0x88, s6;
	s7 =	simm.s32 @p2 $0x1082  }
0x22: {  	[simem:s7], [sflag:s8] =	dma.local @!p0 [hbm:s6], $0xF7A  }
0x23: {  	s9 =	sor.u32 $0xD0000000, s2;
	s6 =	simm.s32 $0x108;
	_ =	swait.ge @!p0 [sflag:s8], $0x0  }
0x24: {  	s3 =	sadd.s32 $0x88, s3;
	s6 =	simm.s32 @!p1 $0x1082;
	[sflag:s4] =	ssyncset.s32 $0xFFFFF086  }
0x25: {  	[simem:s6], [sflag:s4] =	dma.local [hbm:s3], $0xF7A  }
0x26: {  	[smem:$0x3F95] =	sst s1;
	(tag) =	ssettag s2;
	_ =	strace s9  }
0x27: {  	s1 =	sld [smem:$0x3FA5]  }
0x28: {  	s2 =	sld [smem:$0x3FA6]  }
0x29: {  	s4 =	sld [smem:$0x3FA8]  }
0x2a: {  	p0 =	seq.s32 s5, $0x0;
	s5 =	sld [smem:$0x3FA9]  }
0x2b: {  	s6 =	sld [smem:$0x3FAA]  }
0x2c: {  	s7 =	sld [smem:$0x3FAB]  }
0x2d: {  	s3 =	simm.s32 $0x108;
	s8 =	sld [smem:$0x3FAC]  }
0x2e: {  	s3 =	simm.s32 @!p0 $0x1082;
	s9 =	sld [smem:$0x3FAD]  }
0x2f: {  	lr =	sadd.s32 s0, s3;
	s0 =	sld [smem:$0x3FA4]  }
0x30: {  	s3 =	sld [smem:$0x3FA7]  }
0x31: {  	[smem:$0x3FB0] =	sst s10  }
0x32: {  	s10 =	sld [smem:$0x3FAE];
	_ =	sdelay $0x3  }
0x33: {  	p0 =	seq.s32 s10, $0x1;
	s10 =	sld [smem:$0x3FB0];
	_ =	sdelay $0x3  }
0x34: {  	[smem:$0x3FB0] =	sst s10  }
0x35: {  	s10 =	sld [smem:$0x3FAF];
	_ =	sdelay $0x3  }
0x36: {  	p1 =	seq.s32 s10, $0x1;
	s10 =	sld [smem:$0x3FB0];
	_ =	sdelay $0x3  }
0x37: {  	[smem:$0x3FB0] =	sst s10  }
0x38: {  	s10 =	sld [smem:$0x3FB1]  }
0x39: {  	_ = 	snop;
	(pc) =	sbr.ind lr, $3  }
0x3a: {  	_ = 	snop  }
0x3b: {  	_ = 	snop  }
0x3c: {  	p2 =	seq.s32 s10, $0x1;
	s10 =	sld [smem:$0x3FB0]  }
0x3d: {  	_ =	shalt  }
0x3e: {  	_ =	shalt  }
0x3f: {  	_ =	shalt  }
0x40: {  	_ =	shalt  }
0x41: {  	_ =	shalt  }
0x42: {  	_ =	shalt  }
0x43: {  	_ =	shalt  }
0x44: {  	_ =	shalt  }
0x45: {  	_ =	shalt  }
0x46: {  	_ =	shalt  }
0x47: {  	_ =	shalt  }
0x48: {  	_ =	shalt  }
0x49: {  	_ =	shalt  }
0x4a: {  	_ =	shalt  }
0x4b: {  	_ =	shalt  }
0x4c: {  	_ =	shalt  }
0x4d: {  	_ =	shalt  }
0x4e: {  	_ =	shalt  }
0x4f: {  	_ =	shalt  }
0x50: {  	_ =	shalt  }
0x51: {  	_ =	shalt  }
0x52: {  	_ =	shalt  }
0x53: {  	_ =	shalt  }
0x54: {  	_ =	shalt  }
0x55: {  	_ =	shalt  }
0x56: {  	_ =	shalt  }
0x57: {  	_ =	shalt  }
0x58: {  	_ =	shalt  }
0x59: {  	_ =	shalt  }
0x5a: {  	_ =	shalt  }
0x5b: {  	_ =	shalt  }
0x5c: {  	_ =	shalt  }
0x5d: {  	_ =	shalt  }
0x5e: {  	_ =	shalt  }
0x5f: {  	_ =	shalt  }
0x60: {  	_ =	shalt  }
0x61: {  	_ =	shalt  }
0x62: {  	_ =	shalt  }
0x63: {  	_ =	shalt  }
0x64: {  	_ =	shalt  }
0x65: {  	_ =	shalt  }
0x66: {  	_ =	shalt  }
0x67: {  	_ =	shalt  }
0x68: {  	_ =	shalt  }
0x69: {  	_ =	shalt  }
0x6a: {  	_ =	shalt  }
0x6b: {  	_ =	shalt  }
0x6c: {  	_ =	shalt  }
0x6d: {  	_ =	shalt  }
0x6e: {  	_ =	shalt  }
0x6f: {  	_ =	shalt  }
0x70: {  	_ =	shalt  }
0x71: {  	_ =	shalt  }
0x72: {  	_ =	shalt  }
0x73: {  	_ =	shalt  }
0x74: {  	_ =	shalt  }
0x75: {  	_ =	shalt  }
0x76: {  	_ =	shalt  }
0x77: {  	_ =	shalt  }
0x78: {  	_ =	shalt  }
0x79: {  	_ =	shalt  }
0x7a: {  	_ =	shalt  }
0x7b: {  	_ =	shalt  }
0x7c: {  	_ =	shalt  }
0x7d: {  	_ =	shalt  }
0x7e: {  	_ =	shalt  }
0x7f: {  	_ =	shalt  }
0x80: {  	_ =	shalt  }
0x81: {  	_ =	shalt  }
0x82: {  	_ =	shalt  }
0x83: {  	_ =	shalt  }
0x84: {  	_ =	shalt  }
0x85: {  	_ =	shalt  }
0x86: {  	_ =	shalt  }
0x87: {  	_ =	shalt  }
.Lfunc_end0:
.L_simem_size_0:
called_computation.1_lowered:
.L_overlay_start_0:
0x88: {  	s2 =	sld [smem:$0x3FD9]  }
0x89: {  	s3 =	sld [smem:$0x3FFE];
	_ =	sdelay $0x1  }
0x8a: {  	s1 =	srdreg.scid  }
0x8b: {  	s0 =	sand.u32 $0x1, s1  }
0x8c: {  	s17 =	sshll.u32 s0, $0xA;
	s2 =	sadd.s32 s3, s2  }
0x8d: {  	s2 =	sadd.s32 s2, s17  }
0x8e: {  	[smem:$0x3FBC] =	sst s2  }
0x8f: {  	_ = 	snop  }
0x90: {  	s2 =	sld [smem:$0x3FD0];
	(tm) =	ssettm $0x1  }
0x91: {  	s18 =	sld [smem:$0x3FFB];
	_ =	sdelay $0x3  }
0x92: {  	_ =	strace s18  }
0x93: {  	s3 =	sld [smem:$0x3FFC];
	_ =	sdelay $0x3  }
0x94: {  	_ =	strace s3  }
0x95: {  	s3 =	sld [smem:$0x3FFD];
	_ =	sdelay $0x3  }
0x96: {  	_ =	strace s3  }
0x97: {  	_ =	strace $0x8FFFFFFF  }
0x98: {  	s19 =	sld [smem:$0x3FDB];
	_ =	sdelay $0x1  }
0x99: {  	s4 =	simm.s32 $_scs_section_size  }
0x9a: {  	s5 =	simm.s32 $_size__tile_overlayer_lowered;
	s6 =	simm.s32 $_tile_overlayer_lowered  }
0x9b: {  	s22 =	simm.s32 $0x1BFF;
	s21 =	sshll.u32 s6, $0x1;
	s3 =	sadd.s32 s4, s19  }
0x9c: {  	s7 =	simm.s32 $0x0;
	s20 =	sshll.u32 s5, $0x1;
	s5 =	sadd.s32 s21, s3  }
0x9d: {  	[timem:s7], [sflag:s22] =	dma.local [hbm:s5], s20  }
0x9e: {  	_ =	swait.ge [sflag:s22], s20  }
0x9f: {  	s4 =	ssub.s32 $0x0, s20;
	[sflag:s22] =	ssyncset.done $0x0  }
0xa0: {  	[sflag:s22] =	ssyncadd.s32 s4;
	_ =	sdelay $0x1  }
0xa1: {  	s23 =	simm.s32 $0x1B8B  }
0xa2: {  	_ =	swait.ge [sflag:s23], $0x1  }
0xa3: {  	[sflag:s23] =	ssyncset.done $0x0  }
0xa4: {  	s25 =	simm.s32 $0x1B8E;
	s24 =	sld [smem:$0x3FFE];
	[sflag:s23] =	ssyncadd.s32 $0xFFFFFFFF  }
0xa5: {  	s26 =	simm.s32 $execute0_lowered;
	[smem:$0x3FD2] =	sst s25  }
0xa6: {  	s5 =	sshll.u32 s26, $0x1;
	_ =	strace $0x80000049;
	[dreg:$0x1] =	wrdreg $0xFFFFFFFF  }
0xa7: {  	s28 =	simm.s32 $_size_execute0_lowered;
	s3 =	sadd.s32 s3, s5;
	[dreg:$0x0] =	wrdreg $0x0  }
0xa8: {  	s5 =	sshll.u32 s28, $0x1;
	[dreg:$0x2] =	wrdreg s3  }
0xa9: {  	[dreg:$0x3] =	wrdreg s5  }
0xaa: {  	[dreg:$0x4] =	wrdreg $0xC0  }
0xab: {  	_ =	task [dreg:s7], $0x5FFFF  }
0xac: {  	[dreg:$0x1] =	wrdreg $0xFFFFFFFF  }
0xad: {  	[dreg:$0x0] =	wrdreg $0x60  }
0xae: {  	[dreg:$0x2] =	wrdreg s2  }
0xaf: {  	[dreg:$0x3] =	wrdreg s24  }
0xb0: {  	[dreg:$0x4] =	wrdreg $0x90000  }
0xb1: {  	[dreg:$0x5] =	wrdreg $0x9  }
0xb2: {  	_ =	task.clear_ibuf [dreg:s7], $0x6FFFF;
	_ =	strace $0x90000049  }
0xb3: {  	s29 =	simm.s32 $0x9;
	_ =	strace $0x8000004B  }
0xb4: {  	_ =	swait.ge [sflag:s29], $0x1  }
0xb5: {  	[sflag:s29] =	ssyncadd.s32 $0xFFFFFFFF  }
0xb6: {  	_ =	strace $0x9000004B  }
0xb7: {  	_ =	sfence  }
0xb8: {  	s30 =	sld [smem:$0x0];
	_ =	sdelay $0x2  }
0xb9: {  	s31 =	sshll.u32 s1, $0xD;
	s1 =	sshrl.u32 s1, $0x2  }
0xba: {  	s3 =	sand.u32 $0x4000, s31;
	s1 =	sadd.s32 s1, s30  }
0xbb: {  	s0 =	sor.u32 s3, s0;
	s1 =	sshll.u32 s1, $0x11  }
0xbc: {  	s0 =	sor.u32 s1, s0  }
0xbd: {  	s0 =	sadd.s32 $0x8F2B, s0  }
0xbe: {  	[sflag:s0] =	ssyncadd.remote.s32 $0x1  }
0xbf: {  	_ =	sfence.sel $0xFFFF  }
0xc0: {  	[dreg:$0x0] =	wrdreg $0xFFFFFFFF;
	(pc) =	sbr.abs _section_cstart, $3  }
0xc1: {  	[dreg:$0x1] =	wrdreg $0xFFFFFFFF  }
0xc2: {  	_ =	task.clear_ibuf [dreg:s7], $0x2FFFF;
	_ =	strace $0x9FFFFFFF  }
0xc3: {  	(tm) =	ssettm $0x7FFFFFFF  }
tec
execute0_lowered:
.L_overlay_start_1:
0x0: {  	(tag) =	ssettag $0x1  }
0x1: {  	s0 =	rddreg [dreg:$0x0]  }
0x2: {  	s1 =	rddreg [dreg:$0x1]  }
0x3: {  	s2 =	srdreg.scid;
	s3 =	rddreg [dreg:$0x2]  }
0x4: {  	s11 =	stileid.u32;
	s4 =	simm.s32 $0x0;
	s13 =	simm.s32 $0x100  }
0x5: {  	s15 =	simm.s32 $0x880;
	s17 =	simm.s32 $0x180;
	s18 =	simm.s32 $0x900  }
0x6: {  	s19 =	simm.s32 $0x200;
	s20 =	simm.s32 $0x980;
	[smem:$0x7FF] =	sst s4  }
0x7: {  	s21 =	simm.s32 $0x280;
	_ =	strace $0x8000004A;
	[dreg:$0x6] =	wrdreg s13  }
0x8: {  	s22 =	simm.s32 $0xA00;
	s23 =	simm.s32 $0x300;
	[dreg:$0x7] =	wrdreg s15  }
0x9: {  	s24 =	simm.s32 $0xA80;
	s25 =	simm.s32 $0x380;
	[dreg:$0x8] =	wrdreg s17  }
0xa: {  	s28 =	simm.s32 $0x680;
	s29 =	simm.s32 $0xE00;
	[dreg:$0x9] =	wrdreg s18  }
0xb: {  	s30 =	simm.s32 $0x700;
	s6 =	smul.u32 $0x2780, s11;
	[dreg:$0xa] =	wrdreg s19  }
0xc: {  	s31 =	simm.s32 $0xE80;
	s8 =	smul.u32 $0x500, s11;
	[dreg:$0xb] =	wrdreg s20  }
0xd: {  	s2 =	sand.u32 $0x1, s2;
	s10 =	smul.u32 $0x4F000, s11;
	[dreg:$0xc] =	wrdreg s21  }
0xe: {  	s16 =	sshll.u32 s11, $0x6;
	s5 =	smul.u32 $0x5000, s2;
	[dreg:$0xd] =	wrdreg s22  }
0xf: {  	s11 =	simm.s32 $0x800;
	s7 =	smul.u32 $0x27800, s2;
	[dreg:$0xe] =	wrdreg s23  }
0x10: {  	s2 =	ssub.s32 $0x2, s2;
	s13 =	simm.s32 $0x1000;
	[dreg:$0xf] =	wrdreg s24  }
0x11: {  	[dreg:$0x10] =	wrdreg s25;
	s15 =	simm.s32 $0x5000;
	s17 =	simm.s32 $0x400  }
0x12: {  	s18 =	simm.s32 $0xB80;
	s19 =	simm.s32 $0x480;
	s20 =	simm.s32 $0xC00  }
0x13: {  	s21 =	simm.s32 $0x500;
	s22 =	simm.s32 $0xC80;
	s23 =	simm.s32 $0x580  }
0x14: {  	s24 =	simm.s32 $0xD00;
	s25 =	simm.s32 $0x600;
	s9 =	sadd.s32 s6, s1  }
0x15: {  	s26 =	sshrl.u32 s2, $0x1;
	s10 =	sshrl.u32 s10, $0x2;
	s5 =	sadd.s32 s5, s1  }
0x16: {  	s6 =	sadd.s32 s6, s7;
	s2 =	ssub.s32 s2, s26;
	s12 =	sadd.s32 s10, s3  }
0x17: {  	s14 =	sadd.s32 $0x17C00, s9;
	s7 =	sor.u32 $0x1C03, s16;
	s10 =	simm.s32 $0x3  }
0x18: {  	s26 =	simm.s32 $0xB00;
	s16 =	simm.s32 $0x2;
	[dreg:$0x12] =	wrdreg s14  }
0x19: {  	s9 =	simm.s32 $0x0;
	s5 =	sadd.s32 s8, s5;
	[dreg:$0x11] =	wrdreg s26  }
0x1a: {  	s1 =	sadd.s32 s6, s1;
	s2 =	smax.u32 s2, $0x1;
	[dreg:$0x13] =	wrdreg s7  }
0x1b: {  	s14 =	simm.s32 $0x1;
	s8 =	sadd.s32 $0xDC00, s5;
	[dreg:$0x15] =	wrdreg s2  }
0x1c: {  	s26 =	simm.s32 $0xD80;
	s5 =	sadd.s32 $0x3400, s5;
	[dreg:$0x4] =	wrdreg s8  }
0x1d: {  	s1 =	sadd.s32 $0x3F400, s1;
	s2 =	simm.s32 $0xF00;
	[dreg:$0x5] =	wrdreg s5  }
0x1e: {  	[dreg:$0x14] =	wrdreg s1;
	s8 =	sshrl.u32 s12, $0x3;
	s12 =	simm.s32 $0x80  }
0x1f: {  	s1 =	simm.s32 $0x780;
	s5 =	simm.s32 $0xF80;
	[dreg:$0x16] =	wrdreg s8  }
.LBB2_1:
0x20: {  	[dreg:$0x17] =	wrdreg s9  }
0x21: {  	s6 =	rddreg [dreg:$0x12]  }
0x22: {  	[spmem:s8], [sflag:s7] =	dma.local [hbm:s6], $0x2780  }
0x23: {  	_ =	swait.ge [sflag:s10], $0x2780  }
0x24: {  	[sflag:s10] =	ssyncset.done $0x0  }
0x25: {  	[sflag:s10] =	ssyncadd.s32 $0xFFFFD880  }
0x26: {  	[bflag:$0x0] =	sbarrier.arrive $0xFFFF  }
0x27: {  	s7 =	rddreg [dreg:$0x4]  }
0x28: {  	s6 =	sadd.s32 $0x0, s7  }
0x29: {  	[tilespmem:s4], [sflag:$0x3] =	stream.linear.gather [hbm4b:s6+s4], $0x800, $0x38;
	[tilespmem:$0x1CC00] =	vst v63  }
0x2a: {  	_ =	swait.ge [sflag:s10], $0x800  }
0x2b: {  	s8 =	rddreg [dreg:$0x5];
	[sflag:s10] =	ssyncset.done $0x0  }
0x2c: {  	[sflag:s10] =	ssyncadd.s32 $0xFFFFF800;
	s6 =	sadd.s32 $0x0, s8  }
0x2d: {  	[tilespmem:s11], [sflag:$0x3] =	stream.linear.gather [hbm4b:s6+s4], $0x800, $0x38;
	[tilespmem:$0x1CC00] =	vst v63  }
0x2e: {  	_ =	swait.ge [sflag:s10], $0x800  }
0x2f: {  	[sflag:s10] =	ssyncset.done $0x0  }
0x30: {  	[sflag:s10] =	ssyncadd.s32 $0xFFFFF800  }
0x31: {  	[tilespmem:s13], [sflag:$0x1] =	stream.indirect.gather [hbm4b:s0+s12], $0x80, s4, s12, $0xb8;
	[tilespmem:$0x1CC00] =	vst v63  }
0x32: {  	_ =	swait.ge [sflag:s14], $0x4000  }
0x33: {  	[sflag:s14] =	ssyncset.done $0x0  }
0x34: {  	[sflag:s14] =	ssyncadd.s32 $0xFFFFC000  }
0x35: {  	[tilespmem:s15], [sflag:$0x2] =	stream.indirect.gather [hbm4b:s0+s12], $0x80, s12, s12, $0xb8;
	[tilespmem:$0x1CC00] =	vst v63  }
0x36: {  	_ = 	snop  }
0x37: {  	[spmem:s3] =	stream.indirect.scatter.add.f32 [tilespmem:s13], [sflag:$0x3], $0x80, s11, s12, $0xb8;
	[tilespmem:$0x1CC00] =	vst v63  }
0x38: {  	_ =	swait.ge [sflag:s10], $0x4000  }
0x39: {  	[sflag:s10] =	ssyncset.done $0x0  }
0x3a: {  	[sflag:s10] =	ssyncadd.s32 $0xFFFFC000  }
0x3b: {  	_ =	swait.ge [sflag:s16], $0x4000  }
0x3c: {  	[sflag:s16] =	ssyncset.done $0x0  }
0x3d: {  	s9 =	rddreg [dreg:$0x6];
	[sflag:s16] =	ssyncadd.s32 $0xFFFFC000  }
0x3e: {  	[tilespmem:s13], [sflag:$0x1] =	stream.indirect.gather [hbm4b:s0+s12], $0x80, s9, s12, $0xb8;
	[tilespmem:$0x1CC00] =	vst v63  }
0x3f: {  	s7 =	rddreg [dreg:$0x7]  }
0x40: {  	[spmem:s3] =	stream.indirect.scatter.add.f32 [tilespmem:s15], [sflag:$0x3], $0x80, s7, s12, $0xb8;
	[tilespmem:$0x1CC00] =	vst v63  }
0x41: {  	_ =	swait.ge [sflag:s10], $0x4000  }
0x42: {  	[sflag:s10] =	ssyncset.done $0x0  }
0x43: {  	[sflag:s10] =	ssyncadd.s32 $0xFFFFC000  }
0x44: {  	_ =	swait.ge [sflag:s14], $0x4000  }
0x45: {  	[sflag:s14] =	ssyncset.done $0x0  }
0x46: {  	s9 =	rddreg [dreg:$0x8];
	[sflag:s14] =	ssyncadd.s32 $0xFFFFC000  }
0x47: {  	[tilespmem:s15], [sflag:$0x2] =	stream.indirect.gather [hbm4b:s0+s12], $0x80, s9, s12, $0xb8;
	[tilespmem:$0x1CC00] =	vst v63  }
0x48: {  	s7 =	rddreg [dreg:$0x9]  }
0x49: {  	[spmem:s3] =	stream.indirect.scatter.add.f32 [tilespmem:s13], [sflag:$0x3], $0x80, s7, s12, $0xb8;
	[tilespmem:$0x1CC00] =	vst v63  }
0x4a: {  	_ =	swait.ge [sflag:s10], $0x4000  }
0x4b: {  	[sflag:s10] =	ssyncset.done $0x0  }
0x4c: {  	[sflag:s10] =	ssyncadd.s32 $0xFFFFC000  }
0x4d: {  	_ =	swait.ge [sflag:s16], $0x4000  }
0x4e: {  	[sflag:s16] =	ssyncset.done $0x0  }
0x4f: {  	s9 =	rddreg [dreg:$0xa];
	[sflag:s16] =	ssyncadd.s32 $0xFFFFC000  }
0x50: {  	[tilespmem:s13], [sflag:$0x1] =	stream.indirect.gather [hbm4b:s0+s12], $0x80, s9, s12, $0xb8;
	[tilespmem:$0x1CC00] =	vst v63  }
0x51: {  	s7 =	rddreg [dreg:$0xb]  }
0x52: {  	[spmem:s3] =	stream.indirect.scatter.add.f32 [tilespmem:s15], [sflag:$0x3], $0x80, s7, s12, $0xb8;
	[tilespmem:$0x1CC00] =	vst v63  }
0x53: {  	_ =	swait.ge [sflag:s10], $0x4000  }
0x54: {  	[sflag:s10] =	ssyncset.done $0x0  }
0x55: {  	[sflag:s10] =	ssyncadd.s32 $0xFFFFC000  }
0x56: {  	_ =	swait.ge [sflag:s14], $0x4000  }
0x57: {  	[sflag:s14] =	ssyncset.done $0x0  }
0x58: {  	s9 =	rddreg [dreg:$0xc];
	[sflag:s14] =	ssyncadd.s32 $0xFFFFC000  }
0x59: {  	[tilespmem:s15], [sflag:$0x2] =	stream.indirect.gather [hbm4b:s0+s12], $0x80, s9, s12, $0xb8;
	[tilespmem:$0x1CC00] =	vst v63  }
0x5a: {  	s7 =	rddreg [dreg:$0xd]  }
0x5b: {  	[spmem:s3] =	stream.indirect.scatter.add.f32 [tilespmem:s13], [sflag:$0x3], $0x80, s7, s12, $0xb8;
	[tilespmem:$0x1CC00] =	vst v63  }
0x5c: {  	_ =	swait.ge [sflag:s10], $0x4000  }
0x5d: {  	[sflag:s10] =	ssyncset.done $0x0  }
0x5e: {  	[sflag:s10] =	ssyncadd.s32 $0xFFFFC000  }
0x5f: {  	_ =	swait.ge [sflag:s16], $0x4000  }
0x60: {  	[sflag:s16] =	ssyncset.done $0x0  }
0x61: {  	s9 =	rddreg [dreg:$0xe];
	[sflag:s16] =	ssyncadd.s32 $0xFFFFC000  }
0x62: {  	[tilespmem:s13], [sflag:$0x1] =	stream.indirect.gather [hbm4b:s0+s12], $0x80, s9, s12, $0xb8;
	[tilespmem:$0x1CC00] =	vst v63  }
0x63: {  	s7 =	rddreg [dreg:$0xf]  }
0x64: {  	[spmem:s3] =	stream.indirect.scatter.add.f32 [tilespmem:s15], [sflag:$0x3], $0x80, s7, s12, $0xb8;
	[tilespmem:$0x1CC00] =	vst v63  }
0x65: {  	_ =	swait.ge [sflag:s10], $0x4000  }
0x66: {  	[sflag:s10] =	ssyncset.done $0x0  }
0x67: {  	[sflag:s10] =	ssyncadd.s32 $0xFFFFC000  }
0x68: {  	_ =	swait.ge [sflag:s14], $0x4000  }
0x69: {  	[sflag:s14] =	ssyncset.done $0x0  }
0x6a: {  	s8 =	rddreg [dreg:$0x10];
	[sflag:s14] =	ssyncadd.s32 $0xFFFFC000  }
0x6b: {  	[tilespmem:s15], [sflag:$0x2] =	stream.indirect.gather [hbm4b:s0+s12], $0x80, s8, s12, $0xb8;
	[tilespmem:$0x1CC00] =	vst v63  }
0x6c: {  	s9 =	rddreg [dreg:$0x11]  }
0x6d: {  	[spmem:s3] =	stream.indirect.scatter.add.f32 [tilespmem:s13], [sflag:$0x3], $0x80, s9, s12, $0xb8;
	[tilespmem:$0x1CC00] =	vst v63  }
0x6e: {  	_ =	swait.ge [sflag:s10], $0x4000  }
0x6f: {  	[sflag:s10] =	ssyncset.done $0x0  }
0x70: {  	[sflag:s10] =	ssyncadd.s32 $0xFFFFC000  }
0x71: {  	_ =	swait.ge [sflag:s16], $0x4000  }
0x72: {  	[sflag:s16] =	ssyncset.done $0x0  }
0x73: {  	[sflag:s16] =	ssyncadd.s32 $0xFFFFC000  }
0x74: {  	[tilespmem:s13], [sflag:$0x1] =	stream.indirect.gather [hbm4b:s0+s12], $0x80, s17, s12, $0xb8;
	[tilespmem:$0x1CC00] =	vst v63  }
0x75: {  	_ = 	snop  }
0x76: {  	[spmem:s3] =	stream.indirect.scatter.add.f32 [tilespmem:s15], [sflag:$0x3], $0x80, s18, s12, $0xb8;
	[tilespmem:$0x1CC00] =	vst v63  }
0x77: {  	_ =	swait.ge [sflag:s10], $0x4000  }
0x78: {  	[sflag:s10] =	ssyncset.done $0x0  }
0x79: {  	[sflag:s10] =	ssyncadd.s32 $0xFFFFC000  }
0x7a: {  	_ =	swait.ge [sflag:s14], $0x4000  }
0x7b: {  	[sflag:s14] =	ssyncset.done $0x0  }
0x7c: {  	[sflag:s14] =	ssyncadd.s32 $0xFFFFC000  }
0x7d: {  	[tilespmem:s15], [sflag:$0x2] =	stream.indirect.gather [hbm4b:s0+s12], $0x80, s19, s12, $0xb8;
	[tilespmem:$0x1CC00] =	vst v63  }
0x7e: {  	_ = 	snop  }
0x7f: {  	[spmem:s3] =	stream.indirect.scatter.add.f32 [tilespmem:s13], [sflag:$0x3], $0x80, s20, s12, $0xb8;
	[tilespmem:$0x1CC00] =	vst v63  }
0x80: {  	_ =	swait.ge [sflag:s10], $0x4000  }
0x81: {  	[sflag:s10] =	ssyncset.done $0x0  }
0x82: {  	[sflag:s10] =	ssyncadd.s32 $0xFFFFC000  }
0x83: {  	_ =	swait.ge [sflag:s16], $0x4000  }
0x84: {  	[sflag:s16] =	ssyncset.done $0x0  }
0x85: {  	[sflag:s16] =	ssyncadd.s32 $0xFFFFC000  }
0x86: {  	[tilespmem:s13], [sflag:$0x1] =	stream.indirect.gather [hbm4b:s0+s12], $0x80, s21, s12, $0xb8;
	[tilespmem:$0x1CC00] =	vst v63  }
0x87: {  	_ = 	snop  }
0x88: {  	[spmem:s3] =	stream.indirect.scatter.add.f32 [tilespmem:s15], [sflag:$0x3], $0x80, s22, s12, $0xb8;
	[tilespmem:$0x1CC00] =	vst v63  }
0x89: {  	_ =	swait.ge [sflag:s10], $0x4000  }
0x8a: {  	[sflag:s10] =	ssyncset.done $0x0  }
0x8b: {  	[sflag:s10] =	ssyncadd.s32 $0xFFFFC000  }
0x8c: {  	_ =	swait.ge [sflag:s14], $0x4000  }
0x8d: {  	[sflag:s14] =	ssyncset.done $0x0  }
0x8e: {  	[sflag:s14] =	ssyncadd.s32 $0xFFFFC000  }
0x8f: {  	[tilespmem:s15], [sflag:$0x2] =	stream.indirect.gather [hbm4b:s0+s12], $0x80, s23, s12, $0xb8;
	[tilespmem:$0x1CC00] =	vst v63  }
0x90: {  	_ = 	snop  }
0x91: {  	[spmem:s3] =	stream.indirect.scatter.add.f32 [tilespmem:s13], [sflag:$0x3], $0x80, s24, s12, $0xb8;
	[tilespmem:$0x1CC00] =	vst v63  }
0x92: {  	_ =	swait.ge [sflag:s10], $0x4000  }
0x93: {  	[sflag:s10] =	ssyncset.done $0x0  }
0x94: {  	[sflag:s10] =	ssyncadd.s32 $0xFFFFC000  }
0x95: {  	_ =	swait.ge [sflag:s16], $0x4000  }
0x96: {  	[sflag:s16] =	ssyncset.done $0x0  }
0x97: {  	[sflag:s16] =	ssyncadd.s32 $0xFFFFC000  }
0x98: {  	[tilespmem:s13], [sflag:$0x1] =	stream.indirect.gather [hbm4b:s0+s12], $0x80, s25, s12, $0xb8;
	[tilespmem:$0x1CC00] =	vst v63  }
0x99: {  	_ = 	snop  }
0x9a: {  	[spmem:s3] =	stream.indirect.scatter.add.f32 [tilespmem:s15], [sflag:$0x3], $0x80, s26, s12, $0xb8;
	[tilespmem:$0x1CC00] =	vst v63  }
0x9b: {  	_ =	swait.ge [sflag:s10], $0x4000  }
0x9c: {  	[sflag:s10] =	ssyncset.done $0x0  }
0x9d: {  	[sflag:s10] =	ssyncadd.s32 $0xFFFFC000  }
0x9e: {  	_ =	swait.ge [sflag:s14], $0x4000  }
0x9f: {  	[sflag:s14] =	ssyncset.done $0x0  }
0xa0: {  	[sflag:s14] =	ssyncadd.s32 $0xFFFFC000  }
0xa1: {  	[tilespmem:s15], [sflag:$0x2] =	stream.indirect.gather [hbm4b:s0+s12], $0x80, s28, s12, $0xb8;
	[tilespmem:$0x1CC00] =	vst v63  }
0xa2: {  	_ = 	snop  }
0xa3: {  	[spmem:s3] =	stream.indirect.scatter.add.f32 [tilespmem:s13], [sflag:$0x3], $0x80, s29, s12, $0xb8;
	[tilespmem:$0x1CC00] =	vst v63  }
0xa4: {  	_ =	swait.ge [sflag:s10], $0x4000  }
0xa5: {  	[sflag:s10] =	ssyncset.done $0x0  }
0xa6: {  	[sflag:s10] =	ssyncadd.s32 $0xFFFFC000  }
0xa7: {  	_ =	swait.ge [sflag:s16], $0x4000  }
0xa8: {  	[sflag:s16] =	ssyncset.done $0x0  }
0xa9: {  	[sflag:s16] =	ssyncadd.s32 $0xFFFFC000  }
0xaa: {  	[tilespmem:s13], [sflag:$0x1] =	stream.indirect.gather [hbm4b:s0+s12], $0x80, s30, s12, $0xb8;
	[tilespmem:$0x1CC00] =	vst v63  }
0xab: {  	_ = 	snop  }
0xac: {  	[spmem:s3] =	stream.indirect.scatter.add.f32 [tilespmem:s15], [sflag:$0x3], $0x80, s31, s12, $0xb8;
	[tilespmem:$0x1CC00] =	vst v63  }
0xad: {  	_ =	swait.ge [sflag:s10], $0x4000  }
0xae: {  	[sflag:s10] =	ssyncset.done $0x0  }
0xaf: {  	[sflag:s10] =	ssyncadd.s32 $0xFFFFC000  }
0xb0: {  	_ =	swait.ge [sflag:s14], $0x4000  }
0xb1: {  	[sflag:s14] =	ssyncset.done $0x0  }
0xb2: {  	[sflag:s14] =	ssyncadd.s32 $0xFFFFC000  }
0xb3: {  	[tilespmem:s15], [sflag:$0x2] =	stream.indirect.gather [hbm4b:s0+s12], $0x80, s1, s12, $0xb8;
	[tilespmem:$0x1CC00] =	vst v63  }
0xb4: {  	_ = 	snop  }
0xb5: {  	[spmem:s3] =	stream.indirect.scatter.add.f32 [tilespmem:s13], [sflag:$0x3], $0x80, s2, s12, $0xb8;
	[tilespmem:$0x1CC00] =	vst v63  }
0xb6: {  	_ =	swait.ge [sflag:s10], $0x4000  }
0xb7: {  	[sflag:s10] =	ssyncset.done $0x0  }
0xb8: {  	[sflag:s10] =	ssyncadd.s32 $0xFFFFC000  }
0xb9: {  	_ =	swait.ge [sflag:s16], $0x4000  }
0xba: {  	[sflag:s16] =	ssyncset.done $0x0  }
0xbb: {  	[sflag:s16] =	ssyncadd.s32 $0xFFFFC000  }
0xbc: {  	[spmem:s3] =	stream.indirect.scatter.add.f32 [tilespmem:s15], [sflag:$0x3], $0x80, s5, s12, $0xb8;
	[tilespmem:$0x1CC00] =	vst v63  }
0xbd: {  	s6 =	simm.s32 $0x200;
	_ =	swait.ge [sflag:s10], $0x4000  }
0xbe: {  	s8 =	simm.s32 $0x100;
	s9 =	rddreg [dreg:$0x4];
	[sflag:s10] =	ssyncset.done $0x0  }
.LBB2_2:
0xbf: {  	[sflag:s10] =	ssyncadd.s32 $0xFFFFC000;
	s9 =	sadd.s32 s8, s9  }
0xc0: {  	[tilespmem:s4], [sflag:$0x3] =	stream.linear.gather [hbm4b:s9+s4], $0x800, $0x38;
	[tilespmem:$0x1CC00] =	vst v63  }
0xc1: {  	_ =	swait.ge [sflag:s10], $0x800  }
0xc2: {  	s9 =	rddreg [dreg:$0x5];
	[sflag:s10] =	ssyncset.done $0x0  }
0xc3: {  	[sflag:s10] =	ssyncadd.s32 $0xFFFFF800;
	s9 =	sadd.s32 s8, s9  }
0xc4: {  	[tilespmem:s11], [sflag:$0x3] =	stream.linear.gather [hbm4b:s9+s4], $0x800, $0x38;
	[tilespmem:$0x1CC00] =	vst v63  }
0xc5: {  	_ =	swait.ge [sflag:s10], $0x800  }
0xc6: {  	[sflag:s10] =	ssyncset.done $0x0  }
0xc7: {  	[sflag:s10] =	ssyncadd.s32 $0xFFFFF800  }
0xc8: {  	[tilespmem:s13], [sflag:$0x1] =	stream.indirect.gather [hbm4b:s0+s12], $0x80, s4, s12, $0xb8;
	[tilespmem:$0x1CC00] =	vst v63  }
0xc9: {  	_ =	swait.ge [sflag:s14], $0x4000  }
0xca: {  	[sflag:s14] =	ssyncset.done $0x0  }
0xcb: {  	[sflag:s14] =	ssyncadd.s32 $0xFFFFC000  }
0xcc: {  	[tilespmem:s15], [sflag:$0x2] =	stream.indirect.gather [hbm4b:s0+s12], $0x80, s12, s12, $0xb8;
	[tilespmem:$0x1CC00] =	vst v63  }
0xcd: {  	_ = 	snop  }
0xce: {  	[spmem:s3] =	stream.indirect.scatter.add.f32 [tilespmem:s13], [sflag:$0x3], $0x80, s11, s12, $0xb8;
	[tilespmem:$0x1CC00] =	vst v63  }
0xcf: {  	_ =	swait.ge [sflag:s10], $0x4000  }
0xd0: {  	[sflag:s10] =	ssyncset.done $0x0  }
0xd1: {  	[sflag:s10] =	ssyncadd.s32 $0xFFFFC000  }
0xd2: {  	_ =	swait.ge [sflag:s16], $0x4000  }
0xd3: {  	s7 =	smov.u32 s6;
	[sflag:s16] =	ssyncset.done $0x0  }
0xd4: {  	s8 =	smov.u32 s7;
	s7 =	rddreg [dreg:$0x6];
	[sflag:s16] =	ssyncadd.s32 $0xFFFFC000  }
0xd5: {  	[tilespmem:s13], [sflag:$0x1] =	stream.indirect.gather [hbm4b:s0+s12], $0x80, s7, s12, $0xb8;
	[tilespmem:$0x1CC00] =	vst v63  }
0xd6: {  	s9 =	rddreg [dreg:$0x7]  }
0xd7: {  	[spmem:s3] =	stream.indirect.scatter.add.f32 [tilespmem:s15], [sflag:$0x3], $0x80, s9, s12, $0xb8;
	[tilespmem:$0x1CC00] =	vst v63  }
0xd8: {  	_ =	swait.ge [sflag:s10], $0x4000  }
0xd9: {  	[sflag:s10] =	ssyncset.done $0x0  }
0xda: {  	[sflag:s10] =	ssyncadd.s32 $0xFFFFC000  }
0xdb: {  	_ =	swait.ge [sflag:s14], $0x4000  }
0xdc: {  	[sflag:s14] =	ssyncset.done $0x0  }
0xdd: {  	s7 =	rddreg [dreg:$0x8];
	[sflag:s14] =	ssyncadd.s32 $0xFFFFC000  }
0xde: {  	[tilespmem:s15], [sflag:$0x2] =	stream.indirect.gather [hbm4b:s0+s12], $0x80, s7, s12, $0xb8;
	[tilespmem:$0x1CC00] =	vst v63  }
0xdf: {  	s9 =	rddreg [dreg:$0x9]  }
0xe0: {  	[spmem:s3] =	stream.indirect.scatter.add.f32 [tilespmem:s13], [sflag:$0x3], $0x80, s9, s12, $0xb8;
	[tilespmem:$0x1CC00] =	vst v63  }
0xe1: {  	_ =	swait.ge [sflag:s10], $0x4000  }
0xe2: {  	[sflag:s10] =	ssyncset.done $0x0  }
0xe3: {  	[sflag:s10] =	ssyncadd.s32 $0xFFFFC000  }
0xe4: {  	_ =	swait.ge [sflag:s16], $0x4000  }
0xe5: {  	[sflag:s16] =	ssyncset.done $0x0  }
0xe6: {  	s7 =	rddreg [dreg:$0xa];
	[sflag:s16] =	ssyncadd.s32 $0xFFFFC000  }
0xe7: {  	[tilespmem:s13], [sflag:$0x1] =	stream.indirect.gather [hbm4b:s0+s12], $0x80, s7, s12, $0xb8;
	[tilespmem:$0x1CC00] =	vst v63  }
0xe8: {  	s9 =	rddreg [dreg:$0xb]  }
0xe9: {  	[spmem:s3] =	stream.indirect.scatter.add.f32 [tilespmem:s15], [sflag:$0x3], $0x80, s9, s12, $0xb8;
	[tilespmem:$0x1CC00] =	vst v63  }
0xea: {  	_ =	swait.ge [sflag:s10], $0x4000  }
0xeb: {  	[sflag:s10] =	ssyncset.done $0x0  }
0xec: {  	[sflag:s10] =	ssyncadd.s32 $0xFFFFC000  }
0xed: {  	_ =	swait.ge [sflag:s14], $0x4000  }
0xee: {  	[sflag:s14] =	ssyncset.done $0x0  }
0xef: {  	s7 =	rddreg [dreg:$0xc];
	[sflag:s14] =	ssyncadd.s32 $0xFFFFC000  }
0xf0: {  	[tilespmem:s15], [sflag:$0x2] =	stream.indirect.gather [hbm4b:s0+s12], $0x80, s7, s12, $0xb8;
	[tilespmem:$0x1CC00] =	vst v63  }
0xf1: {  	s9 =	rddreg [dreg:$0xd]  }
0xf2: {  	[spmem:s3] =	stream.indirect.scatter.add.f32 [tilespmem:s13], [sflag:$0x3], $0x80, s9, s12, $0xb8;
	[tilespmem:$0x1CC00] =	vst v63  }
0xf3: {  	_ =	swait.ge [sflag:s10], $0x4000  }
0xf4: {  	[sflag:s10] =	ssyncset.done $0x0  }
0xf5: {  	[sflag:s10] =	ssyncadd.s32 $0xFFFFC000  }
0xf6: {  	_ =	swait.ge [sflag:s16], $0x4000  }
0xf7: {  	[sflag:s16] =	ssyncset.done $0x0  }
0xf8: {  	s7 =	rddreg [dreg:$0xe];
	[sflag:s16] =	ssyncadd.s32 $0xFFFFC000  }
0xf9: {  	[tilespmem:s13], [sflag:$0x1] =	stream.indirect.gather [hbm4b:s0+s12], $0x80, s7, s12, $0xb8;
	[tilespmem:$0x1CC00] =	vst v63  }
0xfa: {  	s9 =	rddreg [dreg:$0xf]  }
0xfb: {  	[spmem:s3] =	stream.indirect.scatter.add.f32 [tilespmem:s15], [sflag:$0x3], $0x80, s9, s12, $0xb8;
	[tilespmem:$0x1CC00] =	vst v63  }
0xfc: {  	_ =	swait.ge [sflag:s10], $0x4000  }
0xfd: {  	[sflag:s10] =	ssyncset.done $0x0  }
0xfe: {  	[sflag:s10] =	ssyncadd.s32 $0xFFFFC000  }
0xff: {  	_ =	swait.ge [sflag:s14], $0x4000  }
0x100: {  	[sflag:s14] =	ssyncset.done $0x0  }
0x101: {  	s7 =	rddreg [dreg:$0x10];
	[sflag:s14] =	ssyncadd.s32 $0xFFFFC000  }
0x102: {  	[tilespmem:s15], [sflag:$0x2] =	stream.indirect.gather [hbm4b:s0+s12], $0x80, s7, s12, $0xb8;
	[tilespmem:$0x1CC00] =	vst v63  }
0x103: {  	s9 =	rddreg [dreg:$0x11]  }
0x104: {  	[spmem:s3] =	stream.indirect.scatter.add.f32 [tilespmem:s13], [sflag:$0x3], $0x80, s9, s12, $0xb8;
	[tilespmem:$0x1CC00] =	vst v63  }
0x105: {  	_ =	swait.ge [sflag:s10], $0x4000  }
0x106: {  	[sflag:s10] =	ssyncset.done $0x0  }
0x107: {  	[sflag:s10] =	ssyncadd.s32 $0xFFFFC000  }
0x108: {  	_ =	swait.ge [sflag:s16], $0x4000  }
0x109: {  	[sflag:s16] =	ssyncset.done $0x0  }
0x10a: {  	[sflag:s16] =	ssyncadd.s32 $0xFFFFC000  }
0x10b: {  	[tilespmem:s13], [sflag:$0x1] =	stream.indirect.gather [hbm4b:s0+s12], $0x80, s17, s12, $0xb8;
	[tilespmem:$0x1CC00] =	vst v63  }
0x10c: {  	_ = 	snop  }
0x10d: {  	[spmem:s3] =	stream.indirect.scatter.add.f32 [tilespmem:s15], [sflag:$0x3], $0x80, s18, s12, $0xb8;
	[tilespmem:$0x1CC00] =	vst v63  }
0x10e: {  	_ =	swait.ge [sflag:s10], $0x4000  }
0x10f: {  	[sflag:s10] =	ssyncset.done $0x0  }
0x110: {  	[sflag:s10] =	ssyncadd.s32 $0xFFFFC000  }
0x111: {  	_ =	swait.ge [sflag:s14], $0x4000  }
0x112: {  	[sflag:s14] =	ssyncset.done $0x0  }
0x113: {  	[sflag:s14] =	ssyncadd.s32 $0xFFFFC000  }
0x114: {  	[tilespmem:s15], [sflag:$0x2] =	stream.indirect.gather [hbm4b:s0+s12], $0x80, s19, s12, $0xb8;
	[tilespmem:$0x1CC00] =	vst v63  }
0x115: {  	_ = 	snop  }
0x116: {  	[spmem:s3] =	stream.indirect.scatter.add.f32 [tilespmem:s13], [sflag:$0x3], $0x80, s20, s12, $0xb8;
	[tilespmem:$0x1CC00] =	vst v63  }
0x117: {  	_ =	swait.ge [sflag:s10], $0x4000  }
0x118: {  	[sflag:s10] =	ssyncset.done $0x0  }
0x119: {  	[sflag:s10] =	ssyncadd.s32 $0xFFFFC000  }
0x11a: {  	_ =	swait.ge [sflag:s16], $0x4000  }
0x11b: {  	[sflag:s16] =	ssyncset.done $0x0  }
0x11c: {  	[sflag:s16] =	ssyncadd.s32 $0xFFFFC000  }
0x11d: {  	[tilespmem:s13], [sflag:$0x1] =	stream.indirect.gather [hbm4b:s0+s12], $0x80, s21, s12, $0xb8;
	[tilespmem:$0x1CC00] =	vst v63  }
0x11e: {  	_ = 	snop  }
0x11f: {  	[spmem:s3] =	stream.indirect.scatter.add.f32 [tilespmem:s15], [sflag:$0x3], $0x80, s22, s12, $0xb8;
	[tilespmem:$0x1CC00] =	vst v63  }
0x120: {  	_ =	swait.ge [sflag:s10], $0x4000  }
0x121: {  	[sflag:s10] =	ssyncset.done $0x0  }
0x122: {  	[sflag:s10] =	ssyncadd.s32 $0xFFFFC000  }
0x123: {  	_ =	swait.ge [sflag:s14], $0x4000  }
0x124: {  	[sflag:s14] =	ssyncset.done $0x0  }
0x125: {  	[sflag:s14] =	ssyncadd.s32 $0xFFFFC000  }
0x126: {  	[tilespmem:s15], [sflag:$0x2] =	stream.indirect.gather [hbm4b:s0+s12], $0x80, s23, s12, $0xb8;
	[tilespmem:$0x1CC00] =	vst v63  }
0x127: {  	_ = 	snop  }
0x128: {  	[spmem:s3] =	stream.indirect.scatter.add.f32 [tilespmem:s13], [sflag:$0x3], $0x80, s24, s12, $0xb8;
	[tilespmem:$0x1CC00] =	vst v63  }
0x129: {  	_ =	swait.ge [sflag:s10], $0x4000  }
0x12a: {  	[sflag:s10] =	ssyncset.done $0x0  }
0x12b: {  	[sflag:s10] =	ssyncadd.s32 $0xFFFFC000  }
0x12c: {  	_ =	swait.ge [sflag:s16], $0x4000  }
0x12d: {  	[sflag:s16] =	ssyncset.done $0x0  }
0x12e: {  	[sflag:s16] =	ssyncadd.s32 $0xFFFFC000  }
0x12f: {  	[tilespmem:s13], [sflag:$0x1] =	stream.indirect.gather [hbm4b:s0+s12], $0x80, s25, s12, $0xb8;
	[tilespmem:$0x1CC00] =	vst v63  }
0x130: {  	_ = 	snop  }
0x131: {  	[spmem:s3] =	stream.indirect.scatter.add.f32 [tilespmem:s15], [sflag:$0x3], $0x80, s26, s12, $0xb8;
	[tilespmem:$0x1CC00] =	vst v63  }
0x132: {  	_ =	swait.ge [sflag:s10], $0x4000  }
0x133: {  	[sflag:s10] =	ssyncset.done $0x0  }
0x134: {  	[sflag:s10] =	ssyncadd.s32 $0xFFFFC000  }
0x135: {  	_ =	swait.ge [sflag:s14], $0x4000  }
0x136: {  	[sflag:s14] =	ssyncset.done $0x0  }
0x137: {  	[sflag:s14] =	ssyncadd.s32 $0xFFFFC000  }
0x138: {  	[tilespmem:s15], [sflag:$0x2] =	stream.indirect.gather [hbm4b:s0+s12], $0x80, s28, s12, $0xb8;
	[tilespmem:$0x1CC00] =	vst v63  }
0x139: {  	_ = 	snop  }
0x13a: {  	[spmem:s3] =	stream.indirect.scatter.add.f32 [tilespmem:s13], [sflag:$0x3], $0x80, s29, s12, $0xb8;
	[tilespmem:$0x1CC00] =	vst v63  }
0x13b: {  	_ =	swait.ge [sflag:s10], $0x4000  }
0x13c: {  	[sflag:s10] =	ssyncset.done $0x0  }
0x13d: {  	[sflag:s10] =	ssyncadd.s32 $0xFFFFC000  }
0x13e: {  	_ =	swait.ge [sflag:s16], $0x4000  }
0x13f: {  	[sflag:s16] =	ssyncset.done $0x0  }
0x140: {  	[sflag:s16] =	ssyncadd.s32 $0xFFFFC000  }
0x141: {  	[tilespmem:s13], [sflag:$0x1] =	stream.indirect.gather [hbm4b:s0+s12], $0x80, s30, s12, $0xb8;
	[tilespmem:$0x1CC00] =	vst v63  }
0x142: {  	_ = 	snop  }
0x143: {  	[spmem:s3] =	stream.indirect.scatter.add.f32 [tilespmem:s15], [sflag:$0x3], $0x80, s31, s12, $0xb8;
	[tilespmem:$0x1CC00] =	vst v63  }
0x144: {  	_ =	swait.ge [sflag:s10], $0x4000  }
0x145: {  	[sflag:s10] =	ssyncset.done $0x0  }
0x146: {  	[sflag:s10] =	ssyncadd.s32 $0xFFFFC000  }
0x147: {  	_ =	swait.ge [sflag:s14], $0x4000  }
0x148: {  	[sflag:s14] =	ssyncset.done $0x0  }
0x149: {  	[sflag:s14] =	ssyncadd.s32 $0xFFFFC000  }
0x14a: {  	[tilespmem:s15], [sflag:$0x2] =	stream.indirect.gather [hbm4b:s0+s12], $0x80, s1, s12, $0xb8;
	[tilespmem:$0x1CC00] =	vst v63  }
0x14b: {  	_ = 	snop  }
0x14c: {  	[spmem:s3] =	stream.indirect.scatter.add.f32 [tilespmem:s13], [sflag:$0x3], $0x80, s2, s12, $0xb8;
	[tilespmem:$0x1CC00] =	vst v63  }
0x14d: {  	_ =	swait.ge [sflag:s10], $0x4000  }
0x14e: {  	[sflag:s10] =	ssyncset.done $0x0  }
0x14f: {  	[sflag:s10] =	ssyncadd.s32 $0xFFFFC000  }
0x150: {  	p0 =	sne.s32 s6, $0x400;
	_ =	swait.ge [sflag:s16], $0x4000  }
.Ltmp0:
0x151: {  	[sflag:s16] =	ssyncset.done $0x0;
	(pc) =	sbr.rel @p0 .LBB2_2-.Ltmp0, $4  }
0x152: {  	[sflag:s16] =	ssyncadd.s32 $0xFFFFC000  }
0x153: {  	[spmem:s3] =	stream.indirect.scatter.add.f32 [tilespmem:s15], [sflag:$0x3], $0x80, s5, s12, $0xb8;
	[tilespmem:$0x1CC00] =	vst v63  }
0x154: {  	_ =	swait.ge [sflag:s10], $0x4000  }
0x155: {  	s6 =	sadd.s32 $0x100, s6;
	s9 =	rddreg [dreg:$0x4];
	[sflag:s10] =	ssyncset.done $0x0  }
0x156: {  	[sflag:s10] =	ssyncadd.s32 $0xFFFFC000;
	s6 =	sadd.s32 s8, s9  }
0x157: {  	[tilespmem:s4], [sflag:$0x3] =	stream.linear.gather [hbm4b:s6+s4], $0x800, $0x38;
	[tilespmem:$0x1CC00] =	vst v63  }
0x158: {  	_ =	swait.ge [sflag:s10], $0x800  }
0x159: {  	s7 =	rddreg [dreg:$0x5];
	[sflag:s10] =	ssyncset.done $0x0  }
0x15a: {  	[sflag:s10] =	ssyncadd.s32 $0xFFFFF800;
	s6 =	sadd.s32 s8, s7  }
0x15b: {  	[tilespmem:s11], [sflag:$0x3] =	stream.linear.gather [hbm4b:s6+s4], $0x800, $0x38;
	[tilespmem:$0x1CC00] =	vst v63  }
0x15c: {  	_ =	swait.ge [sflag:s10], $0x800  }
0x15d: {  	[sflag:s10] =	ssyncset.done $0x0  }
0x15e: {  	[sflag:s10] =	ssyncadd.s32 $0xFFFFF800  }
0x15f: {  	[tilespmem:s13], [sflag:$0x1] =	stream.indirect.gather [hbm4b:s0+s12], $0x80, s4, s12, $0xb8;
	[tilespmem:$0x1CC00] =	vst v63  }
0x160: {  	_ =	swait.ge [sflag:s14], $0x4000  }
0x161: {  	[sflag:s14] =	ssyncset.done $0x0  }
0x162: {  	[sflag:s14] =	ssyncadd.s32 $0xFFFFC000  }
0x163: {  	[tilespmem:s15], [sflag:$0x2] =	stream.indirect.gather [hbm4b:s0+s12], $0x80, s12, s12, $0xb8;
	[tilespmem:$0x1CC00] =	vst v63  }
0x164: {  	_ = 	snop  }
0x165: {  	[spmem:s3] =	stream.indirect.scatter.add.f32 [tilespmem:s13], [sflag:$0x3], $0x80, s11, s12, $0xb8;
	[tilespmem:$0x1CC00] =	vst v63  }
0x166: {  	_ =	swait.ge [sflag:s10], $0x4000  }
0x167: {  	[sflag:s10] =	ssyncset.done $0x0  }
0x168: {  	[sflag:s10] =	ssyncadd.s32 $0xFFFFC000  }
0x169: {  	_ =	swait.ge [sflag:s16], $0x4000  }
0x16a: {  	[sflag:s16] =	ssyncset.done $0x0  }
0x16b: {  	s9 =	rddreg [dreg:$0x6];
	[sflag:s16] =	ssyncadd.s32 $0xFFFFC000  }
0x16c: {  	[tilespmem:s13], [sflag:$0x1] =	stream.indirect.gather [hbm4b:s0+s12], $0x80, s9, s12, $0xb8;
	[tilespmem:$0x1CC00] =	vst v63  }
0x16d: {  	s7 =	rddreg [dreg:$0x7]  }
0x16e: {  	[spmem:s3] =	stream.indirect.scatter.add.f32 [tilespmem:s15], [sflag:$0x3], $0x80, s7, s12, $0xb8;
	[tilespmem:$0x1CC00] =	vst v63  }
0x16f: {  	_ =	swait.ge [sflag:s10], $0x4000  }
0x170: {  	[sflag:s10] =	ssyncset.done $0x0  }
0x171: {  	[sflag:s10] =	ssyncadd.s32 $0xFFFFC000  }
0x172: {  	_ =	swait.ge [sflag:s14], $0x4000  }
0x173: {  	[sflag:s14] =	ssyncset.done $0x0  }
0x174: {  	s8 =	rddreg [dreg:$0x8];
	[sflag:s14] =	ssyncadd.s32 $0xFFFFC000  }
0x175: {  	[tilespmem:s15], [sflag:$0x2] =	stream.indirect.gather [hbm4b:s0+s12], $0x80, s8, s12, $0xb8;
	[tilespmem:$0x1CC00] =	vst v63  }
0x176: {  	s9 =	rddreg [dreg:$0x9]  }
0x177: {  	[spmem:s3] =	stream.indirect.scatter.add.f32 [tilespmem:s13], [sflag:$0x3], $0x80, s9, s12, $0xb8;
	[tilespmem:$0x1CC00] =	vst v63  }
0x178: {  	_ =	swait.ge [sflag:s10], $0x4000  }
0x179: {  	[sflag:s10] =	ssyncset.done $0x0  }
0x17a: {  	[sflag:s10] =	ssyncadd.s32 $0xFFFFC000  }
0x17b: {  	_ =	swait.ge [sflag:s16], $0x4000  }
0x17c: {  	[sflag:s16] =	ssyncset.done $0x0  }
0x17d: {  	s8 =	rddreg [dreg:$0xa];
	[sflag:s16] =	ssyncadd.s32 $0xFFFFC000  }
0x17e: {  	[tilespmem:s13], [sflag:$0x1] =	stream.indirect.gather [hbm4b:s0+s12], $0x80, s8, s12, $0xb8;
	[tilespmem:$0x1CC00] =	vst v63  }
0x17f: {  	s9 =	rddreg [dreg:$0xb]  }
0x180: {  	[spmem:s3] =	stream.indirect.scatter.add.f32 [tilespmem:s15], [sflag:$0x3], $0x80, s9, s12, $0xb8;
	[tilespmem:$0x1CC00] =	vst v63  }
0x181: {  	_ =	swait.ge [sflag:s10], $0x4000  }
0x182: {  	[sflag:s10] =	ssyncset.done $0x0  }
0x183: {  	[sflag:s10] =	ssyncadd.s32 $0xFFFFC000  }
0x184: {  	_ =	swait.ge [sflag:s14], $0x4000  }
0x185: {  	[sflag:s14] =	ssyncset.done $0x0  }
0x186: {  	s8 =	rddreg [dreg:$0xc];
	[sflag:s14] =	ssyncadd.s32 $0xFFFFC000  }
0x187: {  	[tilespmem:s15], [sflag:$0x2] =	stream.indirect.gather [hbm4b:s0+s12], $0x80, s8, s12, $0xb8;
	[tilespmem:$0x1CC00] =	vst v63  }
0x188: {  	s9 =	rddreg [dreg:$0xd]  }
0x189: {  	[spmem:s3] =	stream.indirect.scatter.add.f32 [tilespmem:s13], [sflag:$0x3], $0x80, s9, s12, $0xb8;
	[tilespmem:$0x1CC00] =	vst v63  }
0x18a: {  	_ =	swait.ge [sflag:s10], $0x4000  }
0x18b: {  	[sflag:s10] =	ssyncset.done $0x0  }
0x18c: {  	[sflag:s10] =	ssyncadd.s32 $0xFFFFC000  }
0x18d: {  	_ =	swait.ge [sflag:s16], $0x4000  }
0x18e: {  	[sflag:s16] =	ssyncset.done $0x0  }
0x18f: {  	s8 =	rddreg [dreg:$0xe];
	[sflag:s16] =	ssyncadd.s32 $0xFFFFC000  }
0x190: {  	[tilespmem:s13], [sflag:$0x1] =	stream.indirect.gather [hbm4b:s0+s12], $0x80, s8, s12, $0xb8;
	[tilespmem:$0x1CC00] =	vst v63  }
0x191: {  	s9 =	rddreg [dreg:$0xf]  }
0x192: {  	[spmem:s3] =	stream.indirect.scatter.add.f32 [tilespmem:s15], [sflag:$0x3], $0x80, s9, s12, $0xb8;
	[tilespmem:$0x1CC00] =	vst v63  }
0x193: {  	_ =	swait.ge [sflag:s10], $0x4000  }
0x194: {  	[sflag:s10] =	ssyncset.done $0x0  }
0x195: {  	[sflag:s10] =	ssyncadd.s32 $0xFFFFC000  }
0x196: {  	_ =	swait.ge [sflag:s14], $0x4000  }
0x197: {  	[sflag:s14] =	ssyncset.done $0x0  }
0x198: {  	s7 =	rddreg [dreg:$0x10];
	[sflag:s14] =	ssyncadd.s32 $0xFFFFC000  }
0x199: {  	[tilespmem:s15], [sflag:$0x2] =	stream.indirect.gather [hbm4b:s0+s12], $0x80, s7, s12, $0xb8;
	[tilespmem:$0x1CC00] =	vst v63  }
0x19a: {  	s8 =	rddreg [dreg:$0x11]  }
0x19b: {  	[spmem:s3] =	stream.indirect.scatter.add.f32 [tilespmem:s13], [sflag:$0x3], $0x80, s8, s12, $0xb8;
	[tilespmem:$0x1CC00] =	vst v63  }
0x19c: {  	_ =	swait.ge [sflag:s10], $0x4000  }
0x19d: {  	[sflag:s10] =	ssyncset.done $0x0  }
0x19e: {  	[sflag:s10] =	ssyncadd.s32 $0xFFFFC000  }
0x19f: {  	_ =	swait.ge [sflag:s16], $0x4000  }
0x1a0: {  	[sflag:s16] =	ssyncset.done $0x0  }
0x1a1: {  	[sflag:s16] =	ssyncadd.s32 $0xFFFFC000  }
0x1a2: {  	[tilespmem:s13], [sflag:$0x1] =	stream.indirect.gather [hbm4b:s0+s12], $0x80, s17, s12, $0xb8;
	[tilespmem:$0x1CC00] =	vst v63  }
0x1a3: {  	_ = 	snop  }
0x1a4: {  	[spmem:s3] =	stream.indirect.scatter.add.f32 [tilespmem:s15], [sflag:$0x3], $0x80, s18, s12, $0xb8;
	[tilespmem:$0x1CC00] =	vst v63  }
0x1a5: {  	_ =	swait.ge [sflag:s10], $0x4000  }
0x1a6: {  	[sflag:s10] =	ssyncset.done $0x0  }
0x1a7: {  	[sflag:s10] =	ssyncadd.s32 $0xFFFFC000  }
0x1a8: {  	_ =	swait.ge [sflag:s14], $0x4000  }
0x1a9: {  	[sflag:s14] =	ssyncset.done $0x0  }
0x1aa: {  	[sflag:s14] =	ssyncadd.s32 $0xFFFFC000  }
0x1ab: {  	[tilespmem:s15], [sflag:$0x2] =	stream.indirect.gather [hbm4b:s0+s12], $0x80, s19, s12, $0xb8;
	[tilespmem:$0x1CC00] =	vst v63  }
0x1ac: {  	_ = 	snop  }
0x1ad: {  	[spmem:s3] =	stream.indirect.scatter.add.f32 [tilespmem:s13], [sflag:$0x3], $0x80, s20, s12, $0xb8;
	[tilespmem:$0x1CC00] =	vst v63  }
0x1ae: {  	_ =	swait.ge [sflag:s10], $0x4000  }
0x1af: {  	[sflag:s10] =	ssyncset.done $0x0  }
0x1b0: {  	[sflag:s10] =	ssyncadd.s32 $0xFFFFC000  }
0x1b1: {  	_ =	swait.ge [sflag:s16], $0x4000  }
0x1b2: {  	[sflag:s16] =	ssyncset.done $0x0  }
0x1b3: {  	[sflag:s16] =	ssyncadd.s32 $0xFFFFC000  }
0x1b4: {  	[tilespmem:s13], [sflag:$0x1] =	stream.indirect.gather [hbm4b:s0+s12], $0x80, s21, s12, $0xb8;
	[tilespmem:$0x1CC00] =	vst v63  }
0x1b5: {  	_ = 	snop  }
0x1b6: {  	[spmem:s3] =	stream.indirect.scatter.add.f32 [tilespmem:s15], [sflag:$0x3], $0x80, s22, s12, $0xb8;
	[tilespmem:$0x1CC00] =	vst v63  }
0x1b7: {  	_ =	swait.ge [sflag:s10], $0x4000  }
0x1b8: {  	[sflag:s10] =	ssyncset.done $0x0  }
0x1b9: {  	[sflag:s10] =	ssyncadd.s32 $0xFFFFC000  }
0x1ba: {  	_ =	swait.ge [sflag:s14], $0x4000  }
0x1bb: {  	[sflag:s14] =	ssyncset.done $0x0  }
0x1bc: {  	[sflag:s14] =	ssyncadd.s32 $0xFFFFC000  }
0x1bd: {  	[tilespmem:s15], [sflag:$0x2] =	stream.indirect.gather [hbm4b:s0+s12], $0x80, s23, s12, $0xb8;
	[tilespmem:$0x1CC00] =	vst v63  }
0x1be: {  	_ = 	snop  }
0x1bf: {  	[spmem:s3] =	stream.indirect.scatter.add.f32 [tilespmem:s13], [sflag:$0x3], $0x80, s24, s12, $0xb8;
	[tilespmem:$0x1CC00] =	vst v63  }
0x1c0: {  	_ =	swait.ge [sflag:s10], $0x4000  }
0x1c1: {  	[sflag:s10] =	ssyncset.done $0x0  }
0x1c2: {  	[sflag:s10] =	ssyncadd.s32 $0xFFFFC000  }
0x1c3: {  	_ =	swait.ge [sflag:s16], $0x4000  }
0x1c4: {  	[sflag:s16] =	ssyncset.done $0x0  }
0x1c5: {  	[sflag:s16] =	ssyncadd.s32 $0xFFFFC000  }
0x1c6: {  	[tilespmem:s13], [sflag:$0x1] =	stream.indirect.gather [hbm4b:s0+s12], $0x80, s25, s12, $0xb8;
	[tilespmem:$0x1CC00] =	vst v63  }
0x1c7: {  	_ = 	snop  }
0x1c8: {  	[spmem:s3] =	stream.indirect.scatter.add.f32 [tilespmem:s15], [sflag:$0x3], $0x80, s26, s12, $0xb8;
	[tilespmem:$0x1CC00] =	vst v63  }
0x1c9: {  	_ =	swait.ge [sflag:s10], $0x4000  }
0x1ca: {  	[sflag:s10] =	ssyncset.done $0x0  }
0x1cb: {  	[sflag:s10] =	ssyncadd.s32 $0xFFFFC000  }
0x1cc: {  	_ =	swait.ge [sflag:s14], $0x4000  }
0x1cd: {  	[sflag:s14] =	ssyncset.done $0x0  }
0x1ce: {  	[sflag:s14] =	ssyncadd.s32 $0xFFFFC000  }
0x1cf: {  	[tilespmem:s15], [sflag:$0x2] =	stream.indirect.gather [hbm4b:s0+s12], $0x80, s28, s12, $0xb8;
	[tilespmem:$0x1CC00] =	vst v63  }
0x1d0: {  	_ = 	snop  }
0x1d1: {  	[spmem:s3] =	stream.indirect.scatter.add.f32 [tilespmem:s13], [sflag:$0x3], $0x80, s29, s12, $0xb8;
	[tilespmem:$0x1CC00] =	vst v63  }
0x1d2: {  	_ =	swait.ge [sflag:s10], $0x4000  }
0x1d3: {  	[sflag:s10] =	ssyncset.done $0x0  }
0x1d4: {  	[sflag:s10] =	ssyncadd.s32 $0xFFFFC000  }
0x1d5: {  	_ =	swait.ge [sflag:s16], $0x4000  }
0x1d6: {  	[sflag:s16] =	ssyncset.done $0x0  }
0x1d7: {  	[sflag:s16] =	ssyncadd.s32 $0xFFFFC000  }
0x1d8: {  	[tilespmem:s13], [sflag:$0x1] =	stream.indirect.gather [hbm4b:s0+s12], $0x80, s30, s12, $0xb8;
	[tilespmem:$0x1CC00] =	vst v63  }
0x1d9: {  	_ = 	snop  }
0x1da: {  	[spmem:s3] =	stream.indirect.scatter.add.f32 [tilespmem:s15], [sflag:$0x3], $0x80, s31, s12, $0xb8;
	[tilespmem:$0x1CC00] =	vst v63  }
0x1db: {  	_ =	swait.ge [sflag:s10], $0x4000  }
0x1dc: {  	[sflag:s10] =	ssyncset.done $0x0  }
0x1dd: {  	[sflag:s10] =	ssyncadd.s32 $0xFFFFC000  }
0x1de: {  	_ =	swait.ge [sflag:s14], $0x4000  }
0x1df: {  	[sflag:s14] =	ssyncset.done $0x0  }
0x1e0: {  	[sflag:s14] =	ssyncadd.s32 $0xFFFFC000  }
0x1e1: {  	[tilespmem:s15], [sflag:$0x2] =	stream.indirect.gather [hbm4b:s0+s12], $0x80, s1, s12, $0xb8;
	[tilespmem:$0x1CC00] =	vst v63  }
0x1e2: {  	_ = 	snop  }
0x1e3: {  	[spmem:s3] =	stream.indirect.scatter.add.f32 [tilespmem:s13], [sflag:$0x3], $0x80, s2, s12, $0xb8;
	[tilespmem:$0x1CC00] =	vst v63  }
0x1e4: {  	_ =	swait.ge [sflag:s10], $0x4000  }
0x1e5: {  	[sflag:s10] =	ssyncset.done $0x0  }
0x1e6: {  	[sflag:s10] =	ssyncadd.s32 $0xFFFFC000  }
0x1e7: {  	_ =	swait.ge [sflag:s16], $0x4000  }
0x1e8: {  	[sflag:s16] =	ssyncset.done $0x0  }
0x1e9: {  	[sflag:s16] =	ssyncadd.s32 $0xFFFFC000  }
0x1ea: {  	[spmem:s3] =	stream.indirect.scatter.add.f32 [tilespmem:s15], [sflag:$0x3], $0x80, s5, s12, $0xb8;
	[tilespmem:$0x1CC00] =	vst v63  }
0x1eb: {  	_ =	swait.ge [sflag:s10], $0x4000  }
0x1ec: {  	[sflag:s10] =	ssyncset.done $0x0  }
0x1ed: {  	[sflag:s10] =	ssyncadd.s32 $0xFFFFC000  }
0x1ee: {  	[bflag:$0x0] =	sbarrier.arrive $0xFFFF  }
0x1ef: {  	s7 =	rddreg [dreg:$0x13]  }
0x1f0: {  	s9 =	rddreg [dreg:$0x14]  }
0x1f1: {  	s8 =	rddreg [dreg:$0x16]  }
0x1f2: {  	[hbm:s9], [sflag:s7] =	dma.local [spmem:s8], $0x2780  }
0x1f3: {  	_ =	swait.ge [sflag:s10], $0x2780  }
0x1f4: {  	s6 =	rddreg [dreg:$0x17]  }
0x1f5: {  	s9 =	sadd.s32 $0x1, s6;
	s6 =	rddreg [dreg:$0x15]  }
0x1f6: {  	p0 =	sne.s32 s9, s6  }
.Ltmp1:
0x1f7: {  	_ = 	snop;
	(pc) =	sbr.rel @p0 .LBB2_1-.Ltmp1, $3  }
0x1f8: {  	_ =	sdelay $0x1  }
0x1f9: {  	[sflag:s10] =	ssyncset.done $0x0  }
0x1fa: {  	[sflag:s10] =	ssyncadd.s32 $0xFFFFD880  }
0x1fb: {  	_ =	sfence.sel $0x180000  }
0x1fc: {  	[bflag:$0x0] =	sbarrier.arrive $0xFFFF  }
0x1fd: {  	_ =	strace $0x9000004A  }
0x1fe: {  	s0 =	stileid.u32;
	[bflag:$0x2] =	sbarrier.arrive $0xFFFF  }
0x1ff: {  	p0 =	sne.s32 s0, $0x0;
	s0 =	rddreg [dreg:$0x3]  }
0x200: {  	s0 =	sadd.s32 @!p0 $0x100000, s0  }
0x201: {  	[sflag:s0] =	ssyncadd.tile.s32 @!p0 $0x1;
	_ =	shalt  }
.Lfunc_end2:
_tile_overlayer_lowered:
.L_overlay_start_2:
0x202: {  	(tag) =	ssettag $0x2  }
0x203: {  	s0 =	rddreg [dreg:$0x0];
	s2 =	stileid.u32  }
0x204: {  	s1 =	rddreg [dreg:$0x1];
	p0 =	sne.s32 s2, $0x0  }
0x205: {  	s3 =	rddreg [dreg:$0x2];
	[bflag:$0x3] =	sbarrier.arrive $0xFFFF;
	s2 =	simm.s32 @!p0 $0x1C03  }
0x206: {  	[timem:s3], [sflag:s2] =	dma.local @!p0 [hbm:s0], s1  }
0x207: {  	s0 =	simm.s32 @!p0 $0x3  }
0x208: {  	_ =	swait.ge @!p0 [sflag:s0], s1  }
0x209: {  	s1 =	ssub.s32 @!p0 $0x0, s1;
	[sflag:s0] =	ssyncset.done @!p0 $0x0  }
0x20a: {  	[sflag:s0] =	ssyncadd.s32 @!p0 s1  }
0x20b: {  	[bflag:$0x3] =	sbarrier.arrive $0xFFFF  }
0x20c: {  	_ =	shalt  }

// kernel: kernel.16.cloned.1.call-start
scs
__scs_entry_jumppad:
0x0: {  	(pc) =	sbr.rel $0x88, $3  }
0x1: {  	(tag) =	ssettag $0x0;
	lr =	simm.s32 $0x1  }
0x2: {  	[smem:$0x3F95] =	sst lr;
	_ =	strace $0xD0000000  }
0x3: {  	_ = 	snop  }
0x4: {  	_ = 	snop  }
0x5: {  	_ = 	snop  }
0x6: {  	_ = 	snop  }
0x7: {  	_ = 	snop  }
__scs_overlays_trampoline_lowered:
0x8: {  	[smem:$0x3FA4] =	sst s0  }
0x9: {  	[smem:$0x3FA5] =	sst s1  }
0xa: {  	[smem:$0x3FA6] =	sst s2  }
0xb: {  	[smem:$0x3FA7] =	sst s3  }
0xc: {  	[smem:$0x3FA8] =	sst s4  }
0xd: {  	[smem:$0x3FA9] =	sst s5  }
0xe: {  	[smem:$0x3FAA] =	sst s6  }
0xf: {  	[smem:$0x3FAB] =	sst s7  }
0x10: {  	[smem:$0x3FAC] =	sst s8  }
0x11: {  	[smem:$0x3FAD] =	sst s9;
	s0 =	simm.s32 @!p0 $0x0  }
0x12: {  	s1 =	sld [smem:$0x3F93];
	s0 =	simm.s32 @p0 $0x1  }
0x13: {  	[smem:$0x3FAE] =	sst s0;
	s0 =	simm.s32 @!p1 $0x0  }
0x14: {  	s2 =	sld [smem:$0x3F92];
	s0 =	simm.s32 @p1 $0x1  }
0x15: {  	[smem:$0x3FAF] =	sst s0;
	s0 =	simm.s32 @!p2 $0x0  }
0x16: {  	s3 =	sld [smem:$0x3FDB];
	s0 =	simm.s32 @p2 $0x1  }
0x17: {  	s4 =	simm.s32 $0x1BF5;
	[smem:$0x3FB1] =	sst s0  }
0x18: {  	s0 =	sld [smem:$0x3F94];
	_ =	swait.ge [sflag:s4], $0x0  }
0x19: {  	s7 =	sld [smem:$0x3F95]  }
0x1a: {  	s8 =	sadd.s32 $0xFFFFE003, lr  }
0x1b: {  	s9 =	sadd.s32 $0xFFFFFEF7, lr;
	s5 =	simm.s32 $0xFFFFFFFF;
	p2 =	slt.u32 s8, $0xFFFFF086  }
0x1c: {  	p1 =	slt.u32 s9, $0xF7A;
	s5 =	simm.s32 @!p2 $0x0  }
0x1d: {  	s5 =	simm.s32 @p1 $0x1;
	p0 =	seq.s32 s7, s2  }
0x1e: {  	s7 =	smul.u32 @!p0 $0xF7A, s2;
	p2 =	seq.s32 @!p0 s5, $0x0  }
0x1f: {  	s9 =	smul.u32 $0xF7A, s1;
	s8 =	simm.s32 @!p0 $0x1BF5;
	p2 =	por !p2, p0  }
0x20: {  	[sflag:s8] =	ssyncset.s32 @!p0 $0xFFFFF086;
	s6 =	sadd.s32 @!p0 s3, s7;
	s7 =	simm.s32 @!p0 $0x108  }
0x21: {  	s3 =	sadd.s32 s3, s9;
	s6 =	sadd.s32 @!p0 $0x88, s6;
	s7 =	simm.s32 @p2 $0x1082  }
0x22: {  	[simem:s7], [sflag:s8] =	dma.local @!p0 [hbm:s6], $0xF7A  }
0x23: {  	s9 =	sor.u32 $0xD0000000, s2;
	s6 =	simm.s32 $0x108;
	_ =	swait.ge @!p0 [sflag:s8], $0x0  }
0x24: {  	s3 =	sadd.s32 $0x88, s3;
	s6 =	simm.s32 @!p1 $0x1082;
	[sflag:s4] =	ssyncset.s32 $0xFFFFF086  }
0x25: {  	[simem:s6], [sflag:s4] =	dma.local [hbm:s3], $0xF7A  }
0x26: {  	[smem:$0x3F95] =	sst s1;
	(tag) =	ssettag s2;
	_ =	strace s9  }
0x27: {  	s1 =	sld [smem:$0x3FA5]  }
0x28: {  	s2 =	sld [smem:$0x3FA6]  }
0x29: {  	s4 =	sld [smem:$0x3FA8]  }
0x2a: {  	p0 =	seq.s32 s5, $0x0;
	s5 =	sld [smem:$0x3FA9]  }
0x2b: {  	s6 =	sld [smem:$0x3FAA]  }
0x2c: {  	s7 =	sld [smem:$0x3FAB]  }
0x2d: {  	s3 =	simm.s32 $0x108;
	s8 =	sld [smem:$0x3FAC]  }
0x2e: {  	s3 =	simm.s32 @!p0 $0x1082;
	s9 =	sld [smem:$0x3FAD]  }
0x2f: {  	lr =	sadd.s32 s0, s3;
	s0 =	sld [smem:$0x3FA4]  }
0x30: {  	s3 =	sld [smem:$0x3FA7]  }
0x31: {  	[smem:$0x3FB0] =	sst s10  }
0x32: {  	s10 =	sld [smem:$0x3FAE];
	_ =	sdelay $0x3  }
0x33: {  	p0 =	seq.s32 s10, $0x1;
	s10 =	sld [smem:$0x3FB0];
	_ =	sdelay $0x3  }
0x34: {  	[smem:$0x3FB0] =	sst s10  }
0x35: {  	s10 =	sld [smem:$0x3FAF];
	_ =	sdelay $0x3  }
0x36: {  	p1 =	seq.s32 s10, $0x1;
	s10 =	sld [smem:$0x3FB0];
	_ =	sdelay $0x3  }
0x37: {  	[smem:$0x3FB0] =	sst s10  }
0x38: {  	s10 =	sld [smem:$0x3FB1]  }
0x39: {  	_ = 	snop;
	(pc) =	sbr.ind lr, $3  }
0x3a: {  	_ = 	snop  }
0x3b: {  	_ = 	snop  }
0x3c: {  	p2 =	seq.s32 s10, $0x1;
	s10 =	sld [smem:$0x3FB0]  }
0x3d: {  	_ =	shalt  }
0x3e: {  	_ =	shalt  }
0x3f: {  	_ =	shalt  }
0x40: {  	_ =	shalt  }
0x41: {  	_ =	shalt  }
0x42: {  	_ =	shalt  }
0x43: {  	_ =	shalt  }
0x44: {  	_ =	shalt  }
0x45: {  	_ =	shalt  }
0x46: {  	_ =	shalt  }
0x47: {  	_ =	shalt  }
0x48: {  	_ =	shalt  }
0x49: {  	_ =	shalt  }
0x4a: {  	_ =	shalt  }
0x4b: {  	_ =	shalt  }
0x4c: {  	_ =	shalt  }
0x4d: {  	_ =	shalt  }
0x4e: {  	_ =	shalt  }
0x4f: {  	_ =	shalt  }
0x50: {  	_ =	shalt  }
0x51: {  	_ =	shalt  }
0x52: {  	_ =	shalt  }
0x53: {  	_ =	shalt  }
0x54: {  	_ =	shalt  }
0x55: {  	_ =	shalt  }
0x56: {  	_ =	shalt  }
0x57: {  	_ =	shalt  }
0x58: {  	_ =	shalt  }
0x59: {  	_ =	shalt  }
0x5a: {  	_ =	shalt  }
0x5b: {  	_ =	shalt  }
0x5c: {  	_ =	shalt  }
0x5d: {  	_ =	shalt  }
0x5e: {  	_ =	shalt  }
0x5f: {  	_ =	shalt  }
0x60: {  	_ =	shalt  }
0x61: {  	_ =	shalt  }
0x62: {  	_ =	shalt  }
0x63: {  	_ =	shalt  }
0x64: {  	_ =	shalt  }
0x65: {  	_ =	shalt  }
0x66: {  	_ =	shalt  }
0x67: {  	_ =	shalt  }
0x68: {  	_ =	shalt  }
0x69: {  	_ =	shalt  }
0x6a: {  	_ =	shalt  }
0x6b: {  	_ =	shalt  }
0x6c: {  	_ =	shalt  }
0x6d: {  	_ =	shalt  }
0x6e: {  	_ =	shalt  }
0x6f: {  	_ =	shalt  }
0x70: {  	_ =	shalt  }
0x71: {  	_ =	shalt  }
0x72: {  	_ =	shalt  }
0x73: {  	_ =	shalt  }
0x74: {  	_ =	shalt  }
0x75: {  	_ =	shalt  }
0x76: {  	_ =	shalt  }
0x77: {  	_ =	shalt  }
0x78: {  	_ =	shalt  }
0x79: {  	_ =	shalt  }
0x7a: {  	_ =	shalt  }
0x7b: {  	_ =	shalt  }
0x7c: {  	_ =	shalt  }
0x7d: {  	_ =	shalt  }
0x7e: {  	_ =	shalt  }
0x7f: {  	_ =	shalt  }
0x80: {  	_ =	shalt  }
0x81: {  	_ =	shalt  }
0x82: {  	_ =	shalt  }
0x83: {  	_ =	shalt  }
0x84: {  	_ =	shalt  }
0x85: {  	_ =	shalt  }
0x86: {  	_ =	shalt  }
0x87: {  	_ =	shalt  }
.Lfunc_end0:
.L_simem_size_0:
called_computation.2_lowered:
.L_overlay_start_0:
0x88: {  	s2 =	sld [smem:$0x3FD9]  }
0x89: {  	s3 =	sld [smem:$0x3FFE];
	_ =	sdelay $0x1  }
0x8a: {  	s1 =	srdreg.scid  }
0x8b: {  	s0 =	sand.u32 $0x1, s1  }
0x8c: {  	s17 =	sshll.u32 s0, $0xA;
	s2 =	sadd.s32 s3, s2  }
0x8d: {  	s2 =	sadd.s32 s2, s17  }
0x8e: {  	[smem:$0x3FBC] =	sst s2  }
0x8f: {  	_ = 	snop  }
0x90: {  	s2 =	sld [smem:$0x3FD0];
	(tm) =	ssettm $0x1  }
0x91: {  	s18 =	sld [smem:$0x3FFB];
	_ =	sdelay $0x3  }
0x92: {  	_ =	strace s18  }
0x93: {  	s3 =	sld [smem:$0x3FFC];
	_ =	sdelay $0x3  }
0x94: {  	_ =	strace s3  }
0x95: {  	s3 =	sld [smem:$0x3FFD];
	_ =	sdelay $0x3  }
0x96: {  	_ =	strace s3  }
0x97: {  	_ =	strace $0x8FFFFFFF  }
0x98: {  	s19 =	sld [smem:$0x3FDB];
	_ =	sdelay $0x1  }
0x99: {  	s4 =	simm.s32 $_scs_section_size  }
0x9a: {  	s5 =	simm.s32 $_size__tile_overlayer_lowered;
	s6 =	simm.s32 $_tile_overlayer_lowered  }
0x9b: {  	s22 =	simm.s32 $0x1BFF;
	s21 =	sshll.u32 s6, $0x1;
	s3 =	sadd.s32 s4, s19  }
0x9c: {  	s7 =	simm.s32 $0x0;
	s20 =	sshll.u32 s5, $0x1;
	s5 =	sadd.s32 s21, s3  }
0x9d: {  	[timem:s7], [sflag:s22] =	dma.local [hbm:s5], s20  }
0x9e: {  	_ =	swait.ge [sflag:s22], s20  }
0x9f: {  	s4 =	ssub.s32 $0x0, s20;
	[sflag:s22] =	ssyncset.done $0x0  }
0xa0: {  	[sflag:s22] =	ssyncadd.s32 s4;
	_ =	sdelay $0x1  }
0xa1: {  	s23 =	simm.s32 $0x1B8B  }
0xa2: {  	_ =	swait.ge [sflag:s23], $0x1  }
0xa3: {  	[sflag:s23] =	ssyncset.done $0x0  }
0xa4: {  	s25 =	simm.s32 $0x1B8E;
	s24 =	sld [smem:$0x3FFE];
	[sflag:s23] =	ssyncadd.s32 $0xFFFFFFFF  }
0xa5: {  	s26 =	simm.s32 $execute0_lowered;
	[smem:$0x3FD2] =	sst s25  }
0xa6: {  	s5 =	sshll.u32 s26, $0x1;
	_ =	strace $0x8000004C;
	[dreg:$0x1] =	wrdreg $0xFFFFFFFF  }
0xa7: {  	s28 =	simm.s32 $_size_execute0_lowered;
	s3 =	sadd.s32 s3, s5;
	[dreg:$0x0] =	wrdreg $0x0  }
0xa8: {  	s5 =	sshll.u32 s28, $0x1;
	[dreg:$0x2] =	wrdreg s3  }
0xa9: {  	[dreg:$0x3] =	wrdreg s5  }
0xaa: {  	[dreg:$0x4] =	wrdreg $0xC0  }
0xab: {  	_ =	task [dreg:s7], $0x5FFFF  }
0xac: {  	[dreg:$0x1] =	wrdreg $0xFFFFFFFF  }
0xad: {  	[dreg:$0x0] =	wrdreg $0x60  }
0xae: {  	[dreg:$0x2] =	wrdreg s2  }
0xaf: {  	[dreg:$0x3] =	wrdreg s24  }
0xb0: {  	[dreg:$0x4] =	wrdreg $0xA0000  }
0xb1: {  	[dreg:$0x5] =	wrdreg $0x9  }
0xb2: {  	_ =	task.clear_ibuf [dreg:s7], $0x6FFFF;
	_ =	strace $0x9000004C  }
0xb3: {  	s29 =	simm.s32 $0x9;
	_ =	strace $0x8000004E  }
0xb4: {  	_ =	swait.ge [sflag:s29], $0x1  }
0xb5: {  	[sflag:s29] =	ssyncadd.s32 $0xFFFFFFFF  }
0xb6: {  	_ =	strace $0x9000004E  }
0xb7: {  	_ =	sfence  }
0xb8: {  	s30 =	sld [smem:$0x0];
	_ =	sdelay $0x2  }
0xb9: {  	s31 =	sshll.u32 s1, $0xD;
	s1 =	sshrl.u32 s1, $0x2  }
0xba: {  	s3 =	sand.u32 $0x4000, s31;
	s1 =	sadd.s32 s1, s30  }
0xbb: {  	s0 =	sor.u32 s3, s0;
	s1 =	sshll.u32 s1, $0x11  }
0xbc: {  	s0 =	sor.u32 s1, s0  }
0xbd: {  	s0 =	sadd.s32 $0x8F2B, s0  }
0xbe: {  	[sflag:s0] =	ssyncadd.remote.s32 $0x1  }
0xbf: {  	_ =	sfence.sel $0xFFFF  }
0xc0: {  	[dreg:$0x0] =	wrdreg $0xFFFFFFFF;
	(pc) =	sbr.abs _section_cstart, $3  }
0xc1: {  	[dreg:$0x1] =	wrdreg $0xFFFFFFFF  }
0xc2: {  	_ =	task.clear_ibuf [dreg:s7], $0x2FFFF;
	_ =	strace $0x9FFFFFFF  }
0xc3: {  	(tm) =	ssettm $0x7FFFFFFF  }
tec
execute0_lowered:
.L_overlay_start_1:
0x0: {  	(tag) =	ssettag $0x1  }
0x1: {  	s2 =	rddreg [dreg:$0x0]  }
0x2: {  	s7 =	rddreg [dreg:$0x1]  }
0x3: {  	s3 =	rddreg [dreg:$0x2]  }
0x4: {  	s0 =	rddreg [dreg:$0x3];
	s1 =	stileid.u32  }
0x5: {  	s5 =	srdreg.scid;
	s4 =	simm.s32 $0x0;
	s16 =	simm.s32 $0x80  }
0x6: {  	s17 =	simm.s32 $0x2000;
	s18 =	simm.s32 $0x1;
	s19 =	simm.s32 $0x6000  }
0x7: {  	s20 =	simm.s32 $0x2;
	s21 =	simm.s32 $0xF80;
	s22 =	simm.s32 $0x1F00  }
0x8: {  	s23 =	simm.s32 $0x1F80;
	s8 =	smul.u32 $0x2780, s1;
	s10 =	sand.u32 $0x1, s5  }
0x9: {  	[smem:$0x7FF] =	sst s4;
	s5 =	sadd.s32 $0x8E400, s7;
	s11 =	smul.u32 $0x4F000, s1  }
0xa: {  	s6 =	sadd.s32 $0x3400, s7;
	s31 =	sshll.u32 s1, $0x6;
	s9 =	smul.u32 $0x27800, s10  }
0xb: {  	_ =	strace $0x8000004D;
	s13 =	ssub.s32 $0x2, s10;
	s10 =	smul.u32 $0xA00, s10  }
0xc: {  	s12 =	sadd.s32 s8, s7;
	s30 =	sshrl.u32 s13, $0x1;
	s11 =	sshrl.u32 s11, $0x2  }
0xd: {  	s8 =	sadd.s32 s8, s9;
	s13 =	ssub.s32 s13, s30;
	s15 =	sadd.s32 s11, s3  }
0xe: {  	s9 =	sor.u32 $0x1C03, s31;
	s14 =	sadd.s32 s8, s7;
	s7 =	sadd.s32 $0x17C00, s12  }
0xf: {  	s8 =	smul.u32 $0xA0, s1;
	s12 =	smax.u32 s13, $0x1;
	s13 =	sshrl.u32 s15, $0x3  }
0x10: {  	s15 =	simm.s32 $0x1000;
	s11 =	sadd.s32 $0x3F400, s14;
	s14 =	simm.s32 $0x3  }
.LBB2_1:
0x11: {  	[spmem:s13], [sflag:s9] =	dma.local [hbm:s7], $0x2780  }
0x12: {  	_ =	swait.ge [sflag:s14], $0x2780  }
0x13: {  	[sflag:s14] =	ssyncset.done $0x0  }
0x14: {  	[sflag:s14] =	ssyncadd.s32 $0xFFFFD880  }
0x15: {  	s24 =	simm.s32 $0x0;
	[bflag:$0x0] =	sbarrier.arrive $0xFFFF  }
.LBB2_2:
0x16: {  	s25 =	sshll.u32 s24, $0x5  }
0x17: {  	s25 =	sadd.s32 s8, s25  }
0x18: {  	s26 =	sadd.s32 s10, s25  }
0x19: {  	s26 =	sshll.u32 s26, $0x4  }
0x1a: {  	s28 =	simm.s32 $0x0;
	s26 =	sadd.s32 s5, s26  }
0x1b: {  	[tilespmem:s28], [sflag:$0x3] =	stream.linear.gather [hbm4b:s26+s28], $0x1000, $0x38;
	[tilespmem:$0x1DC00] =	vst v63  }
0x1c: {  	_ =	swait.ge [sflag:s14], $0x1000  }
0x1d: {  	s25 =	sshll.u32 s25, $0x4;
	[sflag:s14] =	ssyncset.done $0x0  }
0x1e: {  	s25 =	sadd.s32 s6, s25;
	[sflag:s14] =	ssyncadd.s32 $0xFFFFF000  }
0x1f: {  	[tilespmem:s15], [sflag:$0x3] =	stream.linear.gather [hbm4b:s25+s28], $0x1000, $0x38;
	[tilespmem:$0x1DC00] =	vst v63  }
0x20: {  	_ =	swait.ge [sflag:s14], $0x1000  }
0x21: {  	[sflag:s14] =	ssyncset.done $0x0  }
0x22: {  	[sflag:s14] =	ssyncadd.s32 $0xFFFFF000  }
0x23: {  	[tilespmem:s17], [sflag:$0x1] =	stream.indirect.gather [hbm4b:s2+s16], $0x80, s28, s16, $0xb8;
	[tilespmem:$0x1DC00] =	vst v63  }
0x24: {  	_ =	swait.ge [sflag:s18], $0x4000  }
0x25: {  	[sflag:s18] =	ssyncset.done $0x0  }
0x26: {  	s28 =	simm.s32 $0x80;
	[sflag:s18] =	ssyncadd.s32 $0xFFFFC000  }
0x27: {  	[tilespmem:s19], [sflag:$0x2] =	stream.indirect.gather [hbm4b:s2+s16], $0x80, s28, s16, $0xb8;
	[tilespmem:$0x1DC00] =	vst v63  }
0x28: {  	s29 =	simm.s32 $0x1000  }
0x29: {  	[spmem:s3] =	stream.indirect.scatter.add.f32 [tilespmem:s17], [sflag:$0x3], $0x80, s29, s16, $0xb8;
	[tilespmem:$0x1DC00] =	vst v63  }
0x2a: {  	_ =	swait.ge [sflag:s14], $0x4000  }
0x2b: {  	[sflag:s14] =	ssyncset.done $0x0  }
0x2c: {  	[sflag:s14] =	ssyncadd.s32 $0xFFFFC000  }
0x2d: {  	_ =	swait.ge [sflag:s20], $0x4000  }
0x2e: {  	[sflag:s20] =	ssyncset.done $0x0  }
0x2f: {  	s30 =	simm.s32 $0x100;
	[sflag:s20] =	ssyncadd.s32 $0xFFFFC000  }
0x30: {  	[tilespmem:s17], [sflag:$0x1] =	stream.indirect.gather [hbm4b:s2+s16], $0x80, s30, s16, $0xb8;
	[tilespmem:$0x1DC00] =	vst v63  }
0x31: {  	s31 =	simm.s32 $0x1080  }
0x32: {  	[spmem:s3] =	stream.indirect.scatter.add.f32 [tilespmem:s19], [sflag:$0x3], $0x80, s31, s16, $0xb8;
	[tilespmem:$0x1DC00] =	vst v63  }
0x33: {  	_ =	swait.ge [sflag:s14], $0x4000  }
0x34: {  	s25 =	simm.s32 $0x400;
	[sflag:s14] =	ssyncset.done $0x0  }
.LBB2_3:
0x35: {  	p0 =	sne.s32 s25, $0x3800  }
0x36: {  	[sflag:s14] =	ssyncadd.s32 $0xFFFFC000;
	s26 =	smov.u32 s25;
	s25 =	sadd.s32 $0x400, s25  }
0x37: {  	_ = 	snop  }
0x38: {  	_ =	swait.ge [sflag:s18], $0x4000  }
0x39: {  	s26 =	sshra.s32 s26, $0x2;
	[sflag:s18] =	ssyncset.done $0x0  }
0x3a: {  	s28 =	sadd.s32 $0x80, s26;
	[sflag:s18] =	ssyncadd.s32 $0xFFFFC000  }
0x3b: {  	[tilespmem:s19], [sflag:$0x2] =	stream.indirect.gather [hbm4b:s2+s16], $0x80, s28, s16, $0xb8;
	[tilespmem:$0x1DC00] =	vst v63  }
0x3c: {  	s28 =	sadd.s32 $0x1000, s26  }
0x3d: {  	[spmem:s3] =	stream.indirect.scatter.add.f32 [tilespmem:s17], [sflag:$0x3], $0x80, s28, s16, $0xb8;
	[tilespmem:$0x1DC00] =	vst v63  }
0x3e: {  	_ =	swait.ge [sflag:s14], $0x4000  }
0x3f: {  	[sflag:s14] =	ssyncset.done $0x0  }
0x40: {  	[sflag:s14] =	ssyncadd.s32 $0xFFFFC000  }
0x41: {  	_ =	swait.ge [sflag:s20], $0x4000  }
0x42: {  	[sflag:s20] =	ssyncset.done $0x0  }
0x43: {  	s28 =	sadd.s32 $0x100, s26;
	[sflag:s20] =	ssyncadd.s32 $0xFFFFC000  }
0x44: {  	[tilespmem:s17], [sflag:$0x1] =	stream.indirect.gather [hbm4b:s2+s16], $0x80, s28, s16, $0xb8;
	[tilespmem:$0x1DC00] =	vst v63  }
.Ltmp0:
0x45: {  	_ = 	snop;
	(pc) =	sbr.rel @p0 .LBB2_3-.Ltmp0, $4  }
0x46: {  	s26 =	sadd.s32 $0x1080, s26  }
0x47: {  	[spmem:s3] =	stream.indirect.scatter.add.f32 [tilespmem:s19], [sflag:$0x3], $0x80, s26, s16, $0xb8;
	[tilespmem:$0x1DC00] =	vst v63  }
0x48: {  	_ =	swait.ge [sflag:s14], $0x4000  }
0x49: {  	[sflag:s14] =	ssyncset.done $0x0  }
0x4a: {  	[sflag:s14] =	ssyncadd.s32 $0xFFFFC000  }
0x4b: {  	_ =	swait.ge [sflag:s18], $0x4000  }
0x4c: {  	[sflag:s18] =	ssyncset.done $0x0  }
0x4d: {  	[sflag:s18] =	ssyncadd.s32 $0xFFFFC000  }
0x4e: {  	[tilespmem:s19], [sflag:$0x2] =	stream.indirect.gather [hbm4b:s2+s16], $0x80, s21, s16, $0xb8;
	[tilespmem:$0x1DC00] =	vst v63  }
0x4f: {  	_ = 	snop  }
0x50: {  	[spmem:s3] =	stream.indirect.scatter.add.f32 [tilespmem:s17], [sflag:$0x3], $0x80, s22, s16, $0xb8;
	[tilespmem:$0x1DC00] =	vst v63  }
0x51: {  	_ =	swait.ge [sflag:s14], $0x4000  }
0x52: {  	[sflag:s14] =	ssyncset.done $0x0  }
0x53: {  	[sflag:s14] =	ssyncadd.s32 $0xFFFFC000  }
0x54: {  	s24 =	sadd.s32 $0x1, s24;
	_ =	swait.ge [sflag:s20], $0x4000  }
0x55: {  	p0 =	sne.s32 s24, $0x5;
	[sflag:s20] =	ssyncset.done $0x0  }
.Ltmp1:
0x56: {  	[sflag:s20] =	ssyncadd.s32 $0xFFFFC000;
	(pc) =	sbr.rel @p0 .LBB2_2-.Ltmp1, $4  }
0x57: {  	[spmem:s3] =	stream.indirect.scatter.add.f32 [tilespmem:s19], [sflag:$0x3], $0x80, s23, s16, $0xb8;
	[tilespmem:$0x1DC00] =	vst v63  }
0x58: {  	_ =	swait.ge [sflag:s14], $0x4000  }
0x59: {  	[sflag:s14] =	ssyncset.done $0x0  }
0x5a: {  	[sflag:s14] =	ssyncadd.s32 $0xFFFFC000  }
0x5b: {  	s4 =	sadd.s32 $0x1, s4  }
0x5c: {  	p0 =	sne.s32 s4, s12  }
.Ltmp2:
0x5d: {  	[bflag:$0x0] =	sbarrier.arrive $0xFFFF;
	(pc) =	sbr.rel @p0 .LBB2_1-.Ltmp2, $4  }
0x5e: {  	[hbm:s11], [sflag:s9] =	dma.local [spmem:s13], $0x2780  }
0x5f: {  	_ =	swait.ge [sflag:s14], $0x2780  }
0x60: {  	[sflag:s14] =	ssyncset.done $0x0  }
0x61: {  	[sflag:s14] =	ssyncadd.s32 $0xFFFFD880  }
0x62: {  	_ =	sfence.sel $0x180000  }
0x63: {  	[bflag:$0x0] =	sbarrier.arrive $0xFFFF  }
0x64: {  	p0 =	sne.s32 s1, $0x0;
	_ =	strace $0x9000004D  }
0x65: {  	s0 =	sadd.s32 @!p0 $0x100000, s0;
	[bflag:$0x2] =	sbarrier.arrive $0xFFFF  }
0x66: {  	[sflag:s0] =	ssyncadd.tile.s32 @!p0 $0x1;
	_ =	shalt  }
.Lfunc_end2:
_tile_overlayer_lowered:
.L_overlay_start_2:
0x67: {  	(tag) =	ssettag $0x2  }
0x68: {  	s0 =	rddreg [dreg:$0x0];
	s2 =	stileid.u32  }
0x69: {  	s1 =	rddreg [dreg:$0x1];
	p0 =	sne.s32 s2, $0x0  }
0x6a: {  	s3 =	rddreg [dreg:$0x2];
	[bflag:$0x3] =	sbarrier.arrive $0xFFFF;
	s2 =	simm.s32 @!p0 $0x1C03  }
0x6b: {  	[timem:s3], [sflag:s2] =	dma.local @!p0 [hbm:s0], s1  }
0x6c: {  	s0 =	simm.s32 @!p0 $0x3  }
0x6d: {  	_ =	swait.ge @!p0 [sflag:s0], s1  }
0x6e: {  	s1 =	ssub.s32 @!p0 $0x0, s1;
	[sflag:s0] =	ssyncset.done @!p0 $0x0  }
0x6f: {  	[sflag:s0] =	ssyncadd.s32 @!p0 s1  }
0x70: {  	[bflag:$0x3] =	sbarrier.arrive $0xFFFF  }
0x71: {  	_ =	shalt  }

</sc_bundles>
